<compile_context>
chip_gen: v7x
topology: tpu7x:2x2x1
jax: 0.10.2.dev20260603
libtpu: 0.0.44.dev20260713+nightly
codegen_flags: <defaults>
</compile_context>

<pallas_src>
import functools

import jax
import jax.numpy as jnp
from jax import lax
from jax.experimental import pallas as pl
from jax.experimental.pallas import tpu as pltpu
from jax.experimental.pallas import tpu_sc as plsc

NTOKEN = 100000
INPUT_DIM = 128
OUTPUT_DIM = 8
B = 4096
L = 50

NTOKEN_PAD = 100352

_ROWS_PER_BLK = 12544
_N_BLKS = NTOKEN_PAD // _ROWS_PER_BLK
_PACK = 128 // OUTPUT_DIM


def _fold_body(m_ref, w_ref, b_ref, o_ref):
    r = (
        jax.lax.dot_general(
            m_ref[...],
            w_ref[...],
            (((1,), (1,)), ((), ())),
            preferred_element_type=jnp.float32,
        )
        + b_ref[...]
    )
    r3 = r.reshape(_ROWS_PER_BLK // _PACK, _PACK, OUTPUT_DIM)
    o_ref[...] = jnp.concatenate(
        [r3[:, a, :] for a in range(_PACK)], axis=1
    )


def _fold_table(m, w1, b1row):
    return pl.pallas_call(
        _fold_body,
        grid=(_N_BLKS,),
        in_specs=[
            pl.BlockSpec((_ROWS_PER_BLK, INPUT_DIM), lambda i: (i, 0)),
            pl.BlockSpec((OUTPUT_DIM, INPUT_DIM), lambda i: (0, 0)),
            pl.BlockSpec((1, OUTPUT_DIM), lambda i: (0, 0)),
        ],
        out_specs=pl.BlockSpec((_ROWS_PER_BLK // _PACK, 128), lambda i: (i, 0)),
        out_shape=jax.ShapeDtypeStruct((NTOKEN_PAD // _PACK, 128), jnp.float32),
    )(m, w1, b1row)


_NC, _NS = 2, 16
_NW = _NC * _NS
_ROWS_W = B // _NW

_sc_mesh = plsc.VectorSubcoreMesh(core_axis_name="c", subcore_axis_name="s")


_LANES = 16


@functools.partial(
    pl.kernel,
    mesh=_sc_mesh,
    compiler_params=pltpu.CompilerParams(
        use_tc_tiling_on_sc=False, needs_layout_passes=False
    ),
    out_type=jax.ShapeDtypeStruct((L, _NW, OUTPUT_DIM, _ROWS_W), jnp.float32),
    scratch_types=[
        pltpu.VMEM((_ROWS_W, L), jnp.int32),
        pltpu.VMEM((L, _ROWS_W), jnp.int32),
        pltpu.VMEM((L, _ROWS_W, OUTPUT_DIM), jnp.float32),
        pltpu.VMEM((L, OUTPUT_DIM, _ROWS_W), jnp.float32),
        pltpu.SemaphoreType.DMA,
    ],
)
def _gather(table_hbm, idx_hbm, out_hbm, idx_v, idx_t, rows_v, out_v, sem):
    wid = lax.axis_index("s") * _NC + lax.axis_index("c")
    base = wid * _ROWS_W
    pltpu.sync_copy(idx_hbm.at[pl.ds(base, _ROWS_W)], idx_v)

    lane = lax.iota(jnp.int32, _LANES)

    @plsc.parallel_loop(0, L)
    def tr_idx(j):
        col = jnp.full((_LANES,), j, dtype=jnp.int32)
        for blk in range(_ROWS_W // _LANES):
            row = lane + blk * _LANES
            v = plsc.load_gather(idx_v, [row, col])
            idx_t[j, pl.ds(blk * _LANES, _LANES)] = v

    def fire(j, carry):
        pltpu.async_copy(table_hbm.at[idx_t.at[j]], rows_v.at[j], sem)
        return carry

    lax.fori_loop(0, L, fire, 0)

    def wait_all(j, carry):
        pltpu.make_async_copy(
            table_hbm.at[idx_t.at[j]], rows_v.at[j], sem
        ).wait()
        return carry

    lax.fori_loop(0, L, wait_all, 0)

    @plsc.parallel_loop(0, L)
    def tr_rows(j):
        row_j = jnp.full((_LANES,), j, dtype=jnp.int32)
        for blk in range(_ROWS_W // _LANES):
            il = lane + blk * _LANES
            for k in range(OUTPUT_DIM):
                col = jnp.full((_LANES,), k, dtype=jnp.int32)
                v = plsc.load_gather(rows_v, [row_j, il, col])
                out_v[j, k, pl.ds(blk * _LANES, _LANES)] = v

    pltpu.sync_copy(out_v, out_hbm.at[:, wid])


def kernel(input, timestamp, train, user_repost_matrix, W1, b1):
    packed = _fold_table(user_repost_matrix, W1, b1.reshape(1, OUTPUT_DIM))
    table = packed.reshape(NTOKEN_PAD, OUTPUT_DIM)
    out4 = _gather(table, input)
    return out4.transpose(1, 3, 0, 2).reshape(B, L, OUTPUT_DIM)

# --- scband reference (transcript-rebuilt; emitter-appended) ---
"""Pipeline reference for scband-item-encoder-70755291234310 (READ-ONLY COPY).

The authoritative reference and input builder live on the scoring server;
editing this copy changes nothing except your own understanding.
"""

import jax, jax.numpy as jnp
import numpy as np

NTOKEN = 100000
INPUT_DIM = 128
OUTPUT_DIM = 8
B = 4096
L = 50


def setup_inputs(seed: int = 0) -> dict:
    key = jax.random.key(seed)
    k1, k2, k3, k4 = jax.random.split(key, 4)
    inp = jax.random.randint(k1, (B, L), 0, NTOKEN, dtype=jnp.int32)
    timestamp = jax.random.randint(k2, (B, L), 0, 1000000, dtype=jnp.int32)
    train = 1
    # binary user->item repost matrix (buffer), ~1% density like real repost logs
    user_repost_matrix = (jax.random.uniform(k3, (NTOKEN, INPUT_DIM)) < 0.01).astype(jnp.float32)
    # xavier-normal init for linear_1
    std = (2.0 / (INPUT_DIM + OUTPUT_DIM)) ** 0.5
    W1 = jax.random.normal(k4, (OUTPUT_DIM, INPUT_DIM), dtype=jnp.float32) * std
    b1 = jnp.zeros((OUTPUT_DIM,), dtype=jnp.float32)
    return {"input": inp, "timestamp": timestamp, "train": train,
            "user_repost_matrix": user_repost_matrix, "W1": W1, "b1": b1}


def reference(input, timestamp, train, user_repost_matrix, W1, b1):
    # Original: one-hot(input) scatter over ntoken, then einsum('bt,td->bd', one_hot, M).
    # That composition is mathematically exactly a row-gather M[input], which is the
    # SparseCore-mapped primitive.
    batch_size, max_len = input.shape
    flat = input.reshape(-1)  # [B*L]
    user_item = jnp.take(user_repost_matrix, flat, axis=0)  # [B*L, input_dim]
    hist = user_item @ W1.T + b1  # linear_1
    return hist.reshape(batch_size, max_len, OUTPUT_DIM)

if __name__ == "__main__":
    import jax
    _d = setup_inputs()
    print(jax.jit(kernel)(*tuple(_d.values())))

</pallas_src>

<mosaic_0001>
#map = affine_map<(d0, d1) -> (0, 0)>
#map1 = affine_map<(d0, d1) -> (0, 0, 0, 0)>
module attributes {stable_mosaic.version = 14 : i64} {
  func.func @_gather(%arg0: i32, %arg1: i32, %arg2: memref<100352x8xf32, #tpu.memory_space<hbm>>, %arg3: memref<4096x50xi32, #tpu.memory_space<hbm>>, %arg4: memref<50x32x8x128xf32, #tpu.memory_space<hbm>>, %arg5: memref<128x50xi32, #tpu.memory_space<vmem>>, %arg6: memref<50x128xi32, #tpu.memory_space<vmem>>, %arg7: memref<50x128x8xf32, #tpu.memory_space<vmem>>, %arg8: memref<50x8x128xf32, #tpu.memory_space<vmem>>, %arg9: memref<!tpu.dma_semaphore, #tpu.memory_space<semaphore_mem>>) attributes {dimension_semantics = [#tpu.dimension_semantics<core_parallel>, #tpu.dimension_semantics<subcore_parallel>], iteration_bounds = array<i64: 2, 16>, scalar_prefetch = 0 : i64, scratch_operands = 5 : i64, tpu.core_type = #tpu.core_type<sc_vector_subcore>, window_params = [{transform_indices = #map}, {transform_indices = #map}, {transform_indices = #map1}]} {
    %mul3A = arith.constant 2 : i32
    %mul3A_0 = arith.muli %arg1, %mul3A : i32
    %add3A = arith.addi %mul3A_0, %arg0 : i32
    %mul3A_1 = arith.constant 128 : i32
    %mul3A_2 = arith.muli %add3A, %mul3A_1 : i32
    "tpu.region"() ({
      %run_scoped3A = tpu.sem_alloc : memref<!tpu.dma_semaphore, #tpu.memory_space<semaphore_mem>>
      %dma_start3A = arith.constant 0 : i32
      %dma_start3A_19 = tpu.memref_slice %arg3[%mul3A_2, %dma_start3A] : memref<4096x50xi32, #tpu.memory_space<hbm>> -> memref<128x50xi32, #tpu.memory_space<hbm>>
      %dma_start3A_20 = arith.constant 0 : i32
      %dma_start3A_21 = tpu.memref_slice %arg3[%mul3A_2, %dma_start3A_20] : memref<4096x50xi32, #tpu.memory_space<hbm>> -> memref<128x50xi32, #tpu.memory_space<hbm>>
      tpu.enqueue_dma source(%dma_start3A_21 : memref<128x50xi32, #tpu.memory_space<hbm>>) target(%arg5 : memref<128x50xi32, #tpu.memory_space<vmem>>) target_semaphore(%run_scoped3A : memref<!tpu.dma_semaphore, #tpu.memory_space<semaphore_mem>>)
      %dma_wait3A = arith.constant 0 : i32
      %dma_wait3A_22 = tpu.memref_slice %arg3[%mul3A_2, %dma_wait3A] : memref<4096x50xi32, #tpu.memory_space<hbm>> -> memref<128x50xi32, #tpu.memory_space<hbm>>
      %dma_wait3A_23 = arith.constant 0 : i32
      %dma_wait3A_24 = tpu.memref_slice %arg3[%mul3A_2, %dma_wait3A_23] : memref<4096x50xi32, #tpu.memory_space<hbm>> -> memref<128x50xi32, #tpu.memory_space<hbm>>
      tpu.wait_dma2 semaphore(%run_scoped3A : memref<!tpu.dma_semaphore, #tpu.memory_space<semaphore_mem>>) src(%dma_wait3A_24 : memref<128x50xi32, #tpu.memory_space<hbm>>) dst(%arg5 : memref<128x50xi32, #tpu.memory_space<vmem>>)
      tpu.yield
    }) : () -> ()
    %iota3A = tpu.iota {dimensions = array<i32: 0>} : vector<16xi32>
    %parallel_loop3A = arith.constant 0 : i32
    %parallel_loop3A_3 = arith.constant 50 : i32
    %parallel_loop3A_4 = arith.constant 1 : i32
    scf.for %parallel_loop3A_19 = %parallel_loop3A to %parallel_loop3A_3 step %parallel_loop3A_4  : i32 {
      %parallel_loop3A_20 = vector.broadcast %parallel_loop3A_19 : i32 to vector<16xi32>
      %parallel_loop3A_21 = arith.constant 0 : i32
      %parallel_loop3A_22 = vector.broadcast %parallel_loop3A_21 : i32 to vector<16xi32>
      %parallel_loop3A_23 = arith.addi %iota3A, %parallel_loop3A_22 : vector<16xi32>
      %parallel_loop3A_24 = tpu.vector_load_idx %arg5[%parallel_loop3A_23, %parallel_loop3A_20] : memref<128x50xi32, #tpu.memory_space<vmem>>[vector<16xi32>, vector<16xi32>], vector<16xi32>,
      %parallel_loop3A_25 = arith.index_cast %parallel_loop3A_19 : i32 to index
      %parallel_loop3A_26 = arith.constant 0 : index
      %parallel_loop3A_27 = tpu.vector_load %arg6[%parallel_loop3A_25, %parallel_loop3A_26] {strides = array<i32>} : memref<50x128xi32, #tpu.memory_space<vmem>>, vector<16xi32>,
      tpu.vector_store %arg6[%parallel_loop3A_25, %parallel_loop3A_26], %parallel_loop3A_24 {strides = array<i32>} : memref<50x128xi32, #tpu.memory_space<vmem>>, vector<16xi32>,
      %parallel_loop3A_28 = arith.constant 16 : i32
      %parallel_loop3A_29 = vector.broadcast %parallel_loop3A_28 : i32 to vector<16xi32>
      %parallel_loop3A_30 = arith.addi %iota3A, %parallel_loop3A_29 : vector<16xi32>
      %parallel_loop3A_31 = tpu.vector_load_idx %arg5[%parallel_loop3A_30, %parallel_loop3A_20] : memref<128x50xi32, #tpu.memory_space<vmem>>[vector<16xi32>, vector<16xi32>], vector<16xi32>,
      %parallel_loop3A_32 = arith.index_cast %parallel_loop3A_19 : i32 to index
      %parallel_loop3A_33 = arith.constant 16 : index
      %parallel_loop3A_34 = tpu.vector_load %arg6[%parallel_loop3A_32, %parallel_loop3A_33] {strides = array<i32>} : memref<50x128xi32, #tpu.memory_space<vmem>>, vector<16xi32>,
      tpu.vector_store %arg6[%parallel_loop3A_32, %parallel_loop3A_33], %parallel_loop3A_31 {strides = array<i32>} : memref<50x128xi32, #tpu.memory_space<vmem>>, vector<16xi32>,
      %parallel_loop3A_35 = arith.constant 32 : i32
      %parallel_loop3A_36 = vector.broadcast %parallel_loop3A_35 : i32 to vector<16xi32>
      %parallel_loop3A_37 = arith.addi %iota3A, %parallel_loop3A_36 : vector<16xi32>
      %parallel_loop3A_38 = tpu.vector_load_idx %arg5[%parallel_loop3A_37, %parallel_loop3A_20] : memref<128x50xi32, #tpu.memory_space<vmem>>[vector<16xi32>, vector<16xi32>], vector<16xi32>,
      %parallel_loop3A_39 = arith.index_cast %parallel_loop3A_19 : i32 to index
      %parallel_loop3A_40 = arith.constant 32 : index
      %parallel_loop3A_41 = tpu.vector_load %arg6[%parallel_loop3A_39, %parallel_loop3A_40] {strides = array<i32>} : memref<50x128xi32, #tpu.memory_space<vmem>>, vector<16xi32>,
      tpu.vector_store %arg6[%parallel_loop3A_39, %parallel_loop3A_40], %parallel_loop3A_38 {strides = array<i32>} : memref<50x128xi32, #tpu.memory_space<vmem>>, vector<16xi32>,
      %parallel_loop3A_42 = arith.constant 48 : i32
      %parallel_loop3A_43 = vector.broadcast %parallel_loop3A_42 : i32 to vector<16xi32>
      %parallel_loop3A_44 = arith.addi %iota3A, %parallel_loop3A_43 : vector<16xi32>
      %parallel_loop3A_45 = tpu.vector_load_idx %arg5[%parallel_loop3A_44, %parallel_loop3A_20] : memref<128x50xi32, #tpu.memory_space<vmem>>[vector<16xi32>, vector<16xi32>], vector<16xi32>,
      %parallel_loop3A_46 = arith.index_cast %parallel_loop3A_19 : i32 to index
      %parallel_loop3A_47 = arith.constant 48 : index
      %parallel_loop3A_48 = tpu.vector_load %arg6[%parallel_loop3A_46, %parallel_loop3A_47] {strides = array<i32>} : memref<50x128xi32, #tpu.memory_space<vmem>>, vector<16xi32>,
      tpu.vector_store %arg6[%parallel_loop3A_46, %parallel_loop3A_47], %parallel_loop3A_45 {strides = array<i32>} : memref<50x128xi32, #tpu.memory_space<vmem>>, vector<16xi32>,
      %parallel_loop3A_49 = arith.constant 64 : i32
      %parallel_loop3A_50 = vector.broadcast %parallel_loop3A_49 : i32 to vector<16xi32>
      %parallel_loop3A_51 = arith.addi %iota3A, %parallel_loop3A_50 : vector<16xi32>
      %parallel_loop3A_52 = tpu.vector_load_idx %arg5[%parallel_loop3A_51, %parallel_loop3A_20] : memref<128x50xi32, #tpu.memory_space<vmem>>[vector<16xi32>, vector<16xi32>], vector<16xi32>,
      %parallel_loop3A_53 = arith.index_cast %parallel_loop3A_19 : i32 to index
      %parallel_loop3A_54 = arith.constant 64 : index
      %parallel_loop3A_55 = tpu.vector_load %arg6[%parallel_loop3A_53, %parallel_loop3A_54] {strides = array<i32>} : memref<50x128xi32, #tpu.memory_space<vmem>>, vector<16xi32>,
      tpu.vector_store %arg6[%parallel_loop3A_53, %parallel_loop3A_54], %parallel_loop3A_52 {strides = array<i32>} : memref<50x128xi32, #tpu.memory_space<vmem>>, vector<16xi32>,
      %parallel_loop3A_56 = arith.constant 80 : i32
      %parallel_loop3A_57 = vector.broadcast %parallel_loop3A_56 : i32 to vector<16xi32>
      %parallel_loop3A_58 = arith.addi %iota3A, %parallel_loop3A_57 : vector<16xi32>
      %parallel_loop3A_59 = tpu.vector_load_idx %arg5[%parallel_loop3A_58, %parallel_loop3A_20] : memref<128x50xi32, #tpu.memory_space<vmem>>[vector<16xi32>, vector<16xi32>], vector<16xi32>,
      %parallel_loop3A_60 = arith.index_cast %parallel_loop3A_19 : i32 to index
      %parallel_loop3A_61 = arith.constant 80 : index
      %parallel_loop3A_62 = tpu.vector_load %arg6[%parallel_loop3A_60, %parallel_loop3A_61] {strides = array<i32>} : memref<50x128xi32, #tpu.memory_space<vmem>>, vector<16xi32>,
      tpu.vector_store %arg6[%parallel_loop3A_60, %parallel_loop3A_61], %parallel_loop3A_59 {strides = array<i32>} : memref<50x128xi32, #tpu.memory_space<vmem>>, vector<16xi32>,
      %parallel_loop3A_63 = arith.constant 96 : i32
      %parallel_loop3A_64 = vector.broadcast %parallel_loop3A_63 : i32 to vector<16xi32>
      %parallel_loop3A_65 = arith.addi %iota3A, %parallel_loop3A_64 : vector<16xi32>
      %parallel_loop3A_66 = tpu.vector_load_idx %arg5[%parallel_loop3A_65, %parallel_loop3A_20] : memref<128x50xi32, #tpu.memory_space<vmem>>[vector<16xi32>, vector<16xi32>], vector<16xi32>,
      %parallel_loop3A_67 = arith.index_cast %parallel_loop3A_19 : i32 to index
      %parallel_loop3A_68 = arith.constant 96 : index
      %parallel_loop3A_69 = tpu.vector_load %arg6[%parallel_loop3A_67, %parallel_loop3A_68] {strides = array<i32>} : memref<50x128xi32, #tpu.memory_space<vmem>>, vector<16xi32>,
      tpu.vector_store %arg6[%parallel_loop3A_67, %parallel_loop3A_68], %parallel_loop3A_66 {strides = array<i32>} : memref<50x128xi32, #tpu.memory_space<vmem>>, vector<16xi32>,
      %parallel_loop3A_70 = arith.constant 112 : i32
      %parallel_loop3A_71 = vector.broadcast %parallel_loop3A_70 : i32 to vector<16xi32>
      %parallel_loop3A_72 = arith.addi %iota3A, %parallel_loop3A_71 : vector<16xi32>
      %parallel_loop3A_73 = tpu.vector_load_idx %arg5[%parallel_loop3A_72, %parallel_loop3A_20] : memref<128x50xi32, #tpu.memory_space<vmem>>[vector<16xi32>, vector<16xi32>], vector<16xi32>,
      %parallel_loop3A_74 = arith.index_cast %parallel_loop3A_19 : i32 to index
      %parallel_loop3A_75 = arith.constant 112 : index
      %parallel_loop3A_76 = tpu.vector_load %arg6[%parallel_loop3A_74, %parallel_loop3A_75] {strides = array<i32>} : memref<50x128xi32, #tpu.memory_space<vmem>>, vector<16xi32>,
      tpu.vector_store %arg6[%parallel_loop3A_74, %parallel_loop3A_75], %parallel_loop3A_73 {strides = array<i32>} : memref<50x128xi32, #tpu.memory_space<vmem>>, vector<16xi32>,
    } {sc.loop_unroll_factor = 1 : i64, sc.parallel_access}
    %scan3A = arith.constant 0 : i32
    %scan3A_5 = arith.constant 0 : i32
    %scan3A_6 = arith.constant 50 : i32
    %scan3A_7 = arith.addi %scan3A_5, %scan3A_6 : i32
    %scan3A_8 = arith.constant 1 : i32
    scf.for %scan3A_19 = %scan3A_5 to %scan3A_7 step %scan3A_8  : i32 {
      %dma_start3A = arith.constant 0 : i32
      %dma_start3A_20 = arith.constant 0 : i32
      %dma_start3A_21 = tpu.memref_slice %arg7[%scan3A_19, %dma_start3A, %dma_start3A_20] : memref<50x128x8xf32, #tpu.memory_space<vmem>> -> memref<1x128x8xf32, #tpu.memory_space<vmem>>
      %dma_start3A_22 = tpu.memref_squeeze %dma_start3A_21 : memref<1x128x8xf32, #tpu.memory_space<vmem>> -> memref<128x8xf32, #tpu.memory_space<vmem>>
      %dma_start3A_23 = arith.constant 0 : i32
      %dma_start3A_24 = tpu.memref_slice %arg6[%scan3A_19, %dma_start3A_23] : memref<50x128xi32, #tpu.memory_space<vmem>> -> memref<1x128xi32, #tpu.memory_space<vmem>>
      %dma_start3A_25 = tpu.memref_squeeze %dma_start3A_24 : memref<1x128xi32, #tpu.memory_space<vmem>> -> memref<128xi32, #tpu.memory_space<vmem>>
      %dma_start3A_26 = arith.constant 0 : i32
      %dma_start3A_27 = arith.constant 0 : i32
      %dma_start3A_28 = tpu.memref_slice %arg2[%dma_start3A_26, %dma_start3A_27] : memref<100352x8xf32, #tpu.memory_space<hbm>> -> memref<100352x8xf32, #tpu.memory_space<hbm>>
      tpu.enqueue_indirect_dma source(%dma_start3A_28 : memref<100352x8xf32, #tpu.memory_space<hbm>>) target(%dma_start3A_22 : memref<128x8xf32, #tpu.memory_space<vmem>>) offsets(%dma_start3A_25 : memref<128xi32, #tpu.memory_space<vmem>>) semaphore(%arg9 : memref<!tpu.dma_semaphore, #tpu.memory_space<semaphore_mem>>)
    }
    %scan3A_9 = arith.constant 50 : i32
    %scan3A_10 = arith.constant 0 : i32
    %scan3A_11 = arith.constant 0 : i32
    %scan3A_12 = arith.constant 50 : i32
    %scan3A_13 = arith.addi %scan3A_11, %scan3A_12 : i32
    %scan3A_14 = arith.constant 1 : i32
    scf.for %scan3A_19 = %scan3A_11 to %scan3A_13 step %scan3A_14  : i32 {
      %dma_wait3A = arith.constant 0 : i32
      %dma_wait3A_20 = arith.constant 0 : i32
      %dma_wait3A_21 = tpu.memref_slice %arg7[%scan3A_19, %dma_wait3A, %dma_wait3A_20] : memref<50x128x8xf32, #tpu.memory_space<vmem>> -> memref<1x128x8xf32, #tpu.memory_space<vmem>>
      %dma_wait3A_22 = tpu.memref_squeeze %dma_wait3A_21 : memref<1x128x8xf32, #tpu.memory_space<vmem>> -> memref<128x8xf32, #tpu.memory_space<vmem>>
      %dma_wait3A_23 = arith.constant 0 : i32
      %dma_wait3A_24 = tpu.memref_slice %arg6[%scan3A_19, %dma_wait3A_23] : memref<50x128xi32, #tpu.memory_space<vmem>> -> memref<1x128xi32, #tpu.memory_space<vmem>>
      %dma_wait3A_25 = tpu.memref_squeeze %dma_wait3A_24 : memref<1x128xi32, #tpu.memory_space<vmem>> -> memref<128xi32, #tpu.memory_space<vmem>>
      %dma_wait3A_26 = arith.constant 0 : i32
      %dma_wait3A_27 = arith.constant 0 : i32
      %dma_wait3A_28 = tpu.memref_slice %arg2[%dma_wait3A_26, %dma_wait3A_27] : memref<100352x8xf32, #tpu.memory_space<hbm>> -> memref<100352x8xf32, #tpu.memory_space<hbm>>
      tpu.wait_indirect_dma semaphore(%arg9 : memref<!tpu.dma_semaphore, #tpu.memory_space<semaphore_mem>>) src(%dma_wait3A_28 : memref<100352x8xf32, #tpu.memory_space<hbm>>) dst(%dma_wait3A_22 : memref<128x8xf32, #tpu.memory_space<vmem>>)
    }
    %scan3A_15 = arith.constant 50 : i32
    %parallel_loop3A_16 = arith.constant 0 : i32
    %parallel_loop3A_17 = arith.constant 50 : i32
    %parallel_loop3A_18 = arith.constant 1 : i32
    scf.for %parallel_loop3A_19 = %parallel_loop3A_16 to %parallel_loop3A_17 step %parallel_loop3A_18  : i32 {
      %parallel_loop3A_20 = vector.broadcast %parallel_loop3A_19 : i32 to vector<16xi32>
      %parallel_loop3A_21 = arith.constant 0 : i32
      %parallel_loop3A_22 = vector.broadcast %parallel_loop3A_21 : i32 to vector<16xi32>
      %parallel_loop3A_23 = arith.addi %iota3A, %parallel_loop3A_22 : vector<16xi32>
      %parallel_loop3A_24 = arith.constant 0 : i32
      %parallel_loop3A_25 = vector.broadcast %parallel_loop3A_24 : i32 to vector<16xi32>
      %parallel_loop3A_26 = tpu.vector_load_idx %arg7[%parallel_loop3A_20, %parallel_loop3A_23, %parallel_loop3A_25] : memref<50x128x8xf32, #tpu.memory_space<vmem>>[vector<16xi32>, vector<16xi32>, vector<16xi32>], vector<16xf32>,
      %parallel_loop3A_27 = arith.constant 0 : i32
      %parallel_loop3A_28 = arith.index_cast %parallel_loop3A_19 : i32 to index
      %parallel_loop3A_29 = arith.index_cast %parallel_loop3A_27 : i32 to index
      %parallel_loop3A_30 = arith.constant 0 : index
      %parallel_loop3A_31 = tpu.vector_load %arg8[%parallel_loop3A_28, %parallel_loop3A_29, %parallel_loop3A_30] {strides = array<i32>} : memref<50x8x128xf32, #tpu.memory_space<vmem>>, vector<16xf32>,
      tpu.vector_store %arg8[%parallel_loop3A_28, %parallel_loop3A_29, %parallel_loop3A_30], %parallel_loop3A_26 {strides = array<i32>} : memref<50x8x128xf32, #tpu.memory_space<vmem>>, vector<16xf32>,
      %parallel_loop3A_32 = arith.constant 1 : i32
      %parallel_loop3A_33 = vector.broadcast %parallel_loop3A_32 : i32 to vector<16xi32>
      %parallel_loop3A_34 = tpu.vector_load_idx %arg7[%parallel_loop3A_20, %parallel_loop3A_23, %parallel_loop3A_33] : memref<50x128x8xf32, #tpu.memory_space<vmem>>[vector<16xi32>, vector<16xi32>, vector<16xi32>], vector<16xf32>,
      %parallel_loop3A_35 = arith.constant 1 : i32
      %parallel_loop3A_36 = arith.index_cast %parallel_loop3A_19 : i32 to index
      %parallel_loop3A_37 = arith.index_cast %parallel_loop3A_35 : i32 to index
      %parallel_loop3A_38 = arith.constant 0 : index
      %parallel_loop3A_39 = tpu.vector_load %arg8[%parallel_loop3A_36, %parallel_loop3A_37, %parallel_loop3A_38] {strides = array<i32>} : memref<50x8x128xf32, #tpu.memory_space<vmem>>, vector<16xf32>,
      tpu.vector_store %arg8[%parallel_loop3A_36, %parallel_loop3A_37, %parallel_loop3A_38], %parallel_loop3A_34 {strides = array<i32>} : memref<50x8x128xf32, #tpu.memory_space<vmem>>, vector<16xf32>,
      %parallel_loop3A_40 = arith.constant 2 : i32
      %parallel_loop3A_41 = vector.broadcast %parallel_loop3A_40 : i32 to vector<16xi32>
      %parallel_loop3A_42 = tpu.vector_load_idx %arg7[%parallel_loop3A_20, %parallel_loop3A_23, %parallel_loop3A_41] : memref<50x128x8xf32, #tpu.memory_space<vmem>>[vector<16xi32>, vector<16xi32>, vector<16xi32>], vector<16xf32>,
      %parallel_loop3A_43 = arith.constant 2 : i32
      %parallel_loop3A_44 = arith.index_cast %parallel_loop3A_19 : i32 to index
      %parallel_loop3A_45 = arith.index_cast %parallel_loop3A_43 : i32 to index
      %parallel_loop3A_46 = arith.constant 0 : index
      %parallel_loop3A_47 = tpu.vector_load %arg8[%parallel_loop3A_44, %parallel_loop3A_45, %parallel_loop3A_46] {strides = array<i32>} : memref<50x8x128xf32, #tpu.memory_space<vmem>>, vector<16xf32>,
      tpu.vector_store %arg8[%parallel_loop3A_44, %parallel_loop3A_45, %parallel_loop3A_46], %parallel_loop3A_42 {strides = array<i32>} : memref<50x8x128xf32, #tpu.memory_space<vmem>>, vector<16xf32>,
      %parallel_loop3A_48 = arith.constant 3 : i32
      %parallel_loop3A_49 = vector.broadcast %parallel_loop3A_48 : i32 to vector<16xi32>
      %parallel_loop3A_50 = tpu.vector_load_idx %arg7[%parallel_loop3A_20, %parallel_loop3A_23, %parallel_loop3A_49] : memref<50x128x8xf32, #tpu.memory_space<vmem>>[vector<16xi32>, vector<16xi32>, vector<16xi32>], vector<16xf32>,
      %parallel_loop3A_51 = arith.constant 3 : i32
      %parallel_loop3A_52 = arith.index_cast %parallel_loop3A_19 : i32 to index
      %parallel_loop3A_53 = arith.index_cast %parallel_loop3A_51 : i32 to index
      %parallel_loop3A_54 = arith.constant 0 : index
      %parallel_loop3A_55 = tpu.vector_load %arg8[%parallel_loop3A_52, %parallel_loop3A_53, %parallel_loop3A_54] {strides = array<i32>} : memref<50x8x128xf32, #tpu.memory_space<vmem>>, vector<16xf32>,
      tpu.vector_store %arg8[%parallel_loop3A_52, %parallel_loop3A_53, %parallel_loop3A_54], %parallel_loop3A_50 {strides = array<i32>} : memref<50x8x128xf32, #tpu.memory_space<vmem>>, vector<16xf32>,
      %parallel_loop3A_56 = arith.constant 4 : i32
      %parallel_loop3A_57 = vector.broadcast %parallel_loop3A_56 : i32 to vector<16xi32>
      %parallel_loop3A_58 = tpu.vector_load_idx %arg7[%parallel_loop3A_20, %parallel_loop3A_23, %parallel_loop3A_57] : memref<50x128x8xf32, #tpu.memory_space<vmem>>[vector<16xi32>, vector<16xi32>, vector<16xi32>], vector<16xf32>,
      %parallel_loop3A_59 = arith.constant 4 : i32
      %parallel_loop3A_60 = arith.index_cast %parallel_loop3A_19 : i32 to index
      %parallel_loop3A_61 = arith.index_cast %parallel_loop3A_59 : i32 to index
      %parallel_loop3A_62 = arith.constant 0 : index
      %parallel_loop3A_63 = tpu.vector_load %arg8[%parallel_loop3A_60, %parallel_loop3A_61, %parallel_loop3A_62] {strides = array<i32>} : memref<50x8x128xf32, #tpu.memory_space<vmem>>, vector<16xf32>,
      tpu.vector_store %arg8[%parallel_loop3A_60, %parallel_loop3A_61, %parallel_loop3A_62], %parallel_loop3A_58 {strides = array<i32>} : memref<50x8x128xf32, #tpu.memory_space<vmem>>, vector<16xf32>,
      %parallel_loop3A_64 = arith.constant 5 : i32
      %parallel_loop3A_65 = vector.broadcast %parallel_loop3A_64 : i32 to vector<16xi32>
      %parallel_loop3A_66 = tpu.vector_load_idx %arg7[%parallel_loop3A_20, %parallel_loop3A_23, %parallel_loop3A_65] : memref<50x128x8xf32, #tpu.memory_space<vmem>>[vector<16xi32>, vector<16xi32>, vector<16xi32>], vector<16xf32>,
      %parallel_loop3A_67 = arith.constant 5 : i32
      %parallel_loop3A_68 = arith.index_cast %parallel_loop3A_19 : i32 to index
      %parallel_loop3A_69 = arith.index_cast %parallel_loop3A_67 : i32 to index
      %parallel_loop3A_70 = arith.constant 0 : index
      %parallel_loop3A_71 = tpu.vector_load %arg8[%parallel_loop3A_68, %parallel_loop3A_69, %parallel_loop3A_70] {strides = array<i32>} : memref<50x8x128xf32, #tpu.memory_space<vmem>>, vector<16xf32>,
      tpu.vector_store %arg8[%parallel_loop3A_68, %parallel_loop3A_69, %parallel_loop3A_70], %parallel_loop3A_66 {strides = array<i32>} : memref<50x8x128xf32, #tpu.memory_space<vmem>>, vector<16xf32>,
      %parallel_loop3A_72 = arith.constant 6 : i32
      %parallel_loop3A_73 = vector.broadcast %parallel_loop3A_72 : i32 to vector<16xi32>
      %parallel_loop3A_74 = tpu.vector_load_idx %arg7[%parallel_loop3A_20, %parallel_loop3A_23, %parallel_loop3A_73] : memref<50x128x8xf32, #tpu.memory_space<vmem>>[vector<16xi32>, vector<16xi32>, vector<16xi32>], vector<16xf32>,
      %parallel_loop3A_75 = arith.constant 6 : i32
      %parallel_loop3A_76 = arith.index_cast %parallel_loop3A_19 : i32 to index
      %parallel_loop3A_77 = arith.index_cast %parallel_loop3A_75 : i32 to index
      %parallel_loop3A_78 = arith.constant 0 : index
      %parallel_loop3A_79 = tpu.vector_load %arg8[%parallel_loop3A_76, %parallel_loop3A_77, %parallel_loop3A_78] {strides = array<i32>} : memref<50x8x128xf32, #tpu.memory_space<vmem>>, vector<16xf32>,
      tpu.vector_store %arg8[%parallel_loop3A_76, %parallel_loop3A_77, %parallel_loop3A_78], %parallel_loop3A_74 {strides = array<i32>} : memref<50x8x128xf32, #tpu.memory_space<vmem>>, vector<16xf32>,
      %parallel_loop3A_80 = arith.constant 7 : i32
      %parallel_loop3A_81 = vector.broadcast %parallel_loop3A_80 : i32 to vector<16xi32>
      %parallel_loop3A_82 = tpu.vector_load_idx %arg7[%parallel_loop3A_20, %parallel_loop3A_23, %parallel_loop3A_81] : memref<50x128x8xf32, #tpu.memory_space<vmem>>[vector<16xi32>, vector<16xi32>, vector<16xi32>], vector<16xf32>,
      %parallel_loop3A_83 = arith.constant 7 : i32
      %parallel_loop3A_84 = arith.index_cast %parallel_loop3A_19 : i32 to index
      %parallel_loop3A_85 = arith.index_cast %parallel_loop3A_83 : i32 to index
      %parallel_loop3A_86 = arith.constant 0 : index
      %parallel_loop3A_87 = tpu.vector_load %arg8[%parallel_loop3A_84, %parallel_loop3A_85, %parallel_loop3A_86] {strides = array<i32>} : memref<50x8x128xf32, #tpu.memory_space<vmem>>, vector<16xf32>,
      tpu.vector_store %arg8[%parallel_loop3A_84, %parallel_loop3A_85, %parallel_loop3A_86], %parallel_loop3A_82 {strides = array<i32>} : memref<50x8x128xf32, #tpu.memory_space<vmem>>, vector<16xf32>,
      %parallel_loop3A_88 = arith.constant 16 : i32
      %parallel_loop3A_89 = vector.broadcast %parallel_loop3A_88 : i32 to vector<16xi32>
      %parallel_loop3A_90 = arith.addi %iota3A, %parallel_loop3A_89 : vector<16xi32>
      %parallel_loop3A_91 = arith.constant 0 : i32
      %parallel_loop3A_92 = vector.broadcast %parallel_loop3A_91 : i32 to vector<16xi32>
      %parallel_loop3A_93 = tpu.vector_load_idx %arg7[%parallel_loop3A_20, %parallel_loop3A_90, %parallel_loop3A_92] : memref<50x128x8xf32, #tpu.memory_space<vmem>>[vector<16xi32>, vector<16xi32>, vector<16xi32>], vector<16xf32>,
      %parallel_loop3A_94 = arith.constant 0 : i32
      %parallel_loop3A_95 = arith.index_cast %parallel_loop3A_19 : i32 to index
      %parallel_loop3A_96 = arith.index_cast %parallel_loop3A_94 : i32 to index
      %parallel_loop3A_97 = arith.constant 16 : index
      %parallel_loop3A_98 = tpu.vector_load %arg8[%parallel_loop3A_95, %parallel_loop3A_96, %parallel_loop3A_97] {strides = array<i32>} : memref<50x8x128xf32, #tpu.memory_space<vmem>>, vector<16xf32>,
      tpu.vector_store %arg8[%parallel_loop3A_95, %parallel_loop3A_96, %parallel_loop3A_97], %parallel_loop3A_93 {strides = array<i32>} : memref<50x8x128xf32, #tpu.memory_space<vmem>>, vector<16xf32>,
      %parallel_loop3A_99 = arith.constant 1 : i32
      %parallel_loop3A_100 = vector.broadcast %parallel_loop3A_99 : i32 to vector<16xi32>
      %parallel_loop3A_101 = tpu.vector_load_idx %arg7[%parallel_loop3A_20, %parallel_loop3A_90, %parallel_loop3A_100] : memref<50x128x8xf32, #tpu.memory_space<vmem>>[vector<16xi32>, vector<16xi32>, vector<16xi32>], vector<16xf32>,
      %parallel_loop3A_102 = arith.constant 1 : i32
      %parallel_loop3A_103 = arith.index_cast %parallel_loop3A_19 : i32 to index
      %parallel_loop3A_104 = arith.index_cast %parallel_loop3A_102 : i32 to index
      %parallel_loop3A_105 = arith.constant 16 : index
      %parallel_loop3A_106 = tpu.vector_load %arg8[%parallel_loop3A_103, %parallel_loop3A_104, %parallel_loop3A_105] {strides = array<i32>} : memref<50x8x128xf32, #tpu.memory_space<vmem>>, vector<16xf32>,
      tpu.vector_store %arg8[%parallel_loop3A_103, %parallel_loop3A_104, %parallel_loop3A_105], %parallel_loop3A_101 {strides = array<i32>} : memref<50x8x128xf32, #tpu.memory_space<vmem>>, vector<16xf32>,
      %parallel_loop3A_107 = arith.constant 2 : i32
      %parallel_loop3A_108 = vector.broadcast %parallel_loop3A_107 : i32 to vector<16xi32>
      %parallel_loop3A_109 = tpu.vector_load_idx %arg7[%parallel_loop3A_20, %parallel_loop3A_90, %parallel_loop3A_108] : memref<50x128x8xf32, #tpu.memory_space<vmem>>[vector<16xi32>, vector<16xi32>, vector<16xi32>], vector<16xf32>,
      %parallel_loop3A_110 = arith.constant 2 : i32
      %parallel_loop3A_111 = arith.index_cast %parallel_loop3A_19 : i32 to index
      %parallel_loop3A_112 = arith.index_cast %parallel_loop3A_110 : i32 to index
      %parallel_loop3A_113 = arith.constant 16 : index
      %parallel_loop3A_114 = tpu.vector_load %arg8[%parallel_loop3A_111, %parallel_loop3A_112, %parallel_loop3A_113] {strides = array<i32>} : memref<50x8x128xf32, #tpu.memory_space<vmem>>, vector<16xf32>,
      tpu.vector_store %arg8[%parallel_loop3A_111, %parallel_loop3A_112, %parallel_loop3A_113], %parallel_loop3A_109 {strides = array<i32>} : memref<50x8x128xf32, #tpu.memory_space<vmem>>, vector<16xf32>,
      %parallel_loop3A_115 = arith.constant 3 : i32
      %parallel_loop3A_116 = vector.broadcast %parallel_loop3A_115 : i32 to vector<16xi32>
      %parallel_loop3A_117 = tpu.vector_load_idx %arg7[%parallel_loop3A_20, %parallel_loop3A_90, %parallel_loop3A_116] : memref<50x128x8xf32, #tpu.memory_space<vmem>>[vector<16xi32>, vector<16xi32>, vector<16xi32>], vector<16xf32>,
      %parallel_loop3A_118 = arith.constant 3 : i32
      %parallel_loop3A_119 = arith.index_cast %parallel_loop3A_19 : i32 to index
      %parallel_loop3A_120 = arith.index_cast %parallel_loop3A_118 : i32 to index
      %parallel_loop3A_121 = arith.constant 16 : index
      %parallel_loop3A_122 = tpu.vector_load %arg8[%parallel_loop3A_119, %parallel_loop3A_120, %parallel_loop3A_121] {strides = array<i32>} : memref<50x8x128xf32, #tpu.memory_space<vmem>>, vector<16xf32>,
      tpu.vector_store %arg8[%parallel_loop3A_119, %parallel_loop3A_120, %parallel_loop3A_121], %parallel_loop3A_117 {strides = array<i32>} : memref<50x8x128xf32, #tpu.memory_space<vmem>>, vector<16xf32>,
      %parallel_loop3A_123 = arith.constant 4 : i32
      %parallel_loop3A_124 = vector.broadcast %parallel_loop3A_123 : i32 to vector<16xi32>
      %parallel_loop3A_125 = tpu.vector_load_idx %arg7[%parallel_loop3A_20, %parallel_loop3A_90, %parallel_loop3A_124] : memref<50x128x8xf32, #tpu.memory_space<vmem>>[vector<16xi32>, vector<16xi32>, vector<16xi32>], vector<16xf32>,
      %parallel_loop3A_126 = arith.constant 4 : i32
      %parallel_loop3A_127 = arith.index_cast %parallel_loop3A_19 : i32 to index
      %parallel_loop3A_128 = arith.index_cast %parallel_loop3A_126 : i32 to index
      %parallel_loop3A_129 = arith.constant 16 : index
      %parallel_loop3A_130 = tpu.vector_load %arg8[%parallel_loop3A_127, %parallel_loop3A_128, %parallel_loop3A_129] {strides = array<i32>} : memref<50x8x128xf32, #tpu.memory_space<vmem>>, vector<16xf32>,
      tpu.vector_store %arg8[%parallel_loop3A_127, %parallel_loop3A_128, %parallel_loop3A_129], %parallel_loop3A_125 {strides = array<i32>} : memref<50x8x128xf32, #tpu.memory_space<vmem>>, vector<16xf32>,
      %parallel_loop3A_131 = arith.constant 5 : i32
      %parallel_loop3A_132 = vector.broadcast %parallel_loop3A_131 : i32 to vector<16xi32>
      %parallel_loop3A_133 = tpu.vector_load_idx %arg7[%parallel_loop3A_20, %parallel_loop3A_90, %parallel_loop3A_132] : memref<50x128x8xf32, #tpu.memory_space<vmem>>[vector<16xi32>, vector<16xi32>, vector<16xi32>], vector<16xf32>,
      %parallel_loop3A_134 = arith.constant 5 : i32
      %parallel_loop3A_135 = arith.index_cast %parallel_loop3A_19 : i32 to index
      %parallel_loop3A_136 = arith.index_cast %parallel_loop3A_134 : i32 to index
      %parallel_loop3A_137 = arith.constant 16 : index
      %parallel_loop3A_138 = tpu.vector_load %arg8[%parallel_loop3A_135, %parallel_loop3A_136, %parallel_loop3A_137] {strides = array<i32>} : memref<50x8x128xf32, #tpu.memory_space<vmem>>, vector<16xf32>,
      tpu.vector_store %arg8[%parallel_loop3A_135, %parallel_loop3A_136, %parallel_loop3A_137], %parallel_loop3A_133 {strides = array<i32>} : memref<50x8x128xf32, #tpu.memory_space<vmem>>, vector<16xf32>,
      %parallel_loop3A_139 = arith.constant 6 : i32
      %parallel_loop3A_140 = vector.broadcast %parallel_loop3A_139 : i32 to vector<16xi32>
      %parallel_loop3A_141 = tpu.vector_load_idx %arg7[%parallel_loop3A_20, %parallel_loop3A_90, %parallel_loop3A_140] : memref<50x128x8xf32, #tpu.memory_space<vmem>>[vector<16xi32>, vector<16xi32>, vector<16xi32>], vector<16xf32>,
      %parallel_loop3A_142 = arith.constant 6 : i32
      %parallel_loop3A_143 = arith.index_cast %parallel_loop3A_19 : i32 to index
      %parallel_loop3A_144 = arith.index_cast %parallel_loop3A_142 : i32 to index
      %parallel_loop3A_145 = arith.constant 16 : index
      %parallel_loop3A_146 = tpu.vector_load %arg8[%parallel_loop3A_143, %parallel_loop3A_144, %parallel_loop3A_145] {strides = array<i32>} : memref<50x8x128xf32, #tpu.memory_space<vmem>>, vector<16xf32>,
      tpu.vector_store %arg8[%parallel_loop3A_143, %parallel_loop3A_144, %parallel_loop3A_145], %parallel_loop3A_141 {strides = array<i32>} : memref<50x8x128xf32, #tpu.memory_space<vmem>>, vector<16xf32>,
      %parallel_loop3A_147 = arith.constant 7 : i32
      %parallel_loop3A_148 = vector.broadcast %parallel_loop3A_147 : i32 to vector<16xi32>
      %parallel_loop3A_149 = tpu.vector_load_idx %arg7[%parallel_loop3A_20, %parallel_loop3A_90, %parallel_loop3A_148] : memref<50x128x8xf32, #tpu.memory_space<vmem>>[vector<16xi32>, vector<16xi32>, vector<16xi32>], vector<16xf32>,
      %parallel_loop3A_150 = arith.constant 7 : i32
      %parallel_loop3A_151 = arith.index_cast %parallel_loop3A_19 : i32 to index
      %parallel_loop3A_152 = arith.index_cast %parallel_loop3A_150 : i32 to index
      %parallel_loop3A_153 = arith.constant 16 : index
      %parallel_loop3A_154 = tpu.vector_load %arg8[%parallel_loop3A_151, %parallel_loop3A_152, %parallel_loop3A_153] {strides = array<i32>} : memref<50x8x128xf32, #tpu.memory_space<vmem>>, vector<16xf32>,
      tpu.vector_store %arg8[%parallel_loop3A_151, %parallel_loop3A_152, %parallel_loop3A_153], %parallel_loop3A_149 {strides = array<i32>} : memref<50x8x128xf32, #tpu.memory_space<vmem>>, vector<16xf32>,
      %parallel_loop3A_155 = arith.constant 32 : i32
      %parallel_loop3A_156 = vector.broadcast %parallel_loop3A_155 : i32 to vector<16xi32>
      %parallel_loop3A_157 = arith.addi %iota3A, %parallel_loop3A_156 : vector<16xi32>
      %parallel_loop3A_158 = arith.constant 0 : i32
      %parallel_loop3A_159 = vector.broadcast %parallel_loop3A_158 : i32 to vector<16xi32>
      %parallel_loop3A_160 = tpu.vector_load_idx %arg7[%parallel_loop3A_20, %parallel_loop3A_157, %parallel_loop3A_159] : memref<50x128x8xf32, #tpu.memory_space<vmem>>[vector<16xi32>, vector<16xi32>, vector<16xi32>], vector<16xf32>,
      %parallel_loop3A_161 = arith.constant 0 : i32
      %parallel_loop3A_162 = arith.index_cast %parallel_loop3A_19 : i32 to index
      %parallel_loop3A_163 = arith.index_cast %parallel_loop3A_161 : i32 to index
      %parallel_loop3A_164 = arith.constant 32 : index
      %parallel_loop3A_165 = tpu.vector_load %arg8[%parallel_loop3A_162, %parallel_loop3A_163, %parallel_loop3A_164] {strides = array<i32>} : memref<50x8x128xf32, #tpu.memory_space<vmem>>, vector<16xf32>,
      tpu.vector_store %arg8[%parallel_loop3A_162, %parallel_loop3A_163, %parallel_loop3A_164], %parallel_loop3A_160 {strides = array<i32>} : memref<50x8x128xf32, #tpu.memory_space<vmem>>, vector<16xf32>,
      %parallel_loop3A_166 = arith.constant 1 : i32
      %parallel_loop3A_167 = vector.broadcast %parallel_loop3A_166 : i32 to vector<16xi32>
      %parallel_loop3A_168 = tpu.vector_load_idx %arg7[%parallel_loop3A_20, %parallel_loop3A_157, %parallel_loop3A_167] : memref<50x128x8xf32, #tpu.memory_space<vmem>>[vector<16xi32>, vector<16xi32>, vector<16xi32>], vector<16xf32>,
      %parallel_loop3A_169 = arith.constant 1 : i32
      %parallel_loop3A_170 = arith.index_cast %parallel_loop3A_19 : i32 to index
      %parallel_loop3A_171 = arith.index_cast %parallel_loop3A_169 : i32 to index
      %parallel_loop3A_172 = arith.constant 32 : index
      %parallel_loop3A_173 = tpu.vector_load %arg8[%parallel_loop3A_170, %parallel_loop3A_171, %parallel_loop3A_172] {strides = array<i32>} : memref<50x8x128xf32, #tpu.memory_space<vmem>>, vector<16xf32>,
      tpu.vector_store %arg8[%parallel_loop3A_170, %parallel_loop3A_171, %parallel_loop3A_172], %parallel_loop3A_168 {strides = array<i32>} : memref<50x8x128xf32, #tpu.memory_space<vmem>>, vector<16xf32>,
      %parallel_loop3A_174 = arith.constant 2 : i32
      %parallel_loop3A_175 = vector.broadcast %parallel_loop3A_174 : i32 to vector<16xi32>
      %parallel_loop3A_176 = tpu.vector_load_idx %arg7[%parallel_loop3A_20, %parallel_loop3A_157, %parallel_loop3A_175] : memref<50x128x8xf32, #tpu.memory_space<vmem>>[vector<16xi32>, vector<16xi32>, vector<16xi32>], vector<16xf32>,
      %parallel_loop3A_177 = arith.constant 2 : i32
      %parallel_loop3A_178 = arith.index_cast %parallel_loop3A_19 : i32 to index
      %parallel_loop3A_179 = arith.index_cast %parallel_loop3A_177 : i32 to index
      %parallel_loop3A_180 = arith.constant 32 : index
      %parallel_loop3A_181 = tpu.vector_load %arg8[%parallel_loop3A_178, %parallel_loop3A_179, %parallel_loop3A_180] {strides = array<i32>} : memref<50x8x128xf32, #tpu.memory_space<vmem>>, vector<16xf32>,
      tpu.vector_store %arg8[%parallel_loop3A_178, %parallel_loop3A_179, %parallel_loop3A_180], %parallel_loop3A_176 {strides = array<i32>} : memref<50x8x128xf32, #tpu.memory_space<vmem>>, vector<16xf32>,
      %parallel_loop3A_182 = arith.constant 3 : i32
      %parallel_loop3A_183 = vector.broadcast %parallel_loop3A_182 : i32 to vector<16xi32>
      %parallel_loop3A_184 = tpu.vector_load_idx %arg7[%parallel_loop3A_20, %parallel_loop3A_157, %parallel_loop3A_183] : memref<50x128x8xf32, #tpu.memory_space<vmem>>[vector<16xi32>, vector<16xi32>, vector<16xi32>], vector<16xf32>,
      %parallel_loop3A_185 = arith.constant 3 : i32
      %parallel_loop3A_186 = arith.index_cast %parallel_loop3A_19 : i32 to index
      %parallel_loop3A_187 = arith.index_cast %parallel_loop3A_185 : i32 to index
      %parallel_loop3A_188 = arith.constant 32 : index
      %parallel_loop3A_189 = tpu.vector_load %arg8[%parallel_loop3A_186, %parallel_loop3A_187, %parallel_loop3A_188] {strides = array<i32>} : memref<50x8x128xf32, #tpu.memory_space<vmem>>, vector<16xf32>,
      tpu.vector_store %arg8[%parallel_loop3A_186, %parallel_loop3A_187, %parallel_loop3A_188], %parallel_loop3A_184 {strides = array<i32>} : memref<50x8x128xf32, #tpu.memory_space<vmem>>, vector<16xf32>,
      %parallel_loop3A_190 = arith.constant 4 : i32
      %parallel_loop3A_191 = vector.broadcast %parallel_loop3A_190 : i32 to vector<16xi32>
      %parallel_loop3A_192 = tpu.vector_load_idx %arg7[%parallel_loop3A_20, %parallel_loop3A_157, %parallel_loop3A_191] : memref<50x128x8xf32, #tpu.memory_space<vmem>>[vector<16xi32>, vector<16xi32>, vector<16xi32>], vector<16xf32>,
      %parallel_loop3A_193 = arith.constant 4 : i32
      %parallel_loop3A_194 = arith.index_cast %parallel_loop3A_19 : i32 to index
      %parallel_loop3A_195 = arith.index_cast %parallel_loop3A_193 : i32 to index
      %parallel_loop3A_196 = arith.constant 32 : index
      %parallel_loop3A_197 = tpu.vector_load %arg8[%parallel_loop3A_194, %parallel_loop3A_195, %parallel_loop3A_196] {strides = array<i32>} : memref<50x8x128xf32, #tpu.memory_space<vmem>>, vector<16xf32>,
      tpu.vector_store %arg8[%parallel_loop3A_194, %parallel_loop3A_195, %parallel_loop3A_196], %parallel_loop3A_192 {strides = array<i32>} : memref<50x8x128xf32, #tpu.memory_space<vmem>>, vector<16xf32>,
      %parallel_loop3A_198 = arith.constant 5 : i32
      %parallel_loop3A_199 = vector.broadcast %parallel_loop3A_198 : i32 to vector<16xi32>
      %parallel_loop3A_200 = tpu.vector_load_idx %arg7[%parallel_loop3A_20, %parallel_loop3A_157, %parallel_loop3A_199] : memref<50x128x8xf32, #tpu.memory_space<vmem>>[vector<16xi32>, vector<16xi32>, vector<16xi32>], vector<16xf32>,
      %parallel_loop3A_201 = arith.constant 5 : i32
      %parallel_loop3A_202 = arith.index_cast %parallel_loop3A_19 : i32 to index
      %parallel_loop3A_203 = arith.index_cast %parallel_loop3A_201 : i32 to index
      %parallel_loop3A_204 = arith.constant 32 : index
      %parallel_loop3A_205 = tpu.vector_load %arg8[%parallel_loop3A_202, %parallel_loop3A_203, %parallel_loop3A_204] {strides = array<i32>} : memref<50x8x128xf32, #tpu.memory_space<vmem>>, vector<16xf32>,
      tpu.vector_store %arg8[%parallel_loop3A_202, %parallel_loop3A_203, %parallel_loop3A_204], %parallel_loop3A_200 {strides = array<i32>} : memref<50x8x128xf32, #tpu.memory_space<vmem>>, vector<16xf32>,
      %parallel_loop3A_206 = arith.constant 6 : i32
      %parallel_loop3A_207 = vector.broadcast %parallel_loop3A_206 : i32 to vector<16xi32>
      %parallel_loop3A_208 = tpu.vector_load_idx %arg7[%parallel_loop3A_20, %parallel_loop3A_157, %parallel_loop3A_207] : memref<50x128x8xf32, #tpu.memory_space<vmem>>[vector<16xi32>, vector<16xi32>, vector<16xi32>], vector<16xf32>,
      %parallel_loop3A_209 = arith.constant 6 : i32
      %parallel_loop3A_210 = arith.index_cast %parallel_loop3A_19 : i32 to index
      %parallel_loop3A_211 = arith.index_cast %parallel_loop3A_209 : i32 to index
      %parallel_loop3A_212 = arith.constant 32 : index
      %parallel_loop3A_213 = tpu.vector_load %arg8[%parallel_loop3A_210, %parallel_loop3A_211, %parallel_loop3A_212] {strides = array<i32>} : memref<50x8x128xf32, #tpu.memory_space<vmem>>, vector<16xf32>,
      tpu.vector_store %arg8[%parallel_loop3A_210, %parallel_loop3A_211, %parallel_loop3A_212], %parallel_loop3A_208 {strides = array<i32>} : memref<50x8x128xf32, #tpu.memory_space<vmem>>, vector<16xf32>,
      %parallel_loop3A_214 = arith.constant 7 : i32
      %parallel_loop3A_215 = vector.broadcast %parallel_loop3A_214 : i32 to vector<16xi32>
      %parallel_loop3A_216 = tpu.vector_load_idx %arg7[%parallel_loop3A_20, %parallel_loop3A_157, %parallel_loop3A_215] : memref<50x128x8xf32, #tpu.memory_space<vmem>>[vector<16xi32>, vector<16xi32>, vector<16xi32>], vector<16xf32>,
      %parallel_loop3A_217 = arith.constant 7 : i32
      %parallel_loop3A_218 = arith.index_cast %parallel_loop3A_19 : i32 to index
      %parallel_loop3A_219 = arith.index_cast %parallel_loop3A_217 : i32 to index
      %parallel_loop3A_220 = arith.constant 32 : index
      %parallel_loop3A_221 = tpu.vector_load %arg8[%parallel_loop3A_218, %parallel_loop3A_219, %parallel_loop3A_220] {strides = array<i32>} : memref<50x8x128xf32, #tpu.memory_space<vmem>>, vector<16xf32>,
      tpu.vector_store %arg8[%parallel_loop3A_218, %parallel_loop3A_219, %parallel_loop3A_220], %parallel_loop3A_216 {strides = array<i32>} : memref<50x8x128xf32, #tpu.memory_space<vmem>>, vector<16xf32>,
      %parallel_loop3A_222 = arith.constant 48 : i32
      %parallel_loop3A_223 = vector.broadcast %parallel_loop3A_222 : i32 to vector<16xi32>
      %parallel_loop3A_224 = arith.addi %iota3A, %parallel_loop3A_223 : vector<16xi32>
      %parallel_loop3A_225 = arith.constant 0 : i32
      %parallel_loop3A_226 = vector.broadcast %parallel_loop3A_225 : i32 to vector<16xi32>
      %parallel_loop3A_227 = tpu.vector_load_idx %arg7[%parallel_loop3A_20, %parallel_loop3A_224, %parallel_loop3A_226] : memref<50x128x8xf32, #tpu.memory_space<vmem>>[vector<16xi32>, vector<16xi32>, vector<16xi32>], vector<16xf32>,
      %parallel_loop3A_228 = arith.constant 0 : i32
      %parallel_loop3A_229 = arith.index_cast %parallel_loop3A_19 : i32 to index
      %parallel_loop3A_230 = arith.index_cast %parallel_loop3A_228 : i32 to index
      %parallel_loop3A_231 = arith.constant 48 : index
      %parallel_loop3A_232 = tpu.vector_load %arg8[%parallel_loop3A_229, %parallel_loop3A_230, %parallel_loop3A_231] {strides = array<i32>} : memref<50x8x128xf32, #tpu.memory_space<vmem>>, vector<16xf32>,
      tpu.vector_store %arg8[%parallel_loop3A_229, %parallel_loop3A_230, %parallel_loop3A_231], %parallel_loop3A_227 {strides = array<i32>} : memref<50x8x128xf32, #tpu.memory_space<vmem>>, vector<16xf32>,
      %parallel_loop3A_233 = arith.constant 1 : i32
      %parallel_loop3A_234 = vector.broadcast %parallel_loop3A_233 : i32 to vector<16xi32>
      %parallel_loop3A_235 = tpu.vector_load_idx %arg7[%parallel_loop3A_20, %parallel_loop3A_224, %parallel_loop3A_234] : memref<50x128x8xf32, #tpu.memory_space<vmem>>[vector<16xi32>, vector<16xi32>, vector<16xi32>], vector<16xf32>,
      %parallel_loop3A_236 = arith.constant 1 : i32
      %parallel_loop3A_237 = arith.index_cast %parallel_loop3A_19 : i32 to index
      %parallel_loop3A_238 = arith.index_cast %parallel_loop3A_236 : i32 to index
      %parallel_loop3A_239 = arith.constant 48 : index
      %parallel_loop3A_240 = tpu.vector_load %arg8[%parallel_loop3A_237, %parallel_loop3A_238, %parallel_loop3A_239] {strides = array<i32>} : memref<50x8x128xf32, #tpu.memory_space<vmem>>, vector<16xf32>,
      tpu.vector_store %arg8[%parallel_loop3A_237, %parallel_loop3A_238, %parallel_loop3A_239], %parallel_loop3A_235 {strides = array<i32>} : memref<50x8x128xf32, #tpu.memory_space<vmem>>, vector<16xf32>,
      %parallel_loop3A_241 = arith.constant 2 : i32
      %parallel_loop3A_242 = vector.broadcast %parallel_loop3A_241 : i32 to vector<16xi32>
      %parallel_loop3A_243 = tpu.vector_load_idx %arg7[%parallel_loop3A_20, %parallel_loop3A_224, %parallel_loop3A_242] : memref<50x128x8xf32, #tpu.memory_space<vmem>>[vector<16xi32>, vector<16xi32>, vector<16xi32>], vector<16xf32>,
      %parallel_loop3A_244 = arith.constant 2 : i32
      %parallel_loop3A_245 = arith.index_cast %parallel_loop3A_19 : i32 to index
      %parallel_loop3A_246 = arith.index_cast %parallel_loop3A_244 : i32 to index
      %parallel_loop3A_247 = arith.constant 48 : index
      %parallel_loop3A_248 = tpu.vector_load %arg8[%parallel_loop3A_245, %parallel_loop3A_246, %parallel_loop3A_247] {strides = array<i32>} : memref<50x8x128xf32, #tpu.memory_space<vmem>>, vector<16xf32>,
      tpu.vector_store %arg8[%parallel_loop3A_245, %parallel_loop3A_246, %parallel_loop3A_247], %parallel_loop3A_243 {strides = array<i32>} : memref<50x8x128xf32, #tpu.memory_space<vmem>>, vector<16xf32>,
      %parallel_loop3A_249 = arith.constant 3 : i32
      %parallel_loop3A_250 = vector.broadcast %parallel_loop3A_249 : i32 to vector<16xi32>
      %parallel_loop3A_251 = tpu.vector_load_idx %arg7[%parallel_loop3A_20, %parallel_loop3A_224, %parallel_loop3A_250] : memref<50x128x8xf32, #tpu.memory_space<vmem>>[vector<16xi32>, vector<16xi32>, vector<16xi32>], vector<16xf32>,
      %parallel_loop3A_252 = arith.constant 3 : i32
      %parallel_loop3A_253 = arith.index_cast %parallel_loop3A_19 : i32 to index
      %parallel_loop3A_254 = arith.index_cast %parallel_loop3A_252 : i32 to index
      %parallel_loop3A_255 = arith.constant 48 : index
      %parallel_loop3A_256 = tpu.vector_load %arg8[%parallel_loop3A_253, %parallel_loop3A_254, %parallel_loop3A_255] {strides = array<i32>} : memref<50x8x128xf32, #tpu.memory_space<vmem>>, vector<16xf32>,
      tpu.vector_store %arg8[%parallel_loop3A_253, %parallel_loop3A_254, %parallel_loop3A_255], %parallel_loop3A_251 {strides = array<i32>} : memref<50x8x128xf32, #tpu.memory_space<vmem>>, vector<16xf32>,
      %parallel_loop3A_257 = arith.constant 4 : i32
      %parallel_loop3A_258 = vector.broadcast %parallel_loop3A_257 : i32 to vector<16xi32>
      %parallel_loop3A_259 = tpu.vector_load_idx %arg7[%parallel_loop3A_20, %parallel_loop3A_224, %parallel_loop3A_258] : memref<50x128x8xf32, #tpu.memory_space<vmem>>[vector<16xi32>, vector<16xi32>, vector<16xi32>], vector<16xf32>,
      %parallel_loop3A_260 = arith.constant 4 : i32
      %parallel_loop3A_261 = arith.index_cast %parallel_loop3A_19 : i32 to index
      %parallel_loop3A_262 = arith.index_cast %parallel_loop3A_260 : i32 to index
      %parallel_loop3A_263 = arith.constant 48 : index
      %parallel_loop3A_264 = tpu.vector_load %arg8[%parallel_loop3A_261, %parallel_loop3A_262, %parallel_loop3A_263] {strides = array<i32>} : memref<50x8x128xf32, #tpu.memory_space<vmem>>, vector<16xf32>,
      tpu.vector_store %arg8[%parallel_loop3A_261, %parallel_loop3A_262, %parallel_loop3A_263], %parallel_loop3A_259 {strides = array<i32>} : memref<50x8x128xf32, #tpu.memory_space<vmem>>, vector<16xf32>,
      %parallel_loop3A_265 = arith.constant 5 : i32
      %parallel_loop3A_266 = vector.broadcast %parallel_loop3A_265 : i32 to vector<16xi32>
      %parallel_loop3A_267 = tpu.vector_load_idx %arg7[%parallel_loop3A_20, %parallel_loop3A_224, %parallel_loop3A_266] : memref<50x128x8xf32, #tpu.memory_space<vmem>>[vector<16xi32>, vector<16xi32>, vector<16xi32>], vector<16xf32>,
      %parallel_loop3A_268 = arith.constant 5 : i32
      %parallel_loop3A_269 = arith.index_cast %parallel_loop3A_19 : i32 to index
      %parallel_loop3A_270 = arith.index_cast %parallel_loop3A_268 : i32 to index
      %parallel_loop3A_271 = arith.constant 48 : index
      %parallel_loop3A_272 = tpu.vector_load %arg8[%parallel_loop3A_269, %parallel_loop3A_270, %parallel_loop3A_271] {strides = array<i32>} : memref<50x8x128xf32, #tpu.memory_space<vmem>>, vector<16xf32>,
      tpu.vector_store %arg8[%parallel_loop3A_269, %parallel_loop3A_270, %parallel_loop3A_271], %parallel_loop3A_267 {strides = array<i32>} : memref<50x8x128xf32, #tpu.memory_space<vmem>>, vector<16xf32>,
      %parallel_loop3A_273 = arith.constant 6 : i32
      %parallel_loop3A_274 = vector.broadcast %parallel_loop3A_273 : i32 to vector<16xi32>
      %parallel_loop3A_275 = tpu.vector_load_idx %arg7[%parallel_loop3A_20, %parallel_loop3A_224, %parallel_loop3A_274] : memref<50x128x8xf32, #tpu.memory_space<vmem>>[vector<16xi32>, vector<16xi32>, vector<16xi32>], vector<16xf32>,
      %parallel_loop3A_276 = arith.constant 6 : i32
      %parallel_loop3A_277 = arith.index_cast %parallel_loop3A_19 : i32 to index
      %parallel_loop3A_278 = arith.index_cast %parallel_loop3A_276 : i32 to index
      %parallel_loop3A_279 = arith.constant 48 : index
      %parallel_loop3A_280 = tpu.vector_load %arg8[%parallel_loop3A_277, %parallel_loop3A_278, %parallel_loop3A_279] {strides = array<i32>} : memref<50x8x128xf32, #tpu.memory_space<vmem>>, vector<16xf32>,
      tpu.vector_store %arg8[%parallel_loop3A_277, %parallel_loop3A_278, %parallel_loop3A_279], %parallel_loop3A_275 {strides = array<i32>} : memref<50x8x128xf32, #tpu.memory_space<vmem>>, vector<16xf32>,
      %parallel_loop3A_281 = arith.constant 7 : i32
      %parallel_loop3A_282 = vector.broadcast %parallel_loop3A_281 : i32 to vector<16xi32>
      %parallel_loop3A_283 = tpu.vector_load_idx %arg7[%parallel_loop3A_20, %parallel_loop3A_224, %parallel_loop3A_282] : memref<50x128x8xf32, #tpu.memory_space<vmem>>[vector<16xi32>, vector<16xi32>, vector<16xi32>], vector<16xf32>,
      %parallel_loop3A_284 = arith.constant 7 : i32
      %parallel_loop3A_285 = arith.index_cast %parallel_loop3A_19 : i32 to index
      %parallel_loop3A_286 = arith.index_cast %parallel_loop3A_284 : i32 to index
      %parallel_loop3A_287 = arith.constant 48 : index
      %parallel_loop3A_288 = tpu.vector_load %arg8[%parallel_loop3A_285, %parallel_loop3A_286, %parallel_loop3A_287] {strides = array<i32>} : memref<50x8x128xf32, #tpu.memory_space<vmem>>, vector<16xf32>,
      tpu.vector_store %arg8[%parallel_loop3A_285, %parallel_loop3A_286, %parallel_loop3A_287], %parallel_loop3A_283 {strides = array<i32>} : memref<50x8x128xf32, #tpu.memory_space<vmem>>, vector<16xf32>,
      %parallel_loop3A_289 = arith.constant 64 : i32
      %parallel_loop3A_290 = vector.broadcast %parallel_loop3A_289 : i32 to vector<16xi32>
      %parallel_loop3A_291 = arith.addi %iota3A, %parallel_loop3A_290 : vector<16xi32>
      %parallel_loop3A_292 = arith.constant 0 : i32
      %parallel_loop3A_293 = vector.broadcast %parallel_loop3A_292 : i32 to vector<16xi32>
      %parallel_loop3A_294 = tpu.vector_load_idx %arg7[%parallel_loop3A_20, %parallel_loop3A_291, %parallel_loop3A_293] : memref<50x128x8xf32, #tpu.memory_space<vmem>>[vector<16xi32>, vector<16xi32>, vector<16xi32>], vector<16xf32>,
      %parallel_loop3A_295 = arith.constant 0 : i32
      %parallel_loop3A_296 = arith.index_cast %parallel_loop3A_19 : i32 to index
      %parallel_loop3A_297 = arith.index_cast %parallel_loop3A_295 : i32 to index
      %parallel_loop3A_298 = arith.constant 64 : index
      %parallel_loop3A_299 = tpu.vector_load %arg8[%parallel_loop3A_296, %parallel_loop3A_297, %parallel_loop3A_298] {strides = array<i32>} : memref<50x8x128xf32, #tpu.memory_space<vmem>>, vector<16xf32>,
      tpu.vector_store %arg8[%parallel_loop3A_296, %parallel_loop3A_297, %parallel_loop3A_298], %parallel_loop3A_294 {strides = array<i32>} : memref<50x8x128xf32, #tpu.memory_space<vmem>>, vector<16xf32>,
      %parallel_loop3A_300 = arith.constant 1 : i32
      %parallel_loop3A_301 = vector.broadcast %parallel_loop3A_300 : i32 to vector<16xi32>
      %parallel_loop3A_302 = tpu.vector_load_idx %arg7[%parallel_loop3A_20, %parallel_loop3A_291, %parallel_loop3A_301] : memref<50x128x8xf32, #tpu.memory_space<vmem>>[vector<16xi32>, vector<16xi32>, vector<16xi32>], vector<16xf32>,
      %parallel_loop3A_303 = arith.constant 1 : i32
      %parallel_loop3A_304 = arith.index_cast %parallel_loop3A_19 : i32 to index
      %parallel_loop3A_305 = arith.index_cast %parallel_loop3A_303 : i32 to index
      %parallel_loop3A_306 = arith.constant 64 : index
      %parallel_loop3A_307 = tpu.vector_load %arg8[%parallel_loop3A_304, %parallel_loop3A_305, %parallel_loop3A_306] {strides = array<i32>} : memref<50x8x128xf32, #tpu.memory_space<vmem>>, vector<16xf32>,
      tpu.vector_store %arg8[%parallel_loop3A_304, %parallel_loop3A_305, %parallel_loop3A_306], %parallel_loop3A_302 {strides = array<i32>} : memref<50x8x128xf32, #tpu.memory_space<vmem>>, vector<16xf32>,
      %parallel_loop3A_308 = arith.constant 2 : i32
      %parallel_loop3A_309 = vector.broadcast %parallel_loop3A_308 : i32 to vector<16xi32>
      %parallel_loop3A_310 = tpu.vector_load_idx %arg7[%parallel_loop3A_20, %parallel_loop3A_291, %parallel_loop3A_309] : memref<50x128x8xf32, #tpu.memory_space<vmem>>[vector<16xi32>, vector<16xi32>, vector<16xi32>], vector<16xf32>,
      %parallel_loop3A_311 = arith.constant 2 : i32
      %parallel_loop3A_312 = arith.index_cast %parallel_loop3A_19 : i32 to index
      %parallel_loop3A_313 = arith.index_cast %parallel_loop3A_311 : i32 to index
      %parallel_loop3A_314 = arith.constant 64 : index
      %parallel_loop3A_315 = tpu.vector_load %arg8[%parallel_loop3A_312, %parallel_loop3A_313, %parallel_loop3A_314] {strides = array<i32>} : memref<50x8x128xf32, #tpu.memory_space<vmem>>, vector<16xf32>,
      tpu.vector_store %arg8[%parallel_loop3A_312, %parallel_loop3A_313, %parallel_loop3A_314], %parallel_loop3A_310 {strides = array<i32>} : memref<50x8x128xf32, #tpu.memory_space<vmem>>, vector<16xf32>,
      %parallel_loop3A_316 = arith.constant 3 : i32
      %parallel_loop3A_317 = vector.broadcast %parallel_loop3A_316 : i32 to vector<16xi32>
      %parallel_loop3A_318 = tpu.vector_load_idx %arg7[%parallel_loop3A_20, %parallel_loop3A_291, %parallel_loop3A_317] : memref<50x128x8xf32, #tpu.memory_space<vmem>>[vector<16xi32>, vector<16xi32>, vector<16xi32>], vector<16xf32>,
      %parallel_loop3A_319 = arith.constant 3 : i32
      %parallel_loop3A_320 = arith.index_cast %parallel_loop3A_19 : i32 to index
      %parallel_loop3A_321 = arith.index_cast %parallel_loop3A_319 : i32 to index
      %parallel_loop3A_322 = arith.constant 64 : index
      %parallel_loop3A_323 = tpu.vector_load %arg8[%parallel_loop3A_320, %parallel_loop3A_321, %parallel_loop3A_322] {strides = array<i32>} : memref<50x8x128xf32, #tpu.memory_space<vmem>>, vector<16xf32>,
      tpu.vector_store %arg8[%parallel_loop3A_320, %parallel_loop3A_321, %parallel_loop3A_322], %parallel_loop3A_318 {strides = array<i32>} : memref<50x8x128xf32, #tpu.memory_space<vmem>>, vector<16xf32>,
      %parallel_loop3A_324 = arith.constant 4 : i32
      %parallel_loop3A_325 = vector.broadcast %parallel_loop3A_324 : i32 to vector<16xi32>
      %parallel_loop3A_326 = tpu.vector_load_idx %arg7[%parallel_loop3A_20, %parallel_loop3A_291, %parallel_loop3A_325] : memref<50x128x8xf32, #tpu.memory_space<vmem>>[vector<16xi32>, vector<16xi32>, vector<16xi32>], vector<16xf32>,
      %parallel_loop3A_327 = arith.constant 4 : i32
      %parallel_loop3A_328 = arith.index_cast %parallel_loop3A_19 : i32 to index
      %parallel_loop3A_329 = arith.index_cast %parallel_loop3A_327 : i32 to index
      %parallel_loop3A_330 = arith.constant 64 : index
      %parallel_loop3A_331 = tpu.vector_load %arg8[%parallel_loop3A_328, %parallel_loop3A_329, %parallel_loop3A_330] {strides = array<i32>} : memref<50x8x128xf32, #tpu.memory_space<vmem>>, vector<16xf32>,
      tpu.vector_store %arg8[%parallel_loop3A_328, %parallel_loop3A_329, %parallel_loop3A_330], %parallel_loop3A_326 {strides = array<i32>} : memref<50x8x128xf32, #tpu.memory_space<vmem>>, vector<16xf32>,
      %parallel_loop3A_332 = arith.constant 5 : i32
      %parallel_loop3A_333 = vector.broadcast %parallel_loop3A_332 : i32 to vector<16xi32>
      %parallel_loop3A_334 = tpu.vector_load_idx %arg7[%parallel_loop3A_20, %parallel_loop3A_291, %parallel_loop3A_333] : memref<50x128x8xf32, #tpu.memory_space<vmem>>[vector<16xi32>, vector<16xi32>, vector<16xi32>], vector<16xf32>,
      %parallel_loop3A_335 = arith.constant 5 : i32
      %parallel_loop3A_336 = arith.index_cast %parallel_loop3A_19 : i32 to index
      %parallel_loop3A_337 = arith.index_cast %parallel_loop3A_335 : i32 to index
      %parallel_loop3A_338 = arith.constant 64 : index
      %parallel_loop3A_339 = tpu.vector_load %arg8[%parallel_loop3A_336, %parallel_loop3A_337, %parallel_loop3A_338] {strides = array<i32>} : memref<50x8x128xf32, #tpu.memory_space<vmem>>, vector<16xf32>,
      tpu.vector_store %arg8[%parallel_loop3A_336, %parallel_loop3A_337, %parallel_loop3A_338], %parallel_loop3A_334 {strides = array<i32>} : memref<50x8x128xf32, #tpu.memory_space<vmem>>, vector<16xf32>,
      %parallel_loop3A_340 = arith.constant 6 : i32
      %parallel_loop3A_341 = vector.broadcast %parallel_loop3A_340 : i32 to vector<16xi32>
      %parallel_loop3A_342 = tpu.vector_load_idx %arg7[%parallel_loop3A_20, %parallel_loop3A_291, %parallel_loop3A_341] : memref<50x128x8xf32, #tpu.memory_space<vmem>>[vector<16xi32>, vector<16xi32>, vector<16xi32>], vector<16xf32>,
      %parallel_loop3A_343 = arith.constant 6 : i32
      %parallel_loop3A_344 = arith.index_cast %parallel_loop3A_19 : i32 to index
      %parallel_loop3A_345 = arith.index_cast %parallel_loop3A_343 : i32 to index
      %parallel_loop3A_346 = arith.constant 64 : index
      %parallel_loop3A_347 = tpu.vector_load %arg8[%parallel_loop3A_344, %parallel_loop3A_345, %parallel_loop3A_346] {strides = array<i32>} : memref<50x8x128xf32, #tpu.memory_space<vmem>>, vector<16xf32>,
      tpu.vector_store %arg8[%parallel_loop3A_344, %parallel_loop3A_345, %parallel_loop3A_346], %parallel_loop3A_342 {strides = array<i32>} : memref<50x8x128xf32, #tpu.memory_space<vmem>>, vector<16xf32>,
      %parallel_loop3A_348 = arith.constant 7 : i32
      %parallel_loop3A_349 = vector.broadcast %parallel_loop3A_348 : i32 to vector<16xi32>
      %parallel_loop3A_350 = tpu.vector_load_idx %arg7[%parallel_loop3A_20, %parallel_loop3A_291, %parallel_loop3A_349] : memref<50x128x8xf32, #tpu.memory_space<vmem>>[vector<16xi32>, vector<16xi32>, vector<16xi32>], vector<16xf32>,
      %parallel_loop3A_351 = arith.constant 7 : i32
      %parallel_loop3A_352 = arith.index_cast %parallel_loop3A_19 : i32 to index
      %parallel_loop3A_353 = arith.index_cast %parallel_loop3A_351 : i32 to index
      %parallel_loop3A_354 = arith.constant 64 : index
      %parallel_loop3A_355 = tpu.vector_load %arg8[%parallel_loop3A_352, %parallel_loop3A_353, %parallel_loop3A_354] {strides = array<i32>} : memref<50x8x128xf32, #tpu.memory_space<vmem>>, vector<16xf32>,
      tpu.vector_store %arg8[%parallel_loop3A_352, %parallel_loop3A_353, %parallel_loop3A_354], %parallel_loop3A_350 {strides = array<i32>} : memref<50x8x128xf32, #tpu.memory_space<vmem>>, vector<16xf32>,
      %parallel_loop3A_356 = arith.constant 80 : i32
      %parallel_loop3A_357 = vector.broadcast %parallel_loop3A_356 : i32 to vector<16xi32>
      %parallel_loop3A_358 = arith.addi %iota3A, %parallel_loop3A_357 : vector<16xi32>
      %parallel_loop3A_359 = arith.constant 0 : i32
      %parallel_loop3A_360 = vector.broadcast %parallel_loop3A_359 : i32 to vector<16xi32>
      %parallel_loop3A_361 = tpu.vector_load_idx %arg7[%parallel_loop3A_20, %parallel_loop3A_358, %parallel_loop3A_360] : memref<50x128x8xf32, #tpu.memory_space<vmem>>[vector<16xi32>, vector<16xi32>, vector<16xi32>], vector<16xf32>,
      %parallel_loop3A_362 = arith.constant 0 : i32
      %parallel_loop3A_363 = arith.index_cast %parallel_loop3A_19 : i32 to index
      %parallel_loop3A_364 = arith.index_cast %parallel_loop3A_362 : i32 to index
      %parallel_loop3A_365 = arith.constant 80 : index
      %parallel_loop3A_366 = tpu.vector_load %arg8[%parallel_loop3A_363, %parallel_loop3A_364, %parallel_loop3A_365] {strides = array<i32>} : memref<50x8x128xf32, #tpu.memory_space<vmem>>, vector<16xf32>,
      tpu.vector_store %arg8[%parallel_loop3A_363, %parallel_loop3A_364, %parallel_loop3A_365], %parallel_loop3A_361 {strides = array<i32>} : memref<50x8x128xf32, #tpu.memory_space<vmem>>, vector<16xf32>,
      %parallel_loop3A_367 = arith.constant 1 : i32
      %parallel_loop3A_368 = vector.broadcast %parallel_loop3A_367 : i32 to vector<16xi32>
      %parallel_loop3A_369 = tpu.vector_load_idx %arg7[%parallel_loop3A_20, %parallel_loop3A_358, %parallel_loop3A_368] : memref<50x128x8xf32, #tpu.memory_space<vmem>>[vector<16xi32>, vector<16xi32>, vector<16xi32>], vector<16xf32>,
      %parallel_loop3A_370 = arith.constant 1 : i32
      %parallel_loop3A_371 = arith.index_cast %parallel_loop3A_19 : i32 to index
      %parallel_loop3A_372 = arith.index_cast %parallel_loop3A_370 : i32 to index
      %parallel_loop3A_373 = arith.constant 80 : index
      %parallel_loop3A_374 = tpu.vector_load %arg8[%parallel_loop3A_371, %parallel_loop3A_372, %parallel_loop3A_373] {strides = array<i32>} : memref<50x8x128xf32, #tpu.memory_space<vmem>>, vector<16xf32>,
      tpu.vector_store %arg8[%parallel_loop3A_371, %parallel_loop3A_372, %parallel_loop3A_373], %parallel_loop3A_369 {strides = array<i32>} : memref<50x8x128xf32, #tpu.memory_space<vmem>>, vector<16xf32>,
      %parallel_loop3A_375 = arith.constant 2 : i32
      %parallel_loop3A_376 = vector.broadcast %parallel_loop3A_375 : i32 to vector<16xi32>
      %parallel_loop3A_377 = tpu.vector_load_idx %arg7[%parallel_loop3A_20, %parallel_loop3A_358, %parallel_loop3A_376] : memref<50x128x8xf32, #tpu.memory_space<vmem>>[vector<16xi32>, vector<16xi32>, vector<16xi32>], vector<16xf32>,
      %parallel_loop3A_378 = arith.constant 2 : i32
      %parallel_loop3A_379 = arith.index_cast %parallel_loop3A_19 : i32 to index
      %parallel_loop3A_380 = arith.index_cast %parallel_loop3A_378 : i32 to index
      %parallel_loop3A_381 = arith.constant 80 : index
      %parallel_loop3A_382 = tpu.vector_load %arg8[%parallel_loop3A_379, %parallel_loop3A_380, %parallel_loop3A_381] {strides = array<i32>} : memref<50x8x128xf32, #tpu.memory_space<vmem>>, vector<16xf32>,
      tpu.vector_store %arg8[%parallel_loop3A_379, %parallel_loop3A_380, %parallel_loop3A_381], %parallel_loop3A_377 {strides = array<i32>} : memref<50x8x128xf32, #tpu.memory_space<vmem>>, vector<16xf32>,
      %parallel_loop3A_383 = arith.constant 3 : i32
      %parallel_loop3A_384 = vector.broadcast %parallel_loop3A_383 : i32 to vector<16xi32>
      %parallel_loop3A_385 = tpu.vector_load_idx %arg7[%parallel_loop3A_20, %parallel_loop3A_358, %parallel_loop3A_384] : memref<50x128x8xf32, #tpu.memory_space<vmem>>[vector<16xi32>, vector<16xi32>, vector<16xi32>], vector<16xf32>,
      %parallel_loop3A_386 = arith.constant 3 : i32
      %parallel_loop3A_387 = arith.index_cast %parallel_loop3A_19 : i32 to index
      %parallel_loop3A_388 = arith.index_cast %parallel_loop3A_386 : i32 to index
      %parallel_loop3A_389 = arith.constant 80 : index
      %parallel_loop3A_390 = tpu.vector_load %arg8[%parallel_loop3A_387, %parallel_loop3A_388, %parallel_loop3A_389] {strides = array<i32>} : memref<50x8x128xf32, #tpu.memory_space<vmem>>, vector<16xf32>,
      tpu.vector_store %arg8[%parallel_loop3A_387, %parallel_loop3A_388, %parallel_loop3A_389], %parallel_loop3A_385 {strides = array<i32>} : memref<50x8x128xf32, #tpu.memory_space<vmem>>, vector<16xf32>,
      %parallel_loop3A_391 = arith.constant 4 : i32
      %parallel_loop3A_392 = vector.broadcast %parallel_loop3A_391 : i32 to vector<16xi32>
      %parallel_loop3A_393 = tpu.vector_load_idx %arg7[%parallel_loop3A_20, %parallel_loop3A_358, %parallel_loop3A_392] : memref<50x128x8xf32, #tpu.memory_space<vmem>>[vector<16xi32>, vector<16xi32>, vector<16xi32>], vector<16xf32>,
      %parallel_loop3A_394 = arith.constant 4 : i32
      %parallel_loop3A_395 = arith.index_cast %parallel_loop3A_19 : i32 to index
      %parallel_loop3A_396 = arith.index_cast %parallel_loop3A_394 : i32 to index
      %parallel_loop3A_397 = arith.constant 80 : index
      %parallel_loop3A_398 = tpu.vector_load %arg8[%parallel_loop3A_395, %parallel_loop3A_396, %parallel_loop3A_397] {strides = array<i32>} : memref<50x8x128xf32, #tpu.memory_space<vmem>>, vector<16xf32>,
      tpu.vector_store %arg8[%parallel_loop3A_395, %parallel_loop3A_396, %parallel_loop3A_397], %parallel_loop3A_393 {strides = array<i32>} : memref<50x8x128xf32, #tpu.memory_space<vmem>>, vector<16xf32>,
      %parallel_loop3A_399 = arith.constant 5 : i32
      %parallel_loop3A_400 = vector.broadcast %parallel_loop3A_399 : i32 to vector<16xi32>
      %parallel_loop3A_401 = tpu.vector_load_idx %arg7[%parallel_loop3A_20, %parallel_loop3A_358, %parallel_loop3A_400] : memref<50x128x8xf32, #tpu.memory_space<vmem>>[vector<16xi32>, vector<16xi32>, vector<16xi32>], vector<16xf32>,
      %parallel_loop3A_402 = arith.constant 5 : i32
      %parallel_loop3A_403 = arith.index_cast %parallel_loop3A_19 : i32 to index
      %parallel_loop3A_404 = arith.index_cast %parallel_loop3A_402 : i32 to index
      %parallel_loop3A_405 = arith.constant 80 : index
      %parallel_loop3A_406 = tpu.vector_load %arg8[%parallel_loop3A_403, %parallel_loop3A_404, %parallel_loop3A_405] {strides = array<i32>} : memref<50x8x128xf32, #tpu.memory_space<vmem>>, vector<16xf32>,
      tpu.vector_store %arg8[%parallel_loop3A_403, %parallel_loop3A_404, %parallel_loop3A_405], %parallel_loop3A_401 {strides = array<i32>} : memref<50x8x128xf32, #tpu.memory_space<vmem>>, vector<16xf32>,
      %parallel_loop3A_407 = arith.constant 6 : i32
      %parallel_loop3A_408 = vector.broadcast %parallel_loop3A_407 : i32 to vector<16xi32>
      %parallel_loop3A_409 = tpu.vector_load_idx %arg7[%parallel_loop3A_20, %parallel_loop3A_358, %parallel_loop3A_408] : memref<50x128x8xf32, #tpu.memory_space<vmem>>[vector<16xi32>, vector<16xi32>, vector<16xi32>], vector<16xf32>,
      %parallel_loop3A_410 = arith.constant 6 : i32
      %parallel_loop3A_411 = arith.index_cast %parallel_loop3A_19 : i32 to index
      %parallel_loop3A_412 = arith.index_cast %parallel_loop3A_410 : i32 to index
      %parallel_loop3A_413 = arith.constant 80 : index
      %parallel_loop3A_414 = tpu.vector_load %arg8[%parallel_loop3A_411, %parallel_loop3A_412, %parallel_loop3A_413] {strides = array<i32>} : memref<50x8x128xf32, #tpu.memory_space<vmem>>, vector<16xf32>,
      tpu.vector_store %arg8[%parallel_loop3A_411, %parallel_loop3A_412, %parallel_loop3A_413], %parallel_loop3A_409 {strides = array<i32>} : memref<50x8x128xf32, #tpu.memory_space<vmem>>, vector<16xf32>,
      %parallel_loop3A_415 = arith.constant 7 : i32
      %parallel_loop3A_416 = vector.broadcast %parallel_loop3A_415 : i32 to vector<16xi32>
      %parallel_loop3A_417 = tpu.vector_load_idx %arg7[%parallel_loop3A_20, %parallel_loop3A_358, %parallel_loop3A_416] : memref<50x128x8xf32, #tpu.memory_space<vmem>>[vector<16xi32>, vector<16xi32>, vector<16xi32>], vector<16xf32>,
      %parallel_loop3A_418 = arith.constant 7 : i32
      %parallel_loop3A_419 = arith.index_cast %parallel_loop3A_19 : i32 to index
      %parallel_loop3A_420 = arith.index_cast %parallel_loop3A_418 : i32 to index
      %parallel_loop3A_421 = arith.constant 80 : index
      %parallel_loop3A_422 = tpu.vector_load %arg8[%parallel_loop3A_419, %parallel_loop3A_420, %parallel_loop3A_421] {strides = array<i32>} : memref<50x8x128xf32, #tpu.memory_space<vmem>>, vector<16xf32>,
      tpu.vector_store %arg8[%parallel_loop3A_419, %parallel_loop3A_420, %parallel_loop3A_421], %parallel_loop3A_417 {strides = array<i32>} : memref<50x8x128xf32, #tpu.memory_space<vmem>>, vector<16xf32>,
      %parallel_loop3A_423 = arith.constant 96 : i32
      %parallel_loop3A_424 = vector.broadcast %parallel_loop3A_423 : i32 to vector<16xi32>
      %parallel_loop3A_425 = arith.addi %iota3A, %parallel_loop3A_424 : vector<16xi32>
      %parallel_loop3A_426 = arith.constant 0 : i32
      %parallel_loop3A_427 = vector.broadcast %parallel_loop3A_426 : i32 to vector<16xi32>
      %parallel_loop3A_428 = tpu.vector_load_idx %arg7[%parallel_loop3A_20, %parallel_loop3A_425, %parallel_loop3A_427] : memref<50x128x8xf32, #tpu.memory_space<vmem>>[vector<16xi32>, vector<16xi32>, vector<16xi32>], vector<16xf32>,
      %parallel_loop3A_429 = arith.constant 0 : i32
      %parallel_loop3A_430 = arith.index_cast %parallel_loop3A_19 : i32 to index
      %parallel_loop3A_431 = arith.index_cast %parallel_loop3A_429 : i32 to index
      %parallel_loop3A_432 = arith.constant 96 : index
      %parallel_loop3A_433 = tpu.vector_load %arg8[%parallel_loop3A_430, %parallel_loop3A_431, %parallel_loop3A_432] {strides = array<i32>} : memref<50x8x128xf32, #tpu.memory_space<vmem>>, vector<16xf32>,
      tpu.vector_store %arg8[%parallel_loop3A_430, %parallel_loop3A_431, %parallel_loop3A_432], %parallel_loop3A_428 {strides = array<i32>} : memref<50x8x128xf32, #tpu.memory_space<vmem>>, vector<16xf32>,
      %parallel_loop3A_434 = arith.constant 1 : i32
      %parallel_loop3A_435 = vector.broadcast %parallel_loop3A_434 : i32 to vector<16xi32>
      %parallel_loop3A_436 = tpu.vector_load_idx %arg7[%parallel_loop3A_20, %parallel_loop3A_425, %parallel_loop3A_435] : memref<50x128x8xf32, #tpu.memory_space<vmem>>[vector<16xi32>, vector<16xi32>, vector<16xi32>], vector<16xf32>,
      %parallel_loop3A_437 = arith.constant 1 : i32
      %parallel_loop3A_438 = arith.index_cast %parallel_loop3A_19 : i32 to index
      %parallel_loop3A_439 = arith.index_cast %parallel_loop3A_437 : i32 to index
      %parallel_loop3A_440 = arith.constant 96 : index
      %parallel_loop3A_441 = tpu.vector_load %arg8[%parallel_loop3A_438, %parallel_loop3A_439, %parallel_loop3A_440] {strides = array<i32>} : memref<50x8x128xf32, #tpu.memory_space<vmem>>, vector<16xf32>,
      tpu.vector_store %arg8[%parallel_loop3A_438, %parallel_loop3A_439, %parallel_loop3A_440], %parallel_loop3A_436 {strides = array<i32>} : memref<50x8x128xf32, #tpu.memory_space<vmem>>, vector<16xf32>,
      %parallel_loop3A_442 = arith.constant 2 : i32
      %parallel_loop3A_443 = vector.broadcast %parallel_loop3A_442 : i32 to vector<16xi32>
      %parallel_loop3A_444 = tpu.vector_load_idx %arg7[%parallel_loop3A_20, %parallel_loop3A_425, %parallel_loop3A_443] : memref<50x128x8xf32, #tpu.memory_space<vmem>>[vector<16xi32>, vector<16xi32>, vector<16xi32>], vector<16xf32>,
      %parallel_loop3A_445 = arith.constant 2 : i32
      %parallel_loop3A_446 = arith.index_cast %parallel_loop3A_19 : i32 to index
      %parallel_loop3A_447 = arith.index_cast %parallel_loop3A_445 : i32 to index
      %parallel_loop3A_448 = arith.constant 96 : index
      %parallel_loop3A_449 = tpu.vector_load %arg8[%parallel_loop3A_446, %parallel_loop3A_447, %parallel_loop3A_448] {strides = array<i32>} : memref<50x8x128xf32, #tpu.memory_space<vmem>>, vector<16xf32>,
      tpu.vector_store %arg8[%parallel_loop3A_446, %parallel_loop3A_447, %parallel_loop3A_448], %parallel_loop3A_444 {strides = array<i32>} : memref<50x8x128xf32, #tpu.memory_space<vmem>>, vector<16xf32>,
      %parallel_loop3A_450 = arith.constant 3 : i32
      %parallel_loop3A_451 = vector.broadcast %parallel_loop3A_450 : i32 to vector<16xi32>
      %parallel_loop3A_452 = tpu.vector_load_idx %arg7[%parallel_loop3A_20, %parallel_loop3A_425, %parallel_loop3A_451] : memref<50x128x8xf32, #tpu.memory_space<vmem>>[vector<16xi32>, vector<16xi32>, vector<16xi32>], vector<16xf32>,
      %parallel_loop3A_453 = arith.constant 3 : i32
      %parallel_loop3A_454 = arith.index_cast %parallel_loop3A_19 : i32 to index
      %parallel_loop3A_455 = arith.index_cast %parallel_loop3A_453 : i32 to index
      %parallel_loop3A_456 = arith.constant 96 : index
      %parallel_loop3A_457 = tpu.vector_load %arg8[%parallel_loop3A_454, %parallel_loop3A_455, %parallel_loop3A_456] {strides = array<i32>} : memref<50x8x128xf32, #tpu.memory_space<vmem>>, vector<16xf32>,
      tpu.vector_store %arg8[%parallel_loop3A_454, %parallel_loop3A_455, %parallel_loop3A_456], %parallel_loop3A_452 {strides = array<i32>} : memref<50x8x128xf32, #tpu.memory_space<vmem>>, vector<16xf32>,
      %parallel_loop3A_458 = arith.constant 4 : i32
      %parallel_loop3A_459 = vector.broadcast %parallel_loop3A_458 : i32 to vector<16xi32>
      %parallel_loop3A_460 = tpu.vector_load_idx %arg7[%parallel_loop3A_20, %parallel_loop3A_425, %parallel_loop3A_459] : memref<50x128x8xf32, #tpu.memory_space<vmem>>[vector<16xi32>, vector<16xi32>, vector<16xi32>], vector<16xf32>,
      %parallel_loop3A_461 = arith.constant 4 : i32
      %parallel_loop3A_462 = arith.index_cast %parallel_loop3A_19 : i32 to index
      %parallel_loop3A_463 = arith.index_cast %parallel_loop3A_461 : i32 to index
      %parallel_loop3A_464 = arith.constant 96 : index
      %parallel_loop3A_465 = tpu.vector_load %arg8[%parallel_loop3A_462, %parallel_loop3A_463, %parallel_loop3A_464] {strides = array<i32>} : memref<50x8x128xf32, #tpu.memory_space<vmem>>, vector<16xf32>,
      tpu.vector_store %arg8[%parallel_loop3A_462, %parallel_loop3A_463, %parallel_loop3A_464], %parallel_loop3A_460 {strides = array<i32>} : memref<50x8x128xf32, #tpu.memory_space<vmem>>, vector<16xf32>,
      %parallel_loop3A_466 = arith.constant 5 : i32
      %parallel_loop3A_467 = vector.broadcast %parallel_loop3A_466 : i32 to vector<16xi32>
      %parallel_loop3A_468 = tpu.vector_load_idx %arg7[%parallel_loop3A_20, %parallel_loop3A_425, %parallel_loop3A_467] : memref<50x128x8xf32, #tpu.memory_space<vmem>>[vector<16xi32>, vector<16xi32>, vector<16xi32>], vector<16xf32>,
      %parallel_loop3A_469 = arith.constant 5 : i32
      %parallel_loop3A_470 = arith.index_cast %parallel_loop3A_19 : i32 to index
      %parallel_loop3A_471 = arith.index_cast %parallel_loop3A_469 : i32 to index
      %parallel_loop3A_472 = arith.constant 96 : index
      %parallel_loop3A_473 = tpu.vector_load %arg8[%parallel_loop3A_470, %parallel_loop3A_471, %parallel_loop3A_472] {strides = array<i32>} : memref<50x8x128xf32, #tpu.memory_space<vmem>>, vector<16xf32>,
      tpu.vector_store %arg8[%parallel_loop3A_470, %parallel_loop3A_471, %parallel_loop3A_472], %parallel_loop3A_468 {strides = array<i32>} : memref<50x8x128xf32, #tpu.memory_space<vmem>>, vector<16xf32>,
      %parallel_loop3A_474 = arith.constant 6 : i32
      %parallel_loop3A_475 = vector.broadcast %parallel_loop3A_474 : i32 to vector<16xi32>
      %parallel_loop3A_476 = tpu.vector_load_idx %arg7[%parallel_loop3A_20, %parallel_loop3A_425, %parallel_loop3A_475] : memref<50x128x8xf32, #tpu.memory_space<vmem>>[vector<16xi32>, vector<16xi32>, vector<16xi32>], vector<16xf32>,
      %parallel_loop3A_477 = arith.constant 6 : i32
      %parallel_loop3A_478 = arith.index_cast %parallel_loop3A_19 : i32 to index
      %parallel_loop3A_479 = arith.index_cast %parallel_loop3A_477 : i32 to index
      %parallel_loop3A_480 = arith.constant 96 : index
      %parallel_loop3A_481 = tpu.vector_load %arg8[%parallel_loop3A_478, %parallel_loop3A_479, %parallel_loop3A_480] {strides = array<i32>} : memref<50x8x128xf32, #tpu.memory_space<vmem>>, vector<16xf32>,
      tpu.vector_store %arg8[%parallel_loop3A_478, %parallel_loop3A_479, %parallel_loop3A_480], %parallel_loop3A_476 {strides = array<i32>} : memref<50x8x128xf32, #tpu.memory_space<vmem>>, vector<16xf32>,
      %parallel_loop3A_482 = arith.constant 7 : i32
      %parallel_loop3A_483 = vector.broadcast %parallel_loop3A_482 : i32 to vector<16xi32>
      %parallel_loop3A_484 = tpu.vector_load_idx %arg7[%parallel_loop3A_20, %parallel_loop3A_425, %parallel_loop3A_483] : memref<50x128x8xf32, #tpu.memory_space<vmem>>[vector<16xi32>, vector<16xi32>, vector<16xi32>], vector<16xf32>,
      %parallel_loop3A_485 = arith.constant 7 : i32
      %parallel_loop3A_486 = arith.index_cast %parallel_loop3A_19 : i32 to index
      %parallel_loop3A_487 = arith.index_cast %parallel_loop3A_485 : i32 to index
      %parallel_loop3A_488 = arith.constant 96 : index
      %parallel_loop3A_489 = tpu.vector_load %arg8[%parallel_loop3A_486, %parallel_loop3A_487, %parallel_loop3A_488] {strides = array<i32>} : memref<50x8x128xf32, #tpu.memory_space<vmem>>, vector<16xf32>,
      tpu.vector_store %arg8[%parallel_loop3A_486, %parallel_loop3A_487, %parallel_loop3A_488], %parallel_loop3A_484 {strides = array<i32>} : memref<50x8x128xf32, #tpu.memory_space<vmem>>, vector<16xf32>,
      %parallel_loop3A_490 = arith.constant 112 : i32
      %parallel_loop3A_491 = vector.broadcast %parallel_loop3A_490 : i32 to vector<16xi32>
      %parallel_loop3A_492 = arith.addi %iota3A, %parallel_loop3A_491 : vector<16xi32>
      %parallel_loop3A_493 = arith.constant 0 : i32
      %parallel_loop3A_494 = vector.broadcast %parallel_loop3A_493 : i32 to vector<16xi32>
      %parallel_loop3A_495 = tpu.vector_load_idx %arg7[%parallel_loop3A_20, %parallel_loop3A_492, %parallel_loop3A_494] : memref<50x128x8xf32, #tpu.memory_space<vmem>>[vector<16xi32>, vector<16xi32>, vector<16xi32>], vector<16xf32>,
      %parallel_loop3A_496 = arith.constant 0 : i32
      %parallel_loop3A_497 = arith.index_cast %parallel_loop3A_19 : i32 to index
      %parallel_loop3A_498 = arith.index_cast %parallel_loop3A_496 : i32 to index
      %parallel_loop3A_499 = arith.constant 112 : index
      %parallel_loop3A_500 = tpu.vector_load %arg8[%parallel_loop3A_497, %parallel_loop3A_498, %parallel_loop3A_499] {strides = array<i32>} : memref<50x8x128xf32, #tpu.memory_space<vmem>>, vector<16xf32>,
      tpu.vector_store %arg8[%parallel_loop3A_497, %parallel_loop3A_498, %parallel_loop3A_499], %parallel_loop3A_495 {strides = array<i32>} : memref<50x8x128xf32, #tpu.memory_space<vmem>>, vector<16xf32>,
      %parallel_loop3A_501 = arith.constant 1 : i32
      %parallel_loop3A_502 = vector.broadcast %parallel_loop3A_501 : i32 to vector<16xi32>
      %parallel_loop3A_503 = tpu.vector_load_idx %arg7[%parallel_loop3A_20, %parallel_loop3A_492, %parallel_loop3A_502] : memref<50x128x8xf32, #tpu.memory_space<vmem>>[vector<16xi32>, vector<16xi32>, vector<16xi32>], vector<16xf32>,
      %parallel_loop3A_504 = arith.constant 1 : i32
      %parallel_loop3A_505 = arith.index_cast %parallel_loop3A_19 : i32 to index
      %parallel_loop3A_506 = arith.index_cast %parallel_loop3A_504 : i32 to index
      %parallel_loop3A_507 = arith.constant 112 : index
      %parallel_loop3A_508 = tpu.vector_load %arg8[%parallel_loop3A_505, %parallel_loop3A_506, %parallel_loop3A_507] {strides = array<i32>} : memref<50x8x128xf32, #tpu.memory_space<vmem>>, vector<16xf32>,
      tpu.vector_store %arg8[%parallel_loop3A_505, %parallel_loop3A_506, %parallel_loop3A_507], %parallel_loop3A_503 {strides = array<i32>} : memref<50x8x128xf32, #tpu.memory_space<vmem>>, vector<16xf32>,
      %parallel_loop3A_509 = arith.constant 2 : i32
      %parallel_loop3A_510 = vector.broadcast %parallel_loop3A_509 : i32 to vector<16xi32>
      %parallel_loop3A_511 = tpu.vector_load_idx %arg7[%parallel_loop3A_20, %parallel_loop3A_492, %parallel_loop3A_510] : memref<50x128x8xf32, #tpu.memory_space<vmem>>[vector<16xi32>, vector<16xi32>, vector<16xi32>], vector<16xf32>,
      %parallel_loop3A_512 = arith.constant 2 : i32
      %parallel_loop3A_513 = arith.index_cast %parallel_loop3A_19 : i32 to index
      %parallel_loop3A_514 = arith.index_cast %parallel_loop3A_512 : i32 to index
      %parallel_loop3A_515 = arith.constant 112 : index
      %parallel_loop3A_516 = tpu.vector_load %arg8[%parallel_loop3A_513, %parallel_loop3A_514, %parallel_loop3A_515] {strides = array<i32>} : memref<50x8x128xf32, #tpu.memory_space<vmem>>, vector<16xf32>,
      tpu.vector_store %arg8[%parallel_loop3A_513, %parallel_loop3A_514, %parallel_loop3A_515], %parallel_loop3A_511 {strides = array<i32>} : memref<50x8x128xf32, #tpu.memory_space<vmem>>, vector<16xf32>,
      %parallel_loop3A_517 = arith.constant 3 : i32
      %parallel_loop3A_518 = vector.broadcast %parallel_loop3A_517 : i32 to vector<16xi32>
      %parallel_loop3A_519 = tpu.vector_load_idx %arg7[%parallel_loop3A_20, %parallel_loop3A_492, %parallel_loop3A_518] : memref<50x128x8xf32, #tpu.memory_space<vmem>>[vector<16xi32>, vector<16xi32>, vector<16xi32>], vector<16xf32>,
      %parallel_loop3A_520 = arith.constant 3 : i32
      %parallel_loop3A_521 = arith.index_cast %parallel_loop3A_19 : i32 to index
      %parallel_loop3A_522 = arith.index_cast %parallel_loop3A_520 : i32 to index
      %parallel_loop3A_523 = arith.constant 112 : index
      %parallel_loop3A_524 = tpu.vector_load %arg8[%parallel_loop3A_521, %parallel_loop3A_522, %parallel_loop3A_523] {strides = array<i32>} : memref<50x8x128xf32, #tpu.memory_space<vmem>>, vector<16xf32>,
      tpu.vector_store %arg8[%parallel_loop3A_521, %parallel_loop3A_522, %parallel_loop3A_523], %parallel_loop3A_519 {strides = array<i32>} : memref<50x8x128xf32, #tpu.memory_space<vmem>>, vector<16xf32>,
      %parallel_loop3A_525 = arith.constant 4 : i32
      %parallel_loop3A_526 = vector.broadcast %parallel_loop3A_525 : i32 to vector<16xi32>
      %parallel_loop3A_527 = tpu.vector_load_idx %arg7[%parallel_loop3A_20, %parallel_loop3A_492, %parallel_loop3A_526] : memref<50x128x8xf32, #tpu.memory_space<vmem>>[vector<16xi32>, vector<16xi32>, vector<16xi32>], vector<16xf32>,
      %parallel_loop3A_528 = arith.constant 4 : i32
      %parallel_loop3A_529 = arith.index_cast %parallel_loop3A_19 : i32 to index
      %parallel_loop3A_530 = arith.index_cast %parallel_loop3A_528 : i32 to index
      %parallel_loop3A_531 = arith.constant 112 : index
      %parallel_loop3A_532 = tpu.vector_load %arg8[%parallel_loop3A_529, %parallel_loop3A_530, %parallel_loop3A_531] {strides = array<i32>} : memref<50x8x128xf32, #tpu.memory_space<vmem>>, vector<16xf32>,
      tpu.vector_store %arg8[%parallel_loop3A_529, %parallel_loop3A_530, %parallel_loop3A_531], %parallel_loop3A_527 {strides = array<i32>} : memref<50x8x128xf32, #tpu.memory_space<vmem>>, vector<16xf32>,
      %parallel_loop3A_533 = arith.constant 5 : i32
      %parallel_loop3A_534 = vector.broadcast %parallel_loop3A_533 : i32 to vector<16xi32>
      %parallel_loop3A_535 = tpu.vector_load_idx %arg7[%parallel_loop3A_20, %parallel_loop3A_492, %parallel_loop3A_534] : memref<50x128x8xf32, #tpu.memory_space<vmem>>[vector<16xi32>, vector<16xi32>, vector<16xi32>], vector<16xf32>,
      %parallel_loop3A_536 = arith.constant 5 : i32
      %parallel_loop3A_537 = arith.index_cast %parallel_loop3A_19 : i32 to index
      %parallel_loop3A_538 = arith.index_cast %parallel_loop3A_536 : i32 to index
      %parallel_loop3A_539 = arith.constant 112 : index
      %parallel_loop3A_540 = tpu.vector_load %arg8[%parallel_loop3A_537, %parallel_loop3A_538, %parallel_loop3A_539] {strides = array<i32>} : memref<50x8x128xf32, #tpu.memory_space<vmem>>, vector<16xf32>,
      tpu.vector_store %arg8[%parallel_loop3A_537, %parallel_loop3A_538, %parallel_loop3A_539], %parallel_loop3A_535 {strides = array<i32>} : memref<50x8x128xf32, #tpu.memory_space<vmem>>, vector<16xf32>,
      %parallel_loop3A_541 = arith.constant 6 : i32
      %parallel_loop3A_542 = vector.broadcast %parallel_loop3A_541 : i32 to vector<16xi32>
      %parallel_loop3A_543 = tpu.vector_load_idx %arg7[%parallel_loop3A_20, %parallel_loop3A_492, %parallel_loop3A_542] : memref<50x128x8xf32, #tpu.memory_space<vmem>>[vector<16xi32>, vector<16xi32>, vector<16xi32>], vector<16xf32>,
      %parallel_loop3A_544 = arith.constant 6 : i32
      %parallel_loop3A_545 = arith.index_cast %parallel_loop3A_19 : i32 to index
      %parallel_loop3A_546 = arith.index_cast %parallel_loop3A_544 : i32 to index
      %parallel_loop3A_547 = arith.constant 112 : index
      %parallel_loop3A_548 = tpu.vector_load %arg8[%parallel_loop3A_545, %parallel_loop3A_546, %parallel_loop3A_547] {strides = array<i32>} : memref<50x8x128xf32, #tpu.memory_space<vmem>>, vector<16xf32>,
      tpu.vector_store %arg8[%parallel_loop3A_545, %parallel_loop3A_546, %parallel_loop3A_547], %parallel_loop3A_543 {strides = array<i32>} : memref<50x8x128xf32, #tpu.memory_space<vmem>>, vector<16xf32>,
      %parallel_loop3A_549 = arith.constant 7 : i32
      %parallel_loop3A_550 = vector.broadcast %parallel_loop3A_549 : i32 to vector<16xi32>
      %parallel_loop3A_551 = tpu.vector_load_idx %arg7[%parallel_loop3A_20, %parallel_loop3A_492, %parallel_loop3A_550] : memref<50x128x8xf32, #tpu.memory_space<vmem>>[vector<16xi32>, vector<16xi32>, vector<16xi32>], vector<16xf32>,
      %parallel_loop3A_552 = arith.constant 7 : i32
      %parallel_loop3A_553 = arith.index_cast %parallel_loop3A_19 : i32 to index
      %parallel_loop3A_554 = arith.index_cast %parallel_loop3A_552 : i32 to index
      %parallel_loop3A_555 = arith.constant 112 : index
      %parallel_loop3A_556 = tpu.vector_load %arg8[%parallel_loop3A_553, %parallel_loop3A_554, %parallel_loop3A_555] {strides = array<i32>} : memref<50x8x128xf32, #tpu.memory_space<vmem>>, vector<16xf32>,
      tpu.vector_store %arg8[%parallel_loop3A_553, %parallel_loop3A_554, %parallel_loop3A_555], %parallel_loop3A_551 {strides = array<i32>} : memref<50x8x128xf32, #tpu.memory_space<vmem>>, vector<16xf32>,
    } {sc.loop_unroll_factor = 1 : i64, sc.parallel_access}
    "tpu.region"() ({
      %run_scoped3A = tpu.sem_alloc : memref<!tpu.dma_semaphore, #tpu.memory_space<semaphore_mem>>
      %dma_start3A = arith.constant 0 : i32
      %dma_start3A_19 = arith.constant 0 : i32
      %dma_start3A_20 = arith.constant 0 : i32
      %dma_start3A_21 = tpu.memref_slice %arg4[%dma_start3A, %add3A, %dma_start3A_19, %dma_start3A_20] : memref<50x32x8x128xf32, #tpu.memory_space<hbm>> -> memref<50x1x8x128xf32, #tpu.memory_space<hbm>>
      %dma_start3A_22 = tpu.memref_squeeze %dma_start3A_21 : memref<50x1x8x128xf32, #tpu.memory_space<hbm>> -> memref<50x8x128xf32, #tpu.memory_space<hbm>>
      %dma_start3A_23 = arith.constant 0 : i32
      %dma_start3A_24 = arith.constant 0 : i32
      %dma_start3A_25 = arith.constant 0 : i32
      %dma_start3A_26 = tpu.memref_slice %arg4[%dma_start3A_23, %add3A, %dma_start3A_24, %dma_start3A_25] : memref<50x32x8x128xf32, #tpu.memory_space<hbm>> -> memref<50x1x8x128xf32, #tpu.memory_space<hbm>>
      %dma_start3A_27 = tpu.memref_squeeze %dma_start3A_26 : memref<50x1x8x128xf32, #tpu.memory_space<hbm>> -> memref<50x8x128xf32, #tpu.memory_space<hbm>>
      tpu.enqueue_dma source(%arg8 : memref<50x8x128xf32, #tpu.memory_space<vmem>>) target(%dma_start3A_27 : memref<50x8x128xf32, #tpu.memory_space<hbm>>) target_semaphore(%run_scoped3A : memref<!tpu.dma_semaphore, #tpu.memory_space<semaphore_mem>>)
      %dma_wait3A = arith.constant 0 : i32
      %dma_wait3A_28 = arith.constant 0 : i32
      %dma_wait3A_29 = arith.constant 0 : i32
      %dma_wait3A_30 = tpu.memref_slice %arg4[%dma_wait3A, %add3A, %dma_wait3A_28, %dma_wait3A_29] : memref<50x32x8x128xf32, #tpu.memory_space<hbm>> -> memref<50x1x8x128xf32, #tpu.memory_space<hbm>>
      %dma_wait3A_31 = tpu.memref_squeeze %dma_wait3A_30 : memref<50x1x8x128xf32, #tpu.memory_space<hbm>> -> memref<50x8x128xf32, #tpu.memory_space<hbm>>
      %dma_wait3A_32 = arith.constant 0 : i32
      %dma_wait3A_33 = arith.constant 0 : i32
      %dma_wait3A_34 = arith.constant 0 : i32
      %dma_wait3A_35 = tpu.memref_slice %arg4[%dma_wait3A_32, %add3A, %dma_wait3A_33, %dma_wait3A_34] : memref<50x32x8x128xf32, #tpu.memory_space<hbm>> -> memref<50x1x8x128xf32, #tpu.memory_space<hbm>>
      %dma_wait3A_36 = tpu.memref_squeeze %dma_wait3A_35 : memref<50x1x8x128xf32, #tpu.memory_space<hbm>> -> memref<50x8x128xf32, #tpu.memory_space<hbm>>
      tpu.wait_dma2 semaphore(%run_scoped3A : memref<!tpu.dma_semaphore, #tpu.memory_space<semaphore_mem>>) src(%arg8 : memref<50x8x128xf32, #tpu.memory_space<vmem>>) dst(%dma_wait3A_36 : memref<50x8x128xf32, #tpu.memory_space<hbm>>)
      tpu.yield
    }) : () -> ()
    return
  }
}

module attributes {stable_mosaic.version = 14 : i64} {
  func.func @_fold_body(%arg0: i32, %arg1: memref<12544x128xf32, #tpu.memory_space<vmem>>, %arg2: memref<8x128xf32, #tpu.memory_space<vmem>>, %arg3: memref<1x8xf32, #tpu.memory_space<vmem>>, %arg4: memref<784x128xf32, #tpu.memory_space<vmem>>) attributes {dimension_semantics = [#tpu.dimension_semantics<arbitrary>], iteration_bounds = array<i64: 8>, scalar_prefetch = 0 : i64, scratch_operands = 0 : i64, tpu.core_type = #tpu.core_type<tc>, window_params = [{transform_indices = @transform_0, window_bounds = array<i64: 12544, 128>}, {pipeline_mode = #tpu.pipeline_mode<synchronous>, transform_indices = @transform_1, window_bounds = array<i64: 8, 128>}, {pipeline_mode = #tpu.pipeline_mode<synchronous>, transform_indices = @transform_2, window_bounds = array<i64: 1, 8>}, {transform_indices = @transform_3, window_bounds = array<i64: 784, 128>}]} {
    %get3A = arith.constant 0 : index
    %get3A_0 = arith.constant 0 : index
    %get3A_1 = vector.load %arg1[%get3A, %get3A_0] : memref<12544x128xf32, #tpu.memory_space<vmem>>, vector<12544x128xf32>
    %get3A_2 = arith.constant 0 : index
    %get3A_3 = arith.constant 0 : index
    %get3A_4 = vector.load %arg2[%get3A_2, %get3A_3] : memref<8x128xf32, #tpu.memory_space<vmem>>, vector<8x128xf32>
    %dot_general3A = arith.constant dense<0.000000e+00> : vector<12544x8xf32>
    %dot_general3A_5 = tpu.matmul %get3A_1, %get3A_4, %dot_general3A {dimension_numbers = #tpu.dot_dimension_numbers<[1], [1], [0], [0], [0, 0, 1, 0], [], []>, transpose_lhs_hint = false} : vector<12544x128xf32>, vector<8x128xf32>, vector<12544x8xf32> -> vector<12544x8xf32>
    %get3A_6 = arith.constant 0 : index
    %get3A_7 = arith.constant 0 : index
    %get3A_8 = vector.load %arg3[%get3A_6, %get3A_7] : memref<1x8xf32, #tpu.memory_space<vmem>>, vector<1x8xf32>
    %add3A = vector.broadcast %get3A_8 : vector<1x8xf32> to vector<12544x8xf32>
    %add3A_9 = arith.addf %dot_general3A_5, %add3A : vector<12544x8xf32>
    %reshape3A = vector.shape_cast %add3A_9 : vector<12544x8xf32> to vector<784x16x8xf32>
    %slice3A = vector.extract_strided_slice %reshape3A {offsets = [0, 0, 0], sizes = [784, 1, 8], strides = [1, 1, 1]} : vector<784x16x8xf32> to vector<784x1x8xf32>
    %squeeze3A = vector.shape_cast %slice3A : vector<784x1x8xf32> to vector<784x8xf32>
    %slice3A_10 = vector.extract_strided_slice %reshape3A {offsets = [0, 1, 0], sizes = [784, 1, 8], strides = [1, 1, 1]} : vector<784x16x8xf32> to vector<784x1x8xf32>
    %squeeze3A_11 = vector.shape_cast %slice3A_10 : vector<784x1x8xf32> to vector<784x8xf32>
    %slice3A_12 = vector.extract_strided_slice %reshape3A {offsets = [0, 2, 0], sizes = [784, 1, 8], strides = [1, 1, 1]} : vector<784x16x8xf32> to vector<784x1x8xf32>
    %squeeze3A_13 = vector.shape_cast %slice3A_12 : vector<784x1x8xf32> to vector<784x8xf32>
    %slice3A_14 = vector.extract_strided_slice %reshape3A {offsets = [0, 3, 0], sizes = [784, 1, 8], strides = [1, 1, 1]} : vector<784x16x8xf32> to vector<784x1x8xf32>
    %squeeze3A_15 = vector.shape_cast %slice3A_14 : vector<784x1x8xf32> to vector<784x8xf32>
    %slice3A_16 = vector.extract_strided_slice %reshape3A {offsets = [0, 4, 0], sizes = [784, 1, 8], strides = [1, 1, 1]} : vector<784x16x8xf32> to vector<784x1x8xf32>
    %squeeze3A_17 = vector.shape_cast %slice3A_16 : vector<784x1x8xf32> to vector<784x8xf32>
    %slice3A_18 = vector.extract_strided_slice %reshape3A {offsets = [0, 5, 0], sizes = [784, 1, 8], strides = [1, 1, 1]} : vector<784x16x8xf32> to vector<784x1x8xf32>
    %squeeze3A_19 = vector.shape_cast %slice3A_18 : vector<784x1x8xf32> to vector<784x8xf32>
    %slice3A_20 = vector.extract_strided_slice %reshape3A {offsets = [0, 6, 0], sizes = [784, 1, 8], strides = [1, 1, 1]} : vector<784x16x8xf32> to vector<784x1x8xf32>
    %squeeze3A_21 = vector.shape_cast %slice3A_20 : vector<784x1x8xf32> to vector<784x8xf32>
    %slice3A_22 = vector.extract_strided_slice %reshape3A {offsets = [0, 7, 0], sizes = [784, 1, 8], strides = [1, 1, 1]} : vector<784x16x8xf32> to vector<784x1x8xf32>
    %squeeze3A_23 = vector.shape_cast %slice3A_22 : vector<784x1x8xf32> to vector<784x8xf32>
    %slice3A_24 = vector.extract_strided_slice %reshape3A {offsets = [0, 8, 0], sizes = [784, 1, 8], strides = [1, 1, 1]} : vector<784x16x8xf32> to vector<784x1x8xf32>
    %squeeze3A_25 = vector.shape_cast %slice3A_24 : vector<784x1x8xf32> to vector<784x8xf32>
    %slice3A_26 = vector.extract_strided_slice %reshape3A {offsets = [0, 9, 0], sizes = [784, 1, 8], strides = [1, 1, 1]} : vector<784x16x8xf32> to vector<784x1x8xf32>
    %squeeze3A_27 = vector.shape_cast %slice3A_26 : vector<784x1x8xf32> to vector<784x8xf32>
    %slice3A_28 = vector.extract_strided_slice %reshape3A {offsets = [0, 10, 0], sizes = [784, 1, 8], strides = [1, 1, 1]} : vector<784x16x8xf32> to vector<784x1x8xf32>
    %squeeze3A_29 = vector.shape_cast %slice3A_28 : vector<784x1x8xf32> to vector<784x8xf32>
    %slice3A_30 = vector.extract_strided_slice %reshape3A {offsets = [0, 11, 0], sizes = [784, 1, 8], strides = [1, 1, 1]} : vector<784x16x8xf32> to vector<784x1x8xf32>
    %squeeze3A_31 = vector.shape_cast %slice3A_30 : vector<784x1x8xf32> to vector<784x8xf32>
    %slice3A_32 = vector.extract_strided_slice %reshape3A {offsets = [0, 12, 0], sizes = [784, 1, 8], strides = [1, 1, 1]} : vector<784x16x8xf32> to vector<784x1x8xf32>
    %squeeze3A_33 = vector.shape_cast %slice3A_32 : vector<784x1x8xf32> to vector<784x8xf32>
    %slice3A_34 = vector.extract_strided_slice %reshape3A {offsets = [0, 13, 0], sizes = [784, 1, 8], strides = [1, 1, 1]} : vector<784x16x8xf32> to vector<784x1x8xf32>
    %squeeze3A_35 = vector.shape_cast %slice3A_34 : vector<784x1x8xf32> to vector<784x8xf32>
    %slice3A_36 = vector.extract_strided_slice %reshape3A {offsets = [0, 14, 0], sizes = [784, 1, 8], strides = [1, 1, 1]} : vector<784x16x8xf32> to vector<784x1x8xf32>
    %squeeze3A_37 = vector.shape_cast %slice3A_36 : vector<784x1x8xf32> to vector<784x8xf32>
    %slice3A_38 = vector.extract_strided_slice %reshape3A {offsets = [0, 15, 0], sizes = [784, 1, 8], strides = [1, 1, 1]} : vector<784x16x8xf32> to vector<784x1x8xf32>
    %squeeze3A_39 = vector.shape_cast %slice3A_38 : vector<784x1x8xf32> to vector<784x8xf32>
    %concatenate3A = tpu.concatenate %squeeze3A, %squeeze3A_11, %squeeze3A_13, %squeeze3A_15, %squeeze3A_17, %squeeze3A_19, %squeeze3A_21, %squeeze3A_23, %squeeze3A_25, %squeeze3A_27, %squeeze3A_29, %squeeze3A_31, %squeeze3A_33, %squeeze3A_35, %squeeze3A_37, %squeeze3A_39 in 1 : vector<784x8xf32>, vector<784x8xf32>, vector<784x8xf32>, vector<784x8xf32>, vector<784x8xf32>, vector<784x8xf32>, vector<784x8xf32>, vector<784x8xf32>, vector<784x8xf32>, vector<784x8xf32>, vector<784x8xf32>, vector<784x8xf32>, vector<784x8xf32>, vector<784x8xf32>, vector<784x8xf32>, vector<784x8xf32> -> vector<784x128xf32>
    %swap3A = arith.constant 0 : index
    %swap3A_40 = arith.constant 0 : index
    %swap3A_41 = vector.load %arg4[%swap3A, %swap3A_40] : memref<784x128xf32, #tpu.memory_space<vmem>>, vector<784x128xf32>
    tpu.vector_store %arg4[%swap3A, %swap3A_40], %concatenate3A {strides = array<i32>} : memref<784x128xf32, #tpu.memory_space<vmem>>, vector<784x128xf32>,
    return
  }
  func.func @transform_0(%arg0: i32) -> (i32, i32) {
    %c0_i32 = arith.constant 0 : i32
    %c0_i32_0 = arith.constant 0 : i32
    return %arg0, %c0_i32 : i32, i32
  }
  func.func @transform_1(%arg0: i32) -> (i32, i32) {
    %c0_i32 = arith.constant 0 : i32
    %c0_i32_0 = arith.constant 0 : i32
    %c0_i32_1 = arith.constant 0 : i32
    return %c0_i32, %c0_i32_0 : i32, i32
  }
  func.func @transform_2(%arg0: i32) -> (i32, i32) {
    %c0_i32 = arith.constant 0 : i32
    %c0_i32_0 = arith.constant 0 : i32
    %c0_i32_1 = arith.constant 0 : i32
    return %c0_i32, %c0_i32_0 : i32, i32
  }
  func.func @transform_3(%arg0: i32) -> (i32, i32) {
    %c0_i32 = arith.constant 0 : i32
    %c0_i32_0 = arith.constant 0 : i32
    return %arg0, %c0_i32 : i32, i32
  }
}

</mosaic_0001>

<sc_bundles>
// kernel: kernel.4.cloned.1.call-start
scs
__scs_entry_jumppad:
0x0: {  	(pc) =	sbr.rel $0x88, $3  }
0x1: {  	(tag) =	ssettag $0x0;
	lr =	simm.s32 $0x1  }
0x2: {  	[smem:$0x3F9D] =	sst lr;
	_ =	strace $0xD0000000  }
0x3: {  	_ = 	snop  }
0x4: {  	_ = 	snop  }
0x5: {  	_ = 	snop  }
0x6: {  	_ = 	snop  }
0x7: {  	_ = 	snop  }
__scs_overlays_trampoline_lowered:
0x8: {  	[smem:$0x3FAC] =	sst s0  }
0x9: {  	[smem:$0x3FAD] =	sst s1  }
0xa: {  	[smem:$0x3FAE] =	sst s2  }
0xb: {  	[smem:$0x3FAF] =	sst s3  }
0xc: {  	[smem:$0x3FB0] =	sst s4  }
0xd: {  	[smem:$0x3FB1] =	sst s5  }
0xe: {  	[smem:$0x3FB2] =	sst s6  }
0xf: {  	[smem:$0x3FB3] =	sst s7  }
0x10: {  	[smem:$0x3FB4] =	sst s8  }
0x11: {  	[smem:$0x3FB5] =	sst s9;
	s0 =	simm.s32 @!p0 $0x0  }
0x12: {  	s1 =	sld [smem:$0x3F9B];
	s0 =	simm.s32 @p0 $0x1  }
0x13: {  	[smem:$0x3FB6] =	sst s0;
	s0 =	simm.s32 @!p1 $0x0  }
0x14: {  	s2 =	sld [smem:$0x3F9A];
	s0 =	simm.s32 @p1 $0x1  }
0x15: {  	[smem:$0x3FB7] =	sst s0;
	s0 =	simm.s32 @!p2 $0x0  }
0x16: {  	s3 =	sld [smem:$0x3FDB];
	s0 =	simm.s32 @p2 $0x1  }
0x17: {  	s4 =	simm.s32 $0x1BF5;
	[smem:$0x3FB9] =	sst s0  }
0x18: {  	s0 =	sld [smem:$0x3F9C];
	_ =	swait.ge [sflag:s4], $0x0  }
0x19: {  	s7 =	sld [smem:$0x3F9D]  }
0x1a: {  	s8 =	sadd.s32 $0xFFFFE003, lr  }
0x1b: {  	s9 =	sadd.s32 $0xFFFFFEF7, lr;
	s5 =	simm.s32 $0xFFFFFFFF;
	p2 =	slt.u32 s8, $0xFFFFF086  }
0x1c: {  	p1 =	slt.u32 s9, $0xF7A;
	s5 =	simm.s32 @!p2 $0x0  }
0x1d: {  	s5 =	simm.s32 @p1 $0x1;
	p0 =	seq.s32 s7, s2  }
0x1e: {  	s7 =	smul.u32 @!p0 $0xF7A, s2;
	p2 =	seq.s32 @!p0 s5, $0x0  }
0x1f: {  	s9 =	smul.u32 $0xF7A, s1;
	s8 =	simm.s32 @!p0 $0x1BF5;
	p2 =	por !p2, p0  }
0x20: {  	[sflag:s8] =	ssyncset.s32 @!p0 $0xFFFFF086;
	s6 =	sadd.s32 @!p0 s3, s7;
	s7 =	simm.s32 @!p0 $0x108  }
0x21: {  	s3 =	sadd.s32 s3, s9;
	s6 =	sadd.s32 @!p0 $0x88, s6;
	s7 =	simm.s32 @p2 $0x1082  }
0x22: {  	[simem:s7], [sflag:s8] =	dma.local @!p0 [hbm:s6], $0xF7A  }
0x23: {  	s9 =	sor.u32 $0xD0000000, s2;
	s6 =	simm.s32 $0x108;
	_ =	swait.ge @!p0 [sflag:s8], $0x0  }
0x24: {  	s3 =	sadd.s32 $0x88, s3;
	s6 =	simm.s32 @!p1 $0x1082;
	[sflag:s4] =	ssyncset.s32 $0xFFFFF086  }
0x25: {  	[simem:s6], [sflag:s4] =	dma.local [hbm:s3], $0xF7A  }
0x26: {  	[smem:$0x3F9D] =	sst s1;
	(tag) =	ssettag s2;
	_ =	strace s9  }
0x27: {  	s1 =	sld [smem:$0x3FAD]  }
0x28: {  	s2 =	sld [smem:$0x3FAE]  }
0x29: {  	s4 =	sld [smem:$0x3FB0]  }
0x2a: {  	p0 =	seq.s32 s5, $0x0;
	s5 =	sld [smem:$0x3FB1]  }
0x2b: {  	s6 =	sld [smem:$0x3FB2]  }
0x2c: {  	s7 =	sld [smem:$0x3FB3]  }
0x2d: {  	s3 =	simm.s32 $0x108;
	s8 =	sld [smem:$0x3FB4]  }
0x2e: {  	s3 =	simm.s32 @!p0 $0x1082;
	s9 =	sld [smem:$0x3FB5]  }
0x2f: {  	lr =	sadd.s32 s0, s3;
	s0 =	sld [smem:$0x3FAC]  }
0x30: {  	s3 =	sld [smem:$0x3FAF]  }
0x31: {  	[smem:$0x3FB8] =	sst s10  }
0x32: {  	s10 =	sld [smem:$0x3FB6];
	_ =	sdelay $0x3  }
0x33: {  	p0 =	seq.s32 s10, $0x1;
	s10 =	sld [smem:$0x3FB8];
	_ =	sdelay $0x3  }
0x34: {  	[smem:$0x3FB8] =	sst s10  }
0x35: {  	s10 =	sld [smem:$0x3FB7];
	_ =	sdelay $0x3  }
0x36: {  	p1 =	seq.s32 s10, $0x1;
	s10 =	sld [smem:$0x3FB8];
	_ =	sdelay $0x3  }
0x37: {  	[smem:$0x3FB8] =	sst s10  }
0x38: {  	s10 =	sld [smem:$0x3FB9]  }
0x39: {  	_ = 	snop;
	(pc) =	sbr.ind lr, $3  }
0x3a: {  	_ = 	snop  }
0x3b: {  	_ = 	snop  }
0x3c: {  	p2 =	seq.s32 s10, $0x1;
	s10 =	sld [smem:$0x3FB8]  }
0x3d: {  	_ =	shalt  }
0x3e: {  	_ =	shalt  }
0x3f: {  	_ =	shalt  }
0x40: {  	_ =	shalt  }
0x41: {  	_ =	shalt  }
0x42: {  	_ =	shalt  }
0x43: {  	_ =	shalt  }
0x44: {  	_ =	shalt  }
0x45: {  	_ =	shalt  }
0x46: {  	_ =	shalt  }
0x47: {  	_ =	shalt  }
0x48: {  	_ =	shalt  }
0x49: {  	_ =	shalt  }
0x4a: {  	_ =	shalt  }
0x4b: {  	_ =	shalt  }
0x4c: {  	_ =	shalt  }
0x4d: {  	_ =	shalt  }
0x4e: {  	_ =	shalt  }
0x4f: {  	_ =	shalt  }
0x50: {  	_ =	shalt  }
0x51: {  	_ =	shalt  }
0x52: {  	_ =	shalt  }
0x53: {  	_ =	shalt  }
0x54: {  	_ =	shalt  }
0x55: {  	_ =	shalt  }
0x56: {  	_ =	shalt  }
0x57: {  	_ =	shalt  }
0x58: {  	_ =	shalt  }
0x59: {  	_ =	shalt  }
0x5a: {  	_ =	shalt  }
0x5b: {  	_ =	shalt  }
0x5c: {  	_ =	shalt  }
0x5d: {  	_ =	shalt  }
0x5e: {  	_ =	shalt  }
0x5f: {  	_ =	shalt  }
0x60: {  	_ =	shalt  }
0x61: {  	_ =	shalt  }
0x62: {  	_ =	shalt  }
0x63: {  	_ =	shalt  }
0x64: {  	_ =	shalt  }
0x65: {  	_ =	shalt  }
0x66: {  	_ =	shalt  }
0x67: {  	_ =	shalt  }
0x68: {  	_ =	shalt  }
0x69: {  	_ =	shalt  }
0x6a: {  	_ =	shalt  }
0x6b: {  	_ =	shalt  }
0x6c: {  	_ =	shalt  }
0x6d: {  	_ =	shalt  }
0x6e: {  	_ =	shalt  }
0x6f: {  	_ =	shalt  }
0x70: {  	_ =	shalt  }
0x71: {  	_ =	shalt  }
0x72: {  	_ =	shalt  }
0x73: {  	_ =	shalt  }
0x74: {  	_ =	shalt  }
0x75: {  	_ =	shalt  }
0x76: {  	_ =	shalt  }
0x77: {  	_ =	shalt  }
0x78: {  	_ =	shalt  }
0x79: {  	_ =	shalt  }
0x7a: {  	_ =	shalt  }
0x7b: {  	_ =	shalt  }
0x7c: {  	_ =	shalt  }
0x7d: {  	_ =	shalt  }
0x7e: {  	_ =	shalt  }
0x7f: {  	_ =	shalt  }
0x80: {  	_ =	shalt  }
0x81: {  	_ =	shalt  }
0x82: {  	_ =	shalt  }
0x83: {  	_ =	shalt  }
0x84: {  	_ =	shalt  }
0x85: {  	_ =	shalt  }
0x86: {  	_ =	shalt  }
0x87: {  	_ =	shalt  }
.Lfunc_end0:
.L_simem_size_0:
called_computation_lowered:
.L_overlay_start_0:
0x88: {  	s2 =	sld [smem:$0x3FD9]  }
0x89: {  	s3 =	sld [smem:$0x3FFE];
	_ =	sdelay $0x1  }
0x8a: {  	s1 =	srdreg.scid  }
0x8b: {  	s0 =	sand.u32 $0x1, s1  }
0x8c: {  	s17 =	sshll.u32 s0, $0xA;
	s2 =	sadd.s32 s3, s2  }
0x8d: {  	s2 =	sadd.s32 s2, s17  }
0x8e: {  	[smem:$0x3FC4] =	sst s2  }
0x8f: {  	_ = 	snop  }
0x90: {  	s2 =	sld [smem:$0x3FD0];
	(tm) =	ssettm $0x1  }
0x91: {  	s18 =	sld [smem:$0x3FFB];
	_ =	sdelay $0x3  }
0x92: {  	_ =	strace s18  }
0x93: {  	s3 =	sld [smem:$0x3FFC];
	_ =	sdelay $0x3  }
0x94: {  	_ =	strace s3  }
0x95: {  	s3 =	sld [smem:$0x3FFD];
	_ =	sdelay $0x3  }
0x96: {  	_ =	strace s3  }
0x97: {  	_ =	strace $0x8FFFFFFF  }
0x98: {  	s19 =	sld [smem:$0x3FDB];
	_ =	sdelay $0x1  }
0x99: {  	s4 =	simm.s32 $_scs_section_size  }
0x9a: {  	s5 =	simm.s32 $_size__tile_overlayer_lowered;
	s6 =	simm.s32 $_tile_overlayer_lowered  }
0x9b: {  	s22 =	simm.s32 $0x1BFF;
	s21 =	sshll.u32 s6, $0x1;
	s3 =	sadd.s32 s4, s19  }
0x9c: {  	s7 =	simm.s32 $0x0;
	s20 =	sshll.u32 s5, $0x1;
	s5 =	sadd.s32 s21, s3  }
0x9d: {  	[timem:s7], [sflag:s22] =	dma.local [hbm:s5], s20  }
0x9e: {  	_ =	swait.ge [sflag:s22], s20  }
0x9f: {  	s4 =	ssub.s32 $0x0, s20;
	[sflag:s22] =	ssyncset.done $0x0  }
0xa0: {  	[sflag:s22] =	ssyncadd.s32 s4;
	_ =	sdelay $0x1  }
0xa1: {  	s23 =	simm.s32 $0x1B8B  }
0xa2: {  	_ =	swait.ge [sflag:s23], $0x1  }
0xa3: {  	[sflag:s23] =	ssyncset.done $0x0  }
0xa4: {  	s25 =	simm.s32 $0x1B8E;
	s24 =	sld [smem:$0x3FFE];
	[sflag:s23] =	ssyncadd.s32 $0xFFFFFFFF  }
0xa5: {  	s26 =	simm.s32 $execute0_lowered;
	[smem:$0x3FD2] =	sst s25  }
0xa6: {  	s5 =	sshll.u32 s26, $0x1;
	_ =	strace $0x80000046;
	[dreg:$0x1] =	wrdreg $0xFFFFFFFF  }
0xa7: {  	s28 =	simm.s32 $_size_execute0_lowered;
	s3 =	sadd.s32 s3, s5;
	[dreg:$0x0] =	wrdreg $0x0  }
0xa8: {  	s5 =	sshll.u32 s28, $0x1;
	[dreg:$0x2] =	wrdreg s3  }
0xa9: {  	[dreg:$0x3] =	wrdreg s5  }
0xaa: {  	[dreg:$0x4] =	wrdreg $0xC0  }
0xab: {  	_ =	task [dreg:s7], $0x5FFFF  }
0xac: {  	[dreg:$0x1] =	wrdreg $0xFFFFFFFF  }
0xad: {  	[dreg:$0x0] =	wrdreg $0x60  }
0xae: {  	[dreg:$0x2] =	wrdreg s24  }
0xaf: {  	[dreg:$0x3] =	wrdreg s2  }
0xb0: {  	[dreg:$0x4] =	wrdreg $0x9  }
0xb1: {  	_ =	task.clear_ibuf [dreg:s7], $0x5FFFF;
	_ =	strace $0x90000046  }
0xb2: {  	s29 =	simm.s32 $0x9;
	_ =	strace $0x80000048  }
0xb3: {  	_ =	swait.ge [sflag:s29], $0x1  }
0xb4: {  	[sflag:s29] =	ssyncadd.s32 $0xFFFFFFFF  }
0xb5: {  	_ =	strace $0x90000048  }
0xb6: {  	_ =	sfence  }
0xb7: {  	s30 =	sld [smem:$0x0];
	_ =	sdelay $0x2  }
0xb8: {  	s31 =	sshll.u32 s1, $0xD;
	s1 =	sshrl.u32 s1, $0x2  }
0xb9: {  	s3 =	sand.u32 $0x4000, s31;
	s1 =	sadd.s32 s1, s30  }
0xba: {  	s0 =	sor.u32 s3, s0;
	s1 =	sshll.u32 s1, $0x11  }
0xbb: {  	s0 =	sor.u32 s1, s0  }
0xbc: {  	s0 =	sadd.s32 $0x8F2B, s0  }
0xbd: {  	[sflag:s0] =	ssyncadd.remote.s32 $0x1  }
0xbe: {  	_ =	sfence.sel $0xFFFF  }
0xbf: {  	[dreg:$0x0] =	wrdreg $0xFFFFFFFF;
	(pc) =	sbr.abs _section_cstart, $3  }
0xc0: {  	[dreg:$0x1] =	wrdreg $0xFFFFFFFF  }
0xc1: {  	_ =	task.clear_ibuf [dreg:s7], $0x2FFFF;
	_ =	strace $0x9FFFFFFF  }
0xc2: {  	(tm) =	ssettm $0x7FFFFFFF  }
0xc3: {  	_ =	shalt  }
tec
execute0_lowered:
.L_overlay_start_1:
0x0: {  	(tag) =	ssettag $0x1  }
0x1: {  	v0 =	vlaneseq.u32  }
0x2: {  	v1 =	vmul.u32 $0x8, v0;
	_ =	sdelay $0x1  }
0x3: {  	v3 =	vmul.u32 $0x38, v0;
	v0 =	vor.u32 $0x1, v1  }
0x4: {  	[tilespmem:$0x1FCC0] =	vst v0;
	v0 =	vor.u32 $0x4, v1  }
0x5: {  	[tilespmem:$0x1FCD0] =	vst v0;
	v0 =	vor.u32 $0x7, v1  }
0x6: {  	s4 =	rddreg [dreg:$0x0];
	[tilespmem:$0x1FCE0] =	vst v0;
	v0 =	vor.u32 $0x81, v1  }
0x7: {  	s5 =	rddreg [dreg:$0x1];
	s2 =	simm.s32 $0x0;
	[tilespmem:$0x1FCF0] =	vst v0;
	v0 =	vor.u32 $0x82, v1  }
0x8: {  	s1 =	srdreg.scid;
	[smem:$0x7FF] =	sst s2;
	[tilespmem:$0x1FD00] =	vst v0;
	v0 =	vor.u32 $0x284, v1  }
0x9: {  	s6 =	sand.u32 $0x1, s1;
	s1 =	rddreg [dreg:$0x2];
	_ =	strace $0x80000047;
	[tilespmem:$0x1FD10] =	vst v0  }
0xa: {  	[tilespmem:$0x1FD30] =	vst v1  }
0xb: {  	v24 =	vadd.s32 $0x380, v3;
	[tilespmem:$0x1FD50] =	vst v3  }
0xc: {  	v20 =	vadd.s32 $0x700, v3;
	[tilespmem:$0x1FD60] =	vst v24  }
0xd: {  	v21 =	vadd.s32 $0xA80, v3;
	[tilespmem:$0x1FD70] =	vst v20  }
0xe: {  	v22 =	vadd.s32 $0xE00, v3;
	[tilespmem:$0x1FD80] =	vst v21  }
0xf: {  	v23 =	vadd.s32 $0x1180, v3;
	[tilespmem:$0x1FD90] =	vst v22  }
0x10: {  	v30 =	vadd.s32 $0x1500, v3;
	[tilespmem:$0x1FDA0] =	vst v23  }
0x11: {  	v47 =	vadd.s32 $0x1880, v3;
	[tilespmem:$0x1FDB0] =	vst v30  }
0x12: {  	v45 =	vor.u32 $0x2, v1;
	[tilespmem:$0x1FDC0] =	vst v47  }
0x13: {  	v46 =	vor.u32 $0x3, v1;
	[tilespmem:$0x1FDD0] =	vst v45  }
0x14: {  	v27 =	vor.u32 $0x5, v1;
	[tilespmem:$0x1FDE0] =	vst v46  }
0x15: {  	v26 =	vor.u32 $0x6, v1;
	[tilespmem:$0x1FDF0] =	vst v27  }
0x16: {  	v19 =	vor.u32 $0x283, v1;
	[tilespmem:$0x1FE00] =	vst v26  }
0x17: {  	v25 =	vor.u32 $0x285, v1;
	[tilespmem:$0x1FE10] =	vst v19  }
0x18: {  	v42 =	vor.u32 $0x305, v1;
	[tilespmem:$0x1FE20] =	vst v25  }
0x19: {  	v2 =	vor.u32 $0x80, v1;
	[tilespmem:$0x1FE40] =	vst v42  }
0x1a: {  	v41 =	vor.u32 $0x304, v1;
	[tilespmem:$0x1FE50] =	vst v2  }
0x1b: {  	v40 =	vor.u32 $0x303, v1;
	[tilespmem:$0x1FE60] =	vst v41  }
0x1c: {  	v39 =	vor.u32 $0x302, v1;
	[tilespmem:$0x1FE70] =	vst v40  }
0x1d: {  	v6 =	vor.u32 $0x85, v1;
	[tilespmem:$0x1FE80] =	vst v39  }
0x1e: {  	v7 =	vor.u32 $0x86, v1;
	[tilespmem:$0x1FE90] =	vst v6  }
0x1f: {  	v8 =	vor.u32 $0x87, v1;
	[tilespmem:$0x1FEA0] =	vst v7  }
0x20: {  	v49 =	vor.u32 $0x100, v1;
	[tilespmem:$0x1FEB0] =	vst v8  }
0x21: {  	v9 =	vor.u32 $0x104, v1;
	[tilespmem:$0x1FEC0] =	vst v49  }
0x22: {  	v10 =	vor.u32 $0x105, v1;
	[tilespmem:$0x1FED0] =	vst v9  }
0x23: {  	v11 =	vor.u32 $0x106, v1;
	[tilespmem:$0x1FEE0] =	vst v10  }
0x24: {  	v55 =	vor.u32 $0x107, v1;
	[tilespmem:$0x1FEF0] =	vst v11  }
0x25: {  	v28 =	vor.u32 $0x180, v1;
	[tilespmem:$0x1FF00] =	vst v55  }
0x26: {  	v44 =	vor.u32 $0x186, v1;
	[tilespmem:$0x1FF10] =	vst v28  }
0x27: {  	v53 =	vor.u32 $0x187, v1;
	[tilespmem:$0x1FF20] =	vst v44  }
0x28: {  	v57 =	vor.u32 $0x207, v1;
	[tilespmem:$0x1FF30] =	vst v53  }
0x29: {  	v32 =	vor.u32 $0x281, v1;
	[tilespmem:$0x1FF40] =	vst v57  }
0x2a: {  	v15 =	vor.u32 $0x282, v1;
	[tilespmem:$0x1FF50] =	vst v32  }
0x2b: {  	v4 =	vor.u32 $0x83, v1;
	[tilespmem:$0x1FF60] =	vst v15  }
0x2c: {  	v56 =	vor.u32 $0x103, v1;
	[tilespmem:$0x1FF70] =	vst v4  }
0x2d: {  	v62 =	vor.u32 $0x184, v1;
	[tilespmem:$0x1FF80] =	vst v56  }
0x2e: {  	v59 =	vor.u32 $0x205, v1;
	[tilespmem:$0x1FF90] =	vst v62  }
0x2f: {  	v5 =	vor.u32 $0x84, v1;
	v38 =	vor.u32 $0x301, v1;
	[tilespmem:$0x1FFA0] =	vst v59  }
0x30: {  	v31 =	vor.u32 $0x101, v1;
	v33 =	vor.u32 $0x102, v1;
	v16 =	vor.u32 $0x204, v1;
	[tilespmem:$0x1FFB0] =	vst v38  }
0x31: {  	s0 =	stileid.u32;
	s9 =	simm.s32 $0x1;
	s10 =	simm.s32 $0x3500;
	v50 =	vor.u32 $0x181, v1;
	v58 =	vor.u32 $0x182, v1;
	v60 =	vor.u32 $0x206, v1;
	[tilespmem:$0x1FFC0] =	vst v16  }
0x32: {  	s11 =	simm.s32 $0x400;
	s12 =	simm.s32 $0x8000;
	s3 =	sshll.u32 s0, $0x1;
	v43 =	vor.u32 $0x183, v1;
	v63 =	vor.u32 $0x185, v1;
	v51 =	vor.u32 $0x200, v1;
	[tilespmem:$0x1FFD0] =	vst v60  }
0x33: {  	s13 =	simm.s32 $0xFD00;
	s7 =	sor.u32 s6, s3;
	s6 =	ssub.s32 $0x2, s6;
	v52 =	vor.u32 $0x201, v1;
	v48 =	vor.u32 $0x202, v1;
	v54 =	vor.u32 $0x203, v1;
	[tilespmem:$0x1FFE0] =	vst v33  }
0x34: {  	s14 =	simm.s32 $0x0;
	s8 =	smul.u32 $0x380, s7;
	v35 =	vor.u32 $0x280, v1;
	s31 =	sshrl.u32 s6, $0x1;
	v36 =	vor.u32 $0x287, v1;
	v0 =	vor.u32 $0x286, v1;
	[tilespmem:$0x1FFF0] =	vst v43  }
0x35: {  	s3 =	sadd.s32 $0x7A00, s4;
	s7 =	sshll.u32 s7, $0x7;
	v37 =	vor.u32 $0x300, v1;
	s6 =	ssub.s32 s6, s31;
	[tilespmem:$0x1FD20] =	vst v0;
	v0 =	vor.u32 $0x306, v1;
	v1 =	vor.u32 $0x307, v1  }
0x36: {  	s5 =	sadd.s32 s5, s7;
	s7 =	simm.s32 $0x2;
	s4 =	sadd.s32 s8, s4;
	[tilespmem:$0x1FD40] =	vst v1  }
0x37: {  	s6 =	smax.u32 s6, $0x1;
	s8 =	simm.s32 $0x80;
	s4 =	sadd.s32 $0xA00, s4;
	[tilespmem:$0x1FE30] =	vst v0  }
.LBB2_1:
0x38: {  	v0 =	vmov s2  }
0x39: {  	v7 =	vand.u32 $0x3F, v0  }
0x3a: {  	v0 =	vadd.s32 v3, v7  }
0x3b: {  	[tilespmem:s2], [sflag:$0x2] =	stream.linear.gather [hbm4b:s4+s2], $0x1C00, $0x38;
	[tilespmem:$0x1C500] =	vst v63  }
0x3c: {  	_ =	swait.ge [sflag:s7], $0x1C00  }
0x3d: {  	[sflag:s7] =	ssyncset.done $0x0  }
0x3e: {  	s15 =	simm.s32 $0x1;
	[sflag:s7] =	ssyncadd.s32 $0xFFFFE400  }
0x3f: {  	v1 =	vmov s15;
	v0 =	vld.idx.msk [tilespmem:v0+s2+$0x0], $0xffff  }
0x40: {  	v2 =	vand.u32 $0x3F, v1;
	v1 =	vadd.s32 v24, v7  }
0x41: {  	v32 =	vmov v4;
	v4 =	vadd.s32 v3, v2;
	_ =	sdelay $0x1  }
0x42: {  	s19 =	simm.s32 $0x1C40  }
0x43: {  	[tilespmem:s19+$0xFFFFFFC0] =	vst v0  }
0x44: {  	s30 =	simm.s32 $0x2;
	v1 =	vld.idx.msk [tilespmem:v1+s2+$0x0], $0xffff  }
0x45: {  	v57 =	vmov v5;
	v5 =	vadd.s32 v20, v7;
	v4 =	vld.idx.msk [tilespmem:v4+s2+$0x0], $0xffff;
	v0 =	vmov s30  }
0x46: {  	v6 =	vadd.s32 v24, v2;
	v0 =	vand.u32 $0x3F, v0  }
0x47: {  	v8 =	vadd.s32 v3, v0;
	_ =	sdelay $0x1  }
0x48: {  	s17 =	simm.s32 $0x1CC0;
	[tilespmem:s19+$0xFFFFFFD0] =	vst v1  }
0x49: {  	[tilespmem:s17+$0xFFFFFFC0] =	vst v4;
	v4 =	vld.idx.msk [tilespmem:v5+s2+$0x0], $0xffff  }
0x4a: {  	s31 =	simm.s32 $0x3;
	v5 =	vld.idx.msk [tilespmem:v6+s2+$0x0], $0xffff;
	v6 =	vadd.s32 v21, v7  }
0x4b: {  	v9 =	vadd.s32 v20, v2;
	v1 =	vmov s31;
	v8 =	vld.idx.msk [tilespmem:v8+s2+$0x0], $0xffff  }
0x4c: {  	v10 =	vadd.s32 v24, v0;
	v1 =	vand.u32 $0x3F, v1  }
0x4d: {  	v11 =	vadd.s32 v3, v1  }
0x4e: {  	[tilespmem:s19+$0xFFFFFFE0] =	vst v4  }
0x4f: {  	s15 =	simm.s32 $0x1D40;
	[tilespmem:s17+$0xFFFFFFD0] =	vst v5;
	v5 =	vld.idx.msk [tilespmem:v6+s2+$0x0], $0xffff  }
0x50: {  	[tilespmem:s15+$0xFFFFFFC0] =	vst v8;
	v8 =	vadd.s32 v22, v7;
	v6 =	vld.idx.msk [tilespmem:v9+s2+$0x0], $0xffff  }
0x51: {  	s16 =	simm.s32 $0x4;
	v9 =	vld.idx.msk [tilespmem:v10+s2+$0x0], $0xffff;
	v10 =	vadd.s32 v21, v2  }
0x52: {  	v12 =	vadd.s32 v20, v0;
	v4 =	vmov s16;
	v11 =	vld.idx.msk [tilespmem:v11+s2+$0x0], $0xffff  }
0x53: {  	v13 =	vadd.s32 v24, v1;
	v4 =	vand.u32 $0x3F, v4  }
0x54: {  	v14 =	vadd.s32 v3, v4;
	[tilespmem:s19+$0xFFFFFFF0] =	vst v5  }
0x55: {  	[tilespmem:s17+$0xFFFFFFE0] =	vst v6;
	v6 =	vld.idx.msk [tilespmem:v8+s2+$0x0], $0xffff  }
0x56: {  	s16 =	simm.s32 $0x1DC0;
	[tilespmem:s15+$0xFFFFFFD0] =	vst v9;
	v9 =	vadd.s32 v23, v7;
	v8 =	vld.idx.msk [tilespmem:v10+s2+$0x0], $0xffff  }
0x57: {  	[tilespmem:s16+$0xFFFFFFC0] =	vst v11;
	v11 =	vadd.s32 v22, v2;
	v10 =	vld.idx.msk [tilespmem:v12+s2+$0x0], $0xffff  }
0x58: {  	s18 =	simm.s32 $0x5;
	v12 =	vld.idx.msk [tilespmem:v13+s2+$0x0], $0xffff;
	v13 =	vadd.s32 v21, v0  }
0x59: {  	v15 =	vadd.s32 v20, v1;
	v5 =	vmov s18;
	v14 =	vld.idx.msk [tilespmem:v14+s2+$0x0], $0xffff  }
0x5a: {  	v16 =	vadd.s32 v24, v4;
	v5 =	vand.u32 $0x3F, v5;
	[tilespmem:s19+$0x0] =	vst v6  }
0x5b: {  	v6 =	vadd.s32 v3, v5;
	[tilespmem:s17+$0xFFFFFFF0] =	vst v8;
	v8 =	vld.idx.msk [tilespmem:v9+s2+$0x0], $0xffff  }
0x5c: {  	[tilespmem:s15+$0xFFFFFFE0] =	vst v10;
	v10 =	vadd.s32 v30, v7;
	v9 =	vld.idx.msk [tilespmem:v11+s2+$0x0], $0xffff  }
0x5d: {  	s18 =	simm.s32 $0x1E40;
	[tilespmem:s16+$0xFFFFFFD0] =	vst v12;
	v12 =	vadd.s32 v23, v2;
	v11 =	vld.idx.msk [tilespmem:v13+s2+$0x0], $0xffff  }
0x5e: {  	[tilespmem:s18+$0xFFFFFFC0] =	vst v14;
	v14 =	vadd.s32 v22, v0;
	v13 =	vld.idx.msk [tilespmem:v15+s2+$0x0], $0xffff  }
0x5f: {  	s20 =	simm.s32 $0x6;
	v15 =	vld.idx.msk [tilespmem:v16+s2+$0x0], $0xffff;
	v16 =	vadd.s32 v21, v1  }
0x60: {  	v18 =	vadd.s32 v20, v4;
	v17 =	vld.idx.msk [tilespmem:v6+s2+$0x0], $0xffff;
	v6 =	vmov s20;
	[tilespmem:s19+$0x10] =	vst v8  }
0x61: {  	v19 =	vadd.s32 v24, v5;
	v6 =	vand.u32 $0x3F, v6;
	[tilespmem:s17+$0x0] =	vst v9;
	v27 =	vld.idx.msk [tilespmem:v10+s2+$0x0], $0xffff  }
0x62: {  	[tilespmem:s15+$0xFFFFFFF0] =	vst v11;
	v28 =	vadd.s32 v3, v6;
	v25 =	vld.idx.msk [tilespmem:v12+s2+$0x0], $0xffff  }
0x63: {  	v26 =	vadd.s32 v47, v7;
	[tilespmem:s16+$0xFFFFFFE0] =	vst v13;
	v8 =	vld.idx.msk [tilespmem:v14+s2+$0x0], $0xffff  }
0x64: {  	s20 =	simm.s32 $0x1EC0;
	[tilespmem:s18+$0xFFFFFFD0] =	vst v15;
	v7 =	vld.idx.msk [tilespmem:v16+s2+$0x0], $0xffff;
	v12 =	vadd.s32 v30, v2  }
0x65: {  	v11 =	vld.idx.msk [tilespmem:v18+s2+$0x0], $0xffff;
	v10 =	vadd.s32 v23, v0;
	[tilespmem:s20+$0xFFFFFFC0] =	vst v17  }
0x66: {  	v42 =	vmov v37;
	s23 =	simm.s32 $0x7;
	s28 =	simm.s32 $0x8;
	s26 =	simm.s32 $0x0;
	v9 =	vadd.s32 v22, v1;
	v13 =	vld.idx.msk [tilespmem:v19+s2+$0x0], $0xffff  }
0x67: {  	s22 =	simm.s32 $0x0;
	s24 =	simm.s32 $0x0;
	s21 =	simm.s32 $0x0;
	v29 =	vmovc v21;
	v14 =	vadd.s32 v21, v4;
	v18 =	vmov s23;
	v17 =	vadd.s32 v20, v5;
	v15 =	vld.idx.msk [tilespmem:v28+s2+$0x0], $0xffff;
	[tilespmem:s19+$0x20] =	vst v27  }
0x68: {  	s25 =	simm.s32 $0x0;
	s29 =	simm.s32 $0x1EC0;
	s23 =	simm.s32 $0x0;
	[tilespmem:s17+$0x10] =	vst v25;
	v25 =	vmovc v20;
	v27 =	vmovc v47;
	v28 =	vmov v23;
	v16 =	vld.idx.msk [tilespmem:v26+s2+$0x0], $0xffff;
	v26 =	vmov v30;
	v30 =	vmov v22  }
.LBB2_2:
0x69: {  	p0 =	sne.s32 s28, $0x31;
	v18 =	vand.u32 $0x3F, v18;
	v19 =	vadd.s32 v24, v6;
	[tilespmem:s15+$0x0] =	vst v8;
	v20 =	vld.idx.msk [tilespmem:v12+s26+$0x0], $0xffff;
	s30 =	smov.u32 s22;
	s22 =	smov.u32 s24  }
0x6a: {  	s24 =	smov.u32 s21;
	s21 =	smov.u32 s23;
	s23 =	smov.u32 s25;
	v21 =	vadd.s32 v3, v18;
	[tilespmem:s16+$0xFFFFFFF0] =	vst v7;
	v22 =	vld.idx.msk [tilespmem:v10+s30+$0x0], $0xffff  }
0x6b: {  	v23 =	vadd.s32 v27, v2;
	v2 =	vmovc v0;
	v0 =	vmov v1;
	v1 =	vmov v4;
	[tilespmem:s18+$0xFFFFFFE0] =	vst v11;
	v8 =	vld.idx.msk [tilespmem:v9+s22+$0x0], $0xffff  }
.Ltmp0:
0x6c: {  	s29 =	sadd.s32 $0x80, s29;
	v4 =	vmovc v5;
	v5 =	vmov v6;
	v12 =	vadd.s32 v26, v2;
	v6 =	vmov v18;
	[tilespmem:s20+$0xFFFFFFD0] =	vst v13;
	v7 =	vld.idx.msk [tilespmem:v14+s24+$0x0], $0xffff;
	(pc) =	sbr.rel @p0 .LBB2_2-.Ltmp0, $4  }
0x6d: {  	v10 =	vadd.s32 v28, v0;
	[tilespmem:s29+$0xFFFFFFC0] =	vst v15;
	v11 =	vld.idx.msk [tilespmem:v17+s21+$0x0], $0xffff  }
0x6e: {  	s25 =	simm.s32 $0x0;
	v9 =	vadd.s32 v30, v1;
	v13 =	vld.idx.msk [tilespmem:v19+s23+$0x0], $0xffff;
	[tilespmem:s19+$0x30] =	vst v16;
	s19 =	smov.u32 s17;
	s17 =	smov.u32 s15  }
0x6f: {  	v14 =	vadd.s32 v29, v4;
	s15 =	smov.u32 s16;
	s16 =	smov.u32 s18;
	s18 =	smov.u32 s20;
	v15 =	vld.idx.msk [tilespmem:v21+s25+$0x0], $0xffff;
	[tilespmem:s19+$0x20] =	vst v20  }
0x70: {  	v18 =	vmov s28;
	s28 =	sadd.s32 $0x1, s28;
	v17 =	vadd.s32 v25, v5;
	s20 =	smov.u32 s29;
	[tilespmem:s17+$0x10] =	vst v22;
	v16 =	vld.idx.msk [tilespmem:v23+s26+$0x0], $0xffff;
	s26 =	smov.u32 s30  }
0x71: {  	v18 =	vand.u32 $0x3F, v18  }
0x72: {  	v19 =	vadd.s32 v3, v18;
	_ =	sdelay $0x4  }
0x73: {  	v20 =	vadd.s32 v24, v6;
	v19 =	vld.idx.msk [tilespmem:v19+s25+$0x0], $0xffff  }
0x74: {  	v21 =	vadd.s32 v24, v18;
	_ =	sdelay $0x1  }
0x75: {  	s28 =	sadd.s32 $0x80, s29  }
0x76: {  	s29 =	sadd.s32 $0x80, s28;
	[tilespmem:s28+$0xFFFFFFC0] =	vst v15  }
0x77: {  	v15 =	vld.idx.msk [tilespmem:v20+s25+$0x0], $0xffff;
	[tilespmem:s29+$0xFFFFFFC0] =	vst v19  }
0x78: {  	v3 =	vadd.s32 v25, v6;
	v24 =	vld.idx.msk [tilespmem:v21+s25+$0x0], $0xffff  }
0x79: {  	v34 =	vadd.s32 v25, v18;
	_ =	sdelay $0x1  }
0x7a: {  	[tilespmem:s20+$0xFFFFFFD0] =	vst v13  }
0x7b: {  	v13 =	vld.idx.msk [tilespmem:v17+s23+$0x0], $0xffff;
	[tilespmem:s28+$0xFFFFFFD0] =	vst v15  }
0x7c: {  	v37 =	vadd.s32 v29, v5;
	v38 =	vld.idx.msk [tilespmem:v3+s25+$0x0], $0xffff;
	[tilespmem:s29+$0xFFFFFFD0] =	vst v24  }
0x7d: {  	v40 =	vadd.s32 v29, v6;
	[tilespmem:s18+$0xFFFFFFE0] =	vst v11;
	v41 =	vld.idx.msk [tilespmem:v34+s25+$0x0], $0xffff  }
0x7e: {  	[tilespmem:s15+$0x0] =	vst v8;
	v44 =	vadd.s32 v29, v18;
	v11 =	vld.idx.msk [tilespmem:v14+s21+$0x0], $0xffff  }
0x7f: {  	v45 =	vadd.s32 v30, v4;
	[tilespmem:s19+$0x30] =	vst v16  }
0x80: {  	v12 =	vld.idx.msk [tilespmem:v12+s26+$0x0], $0xffff;
	[tilespmem:s20+$0xFFFFFFE0] =	vst v13  }
0x81: {  	v46 =	vld.idx.msk [tilespmem:v37+s23+$0x0], $0xffff;
	[tilespmem:s28+$0xFFFFFFE0] =	vst v38  }
0x82: {  	v47 =	vadd.s32 v30, v5;
	v16 =	vld.idx.msk [tilespmem:v40+s25+$0x0], $0xffff;
	[tilespmem:s29+$0xFFFFFFE0] =	vst v41  }
0x83: {  	v49 =	vadd.s32 v30, v6;
	[tilespmem:s18+$0xFFFFFFF0] =	vst v11;
	v8 =	vld.idx.msk [tilespmem:v44+s25+$0x0], $0xffff  }
0x84: {  	[tilespmem:s16+$0xFFFFFFF0] =	vst v7;
	v53 =	vadd.s32 v30, v18;
	v13 =	vld.idx.msk [tilespmem:v45+s21+$0x0], $0xffff  }
0x85: {  	v60 =	vadd.s32 v28, v4;
	v10 =	vld.idx.msk [tilespmem:v10+s22+$0x0], $0xffff;
	[tilespmem:s17+$0x20] =	vst v12  }
0x86: {  	v2 =	vadd.s32 v27, v2;
	v9 =	vld.idx.msk [tilespmem:v9+s24+$0x0], $0xffff;
	[tilespmem:s20+$0xFFFFFFF0] =	vst v46  }
0x87: {  	v55 =	vadd.s32 v28, v1;
	v15 =	vld.idx.msk [tilespmem:v47+s23+$0x0], $0xffff;
	[tilespmem:s28+$0xFFFFFFF0] =	vst v16  }
0x88: {  	v61 =	vadd.s32 v28, v5;
	v7 =	vld.idx.msk [tilespmem:v49+s25+$0x0], $0xffff;
	[tilespmem:s29+$0xFFFFFFF0] =	vst v8  }
0x89: {  	v20 =	vadd.s32 v28, v6;
	[tilespmem:s18+$0x0] =	vst v13;
	v21 =	vld.idx.msk [tilespmem:v53+s25+$0x0], $0xffff  }
0x8a: {  	v22 =	vadd.s32 v28, v18;
	[tilespmem:s15+$0x10] =	vst v10;
	v14 =	vld.idx.msk [tilespmem:v60+s21+$0x0], $0xffff  }
0x8b: {  	v25 =	vadd.s32 v26, v4;
	v2 =	vld.idx.msk [tilespmem:v2+s26+$0x0], $0xffff;
	[tilespmem:s16+$0x0] =	vst v9  }
0x8c: {  	v23 =	vadd.s32 v26, v0;
	v11 =	vld.idx.msk [tilespmem:v55+s24+$0x0], $0xffff;
	[tilespmem:s20+$0x0] =	vst v15  }
0x8d: {  	v24 =	vadd.s32 v26, v1;
	v16 =	vld.idx.msk [tilespmem:v61+s23+$0x0], $0xffff;
	[tilespmem:s28+$0x0] =	vst v7  }
0x8e: {  	v34 =	vadd.s32 v26, v5;
	v8 =	vld.idx.msk [tilespmem:v20+s25+$0x0], $0xffff;
	[tilespmem:s29+$0x0] =	vst v21  }
0x8f: {  	v37 =	vadd.s32 v26, v6;
	[tilespmem:s18+$0x10] =	vst v14;
	v9 =	vld.idx.msk [tilespmem:v22+s25+$0x0], $0xffff  }
0x90: {  	[tilespmem:s17+$0x30] =	vst v2;
	v40 =	vadd.s32 v26, v18;
	v46 =	vld.idx.msk [tilespmem:v25+s21+$0x0], $0xffff  }
0x91: {  	[tilespmem:s16+$0x10] =	vst v11;
	v47 =	vadd.s32 v27, v4;
	v38 =	vld.idx.msk [tilespmem:v23+s22+$0x0], $0xffff  }
0x92: {  	v41 =	vadd.s32 v27, v0;
	v44 =	vld.idx.msk [tilespmem:v24+s24+$0x0], $0xffff;
	[tilespmem:s20+$0x10] =	vst v16  }
0x93: {  	v45 =	vadd.s32 v27, v1;
	v7 =	vld.idx.msk [tilespmem:v34+s23+$0x0], $0xffff;
	[tilespmem:s28+$0x10] =	vst v8  }
0x94: {  	v49 =	vadd.s32 v27, v5;
	v2 =	vld.idx.msk [tilespmem:v37+s25+$0x0], $0xffff;
	[tilespmem:s29+$0x10] =	vst v9  }
0x95: {  	[tilespmem:s18+$0x20] =	vst v46;
	v53 =	vadd.s32 v27, v6;
	v55 =	vld.idx.msk [tilespmem:v40+s25+$0x0], $0xffff  }
0x96: {  	v60 =	vadd.s32 v27, v18;
	[tilespmem:s15+$0x20] =	vst v38;
	v4 =	vld.idx.msk [tilespmem:v47+s21+$0x0], $0xffff  }
0x97: {  	v0 =	vld.idx.msk [tilespmem:v41+s22+$0x0], $0xffff;
	[tilespmem:s16+$0x20] =	vst v44  }
0x98: {  	v1 =	vld.idx.msk [tilespmem:v45+s24+$0x0], $0xffff;
	[tilespmem:s20+$0x20] =	vst v7  }
0x99: {  	v5 =	vld.idx.msk [tilespmem:v49+s23+$0x0], $0xffff;
	[tilespmem:s28+$0x20] =	vst v2  }
0x9a: {  	v2 =	vld.idx.msk [tilespmem:v53+s25+$0x0], $0xffff;
	[tilespmem:s29+$0x20] =	vst v55  }
0x9b: {  	[tilespmem:s18+$0x30] =	vst v4;
	v61 =	vld.idx.msk [tilespmem:v60+s25+$0x0], $0xffff  }
0x9c: {  	[tilespmem:s15+$0x30] =	vst v0  }
0x9d: {  	[tilespmem:s16+$0x30] =	vst v1  }
0x9e: {  	[tilespmem:s20+$0x30] =	vst v5  }
0x9f: {  	[tilespmem:s28+$0x30] =	vst v2  }
0xa0: {  	s15 =	simm.s32 $0x3500;
	[tilespmem:s29+$0x30] =	vst v61  }
.LBB2_4:
0xa1: {  	p0 =	sne.s32 s25, $0x6200  }
.Ltmp1:
0xa2: {  	_ = 	snop;
	(pc) =	sbr.rel @p0 .LBB2_4-.Ltmp1, $4  }
0xa3: {  	s16 =	sshra.s32 s25, $0x2  }
0xa4: {  	s16 =	sadd.s32 $0x1C00, s16  }
0xa5: {  	[tilespmem:s15], [sflag:$0x1] =	stream.indirect.gather [hbm4b:s3+s8], $0x8, s16, s8, $0xb8;
	[tilespmem:$0x1C500] =	vst v63  }
0xa6: {  	s25 =	sadd.s32 $0x200, s25;
	s15 =	sadd.s32 $0x400, s15  }
0xa7: {  	v34 =	vld [tilespmem:$0x1FD30]  }
0xa8: {  	v4 =	vld [tilespmem:$0x1FDD0]  }
0xa9: {  	v46 =	vld [tilespmem:$0x1FDE0]  }
0xaa: {  	v29 =	vld [tilespmem:$0x1FDF0]  }
0xab: {  	v6 =	vld [tilespmem:$0x1FE00]  }
0xac: {  	v27 =	vld [tilespmem:$0x1FCE0]  }
0xad: {  	v13 =	vld [tilespmem:$0x1FD00]  }
0xae: {  	v16 =	vld [tilespmem:$0x1FE10]  }
0xaf: {  	v11 =	vld [tilespmem:$0x1FD10]  }
0xb0: {  	v26 =	vld [tilespmem:$0x1FE20]  }
0xb1: {  	v30 =	vld [tilespmem:$0x1FD20]  }
0xb2: {  	v14 =	vld [tilespmem:$0x1FE40]  }
0xb3: {  	s15 =	simm.s32 $0x32;
	v28 =	vmov v39;
	v12 =	vld [tilespmem:$0x1FD40]  }
.LBB2_6:
0xb4: {  	p0 =	sne.s32 s15, $0x1  }
.Ltmp2:
0xb5: {  	_ = 	snop;
	(pc) =	sbr.rel @p0 .LBB2_6-.Ltmp2, $4  }
0xb6: {  	_ = 	snop  }
0xb7: {  	_ =	swait.ge [sflag:s9], $0x400  }
0xb8: {  	[sflag:s9] =	ssyncset.done $0x0  }
0xb9: {  	s15 =	sadd.s32 $0xFFFFFFFF, s15;
	[sflag:s9] =	ssyncadd.s32 $0xFFFFFC00  }
0xba: {  	s29 =	simm.s32 $0x0  }
0xbb: {  	v0 =	vor.u32 s29, v34  }
0xbc: {  	v15 =	vld [tilespmem:$0x1FCC0];
	_ =	sdelay $0x3  }
0xbd: {  	v0 =	vld.idx.msk [tilespmem:v0+s10+$0x0], $0xffff  }
0xbe: {  	v1 =	vor.u32 s29, v15;
	_ =	sdelay $0x2  }
0xbf: {  	s28 =	simm.s32 $0xFF00  }
0xc0: {  	[tilespmem:s28+$0xFFFFFE00] =	vst v0  }
0xc1: {  	v0 =	vld.idx.msk [tilespmem:v1+s10+$0x0], $0xffff  }
0xc2: {  	v1 =	vor.u32 s29, v4;
	_ =	sdelay $0x3  }
0xc3: {  	[tilespmem:s28+$0xFFFFFE80] =	vst v0  }
0xc4: {  	v0 =	vld.idx.msk [tilespmem:v1+s10+$0x0], $0xffff;
	_ =	sdelay $0x4  }
0xc5: {  	v1 =	vor.u32 s29, v46;
	[tilespmem:s28+$0xFFFFFF00] =	vst v0  }
0xc6: {  	v24 =	vld [tilespmem:$0x1FCD0];
	_ =	sdelay $0x3  }
0xc7: {  	v0 =	vld.idx.msk [tilespmem:v1+s10+$0x0], $0xffff  }
0xc8: {  	v1 =	vor.u32 s29, v24;
	_ =	sdelay $0x3  }
0xc9: {  	[tilespmem:s28+$0xFFFFFF80] =	vst v0  }
0xca: {  	v0 =	vld.idx.msk [tilespmem:v1+s10+$0x0], $0xffff  }
0xcb: {  	v1 =	vor.u32 s29, v29;
	_ =	sdelay $0x3  }
0xcc: {  	[tilespmem:s28+$0x0] =	vst v0  }
0xcd: {  	v0 =	vld.idx.msk [tilespmem:v1+s10+$0x0], $0xffff  }
0xce: {  	v1 =	vor.u32 s29, v6;
	_ =	sdelay $0x3  }
0xcf: {  	[tilespmem:s28+$0x80] =	vst v0  }
0xd0: {  	v0 =	vld.idx.msk [tilespmem:v1+s10+$0x0], $0xffff  }
0xd1: {  	v1 =	vor.u32 s29, v27;
	_ =	sdelay $0x3  }
0xd2: {  	[tilespmem:s28+$0x100] =	vst v0  }
0xd3: {  	v0 =	vld.idx.msk [tilespmem:v1+s10+$0x0], $0xffff  }
0xd4: {  	v7 =	vld [tilespmem:$0x1FE50];
	_ =	sdelay $0x4  }
0xd5: {  	v1 =	vor.u32 s29, v7;
	[tilespmem:s28+$0x180] =	vst v0  }
0xd6: {  	v3 =	vld [tilespmem:$0x1FCF0];
	_ =	sdelay $0x3  }
0xd7: {  	v0 =	vld.idx.msk [tilespmem:v1+s10+$0x0], $0xffff  }
0xd8: {  	s20 =	simm.s32 $0x400;
	v1 =	vor.u32 s29, v3  }
0xd9: {  	v2 =	vor.u32 s20, v34;
	_ =	sdelay $0x2  }
0xda: {  	[tilespmem:s28+$0xFFFFFE10] =	vst v0  }
0xdb: {  	v0 =	vld.idx.msk [tilespmem:v1+s10+$0x0], $0xffff  }
0xdc: {  	v1 =	vld.idx.msk [tilespmem:v2+s10+$0x0], $0xffff;
	v2 =	vor.u32 s29, v13  }
0xdd: {  	v9 =	vmov v4;
	v4 =	vor.u32 s20, v15;
	_ =	sdelay $0x2  }
0xde: {  	s19 =	simm.s32 $0x10300;
	[tilespmem:s28+$0xFFFFFE90] =	vst v0  }
0xdf: {  	[tilespmem:s19+$0xFFFFFE00] =	vst v1;
	v0 =	vld.idx.msk [tilespmem:v2+s10+$0x0], $0xffff  }
0xe0: {  	v1 =	vld.idx.msk [tilespmem:v4+s10+$0x0], $0xffff;
	v2 =	vor.u32 s29, v32  }
0xe1: {  	v4 =	vor.u32 s20, v9;
	_ =	sdelay $0x2  }
0xe2: {  	[tilespmem:s28+$0xFFFFFF10] =	vst v0  }
0xe3: {  	[tilespmem:s19+$0xFFFFFE80] =	vst v1;
	v0 =	vld.idx.msk [tilespmem:v2+s10+$0x0], $0xffff  }
0xe4: {  	v1 =	vld.idx.msk [tilespmem:v4+s10+$0x0], $0xffff;
	v2 =	vor.u32 s29, v57  }
0xe5: {  	v4 =	vor.u32 s20, v46;
	_ =	sdelay $0x2  }
0xe6: {  	[tilespmem:s28+$0xFFFFFF90] =	vst v0  }
0xe7: {  	[tilespmem:s19+$0xFFFFFF00] =	vst v1;
	v0 =	vld.idx.msk [tilespmem:v2+s10+$0x0], $0xffff  }
0xe8: {  	v1 =	vld.idx.msk [tilespmem:v4+s10+$0x0], $0xffff  }
0xe9: {  	v19 =	vld [tilespmem:$0x1FE90];
	_ =	sdelay $0x3  }
0xea: {  	v4 =	vor.u32 s20, v24;
	[tilespmem:s28+$0x10] =	vst v0  }
0xeb: {  	v2 =	vor.u32 s29, v19;
	[tilespmem:s19+$0xFFFFFF80] =	vst v1  }
0xec: {  	v17 =	vld [tilespmem:$0x1FEA0];
	_ =	sdelay $0x2  }
0xed: {  	v1 =	vld.idx.msk [tilespmem:v4+s10+$0x0], $0xffff  }
0xee: {  	v4 =	vor.u32 s20, v29;
	v0 =	vld.idx.msk [tilespmem:v2+s10+$0x0], $0xffff  }
0xef: {  	v2 =	vor.u32 s29, v17;
	_ =	sdelay $0x2  }
0xf0: {  	[tilespmem:s19+$0x0] =	vst v1  }
0xf1: {  	v1 =	vld.idx.msk [tilespmem:v4+s10+$0x0], $0xffff;
	[tilespmem:s28+$0x90] =	vst v0  }
0xf2: {  	v0 =	vld.idx.msk [tilespmem:v2+s10+$0x0], $0xffff  }
0xf3: {  	v18 =	vld [tilespmem:$0x1FEB0];
	_ =	sdelay $0x2  }
0xf4: {  	v4 =	vor.u32 s20, v6  }
0xf5: {  	[tilespmem:s28+$0x110] =	vst v0  }
0xf6: {  	v2 =	vor.u32 s29, v18;
	[tilespmem:s19+$0x80] =	vst v1  }
0xf7: {  	v22 =	vld [tilespmem:$0x1FEC0];
	_ =	sdelay $0x1  }
0xf8: {  	v1 =	vld.idx.msk [tilespmem:v4+s10+$0x0], $0xffff  }
0xf9: {  	v4 =	vor.u32 s20, v27  }
0xfa: {  	v0 =	vld.idx.msk [tilespmem:v2+s10+$0x0], $0xffff  }
0xfb: {  	v2 =	vor.u32 s29, v22;
	_ =	sdelay $0x1  }
0xfc: {  	[tilespmem:s19+$0x100] =	vst v1  }
0xfd: {  	v1 =	vld.idx.msk [tilespmem:v4+s10+$0x0], $0xffff  }
0xfe: {  	v4 =	vor.u32 s20, v7;
	[tilespmem:s28+$0x190] =	vst v0  }
0xff: {  	v0 =	vld.idx.msk [tilespmem:v2+s10+$0x0], $0xffff  }
0x100: {  	v2 =	vor.u32 s29, v31;
	_ =	sdelay $0x1  }
0x101: {  	[tilespmem:s19+$0x180] =	vst v1  }
0x102: {  	v1 =	vld.idx.msk [tilespmem:v4+s10+$0x0], $0xffff  }
0x103: {  	s16 =	simm.s32 $0x800;
	v4 =	vor.u32 s20, v3;
	[tilespmem:s28+$0xFFFFFE20] =	vst v0  }
0x104: {  	v5 =	vor.u32 s16, v34;
	v0 =	vld.idx.msk [tilespmem:v2+s10+$0x0], $0xffff  }
0x105: {  	v2 =	vor.u32 s29, v33;
	_ =	sdelay $0x1  }
0x106: {  	[tilespmem:s19+$0xFFFFFE10] =	vst v1  }
0x107: {  	v1 =	vld.idx.msk [tilespmem:v4+s10+$0x0], $0xffff  }
0x108: {  	v4 =	vld.idx.msk [tilespmem:v5+s10+$0x0], $0xffff;
	[tilespmem:s28+$0xFFFFFEA0] =	vst v0  }
0x109: {  	v0 =	vld.idx.msk [tilespmem:v2+s10+$0x0], $0xffff;
	_ =	sdelay $0x1  }
0x10a: {  	v5 =	vor.u32 s20, v13  }
0x10b: {  	v40 =	vmov v6;
	s15 =	simm.s32 $0x10700;
	v6 =	vor.u32 s16, v15;
	[tilespmem:s19+$0xFFFFFE90] =	vst v1  }
0x10c: {  	v2 =	vor.u32 s29, v56;
	[tilespmem:s15+$0xFFFFFE00] =	vst v4  }
0x10d: {  	[tilespmem:s28+$0xFFFFFF20] =	vst v0  }
0x10e: {  	v53 =	vld [tilespmem:$0x1FED0]  }
0x10f: {  	v1 =	vld.idx.msk [tilespmem:v5+s10+$0x0], $0xffff  }
0x110: {  	v4 =	vld.idx.msk [tilespmem:v6+s10+$0x0], $0xffff;
	v5 =	vor.u32 s20, v32  }
0x111: {  	v6 =	vor.u32 s16, v9;
	v0 =	vld.idx.msk [tilespmem:v2+s10+$0x0], $0xffff;
	_ =	sdelay $0x1  }
0x112: {  	v2 =	vor.u32 s29, v53  }
0x113: {  	[tilespmem:s19+$0xFFFFFF10] =	vst v1  }
0x114: {  	[tilespmem:s15+$0xFFFFFE80] =	vst v4;
	v1 =	vld.idx.msk [tilespmem:v5+s10+$0x0], $0xffff  }
0x115: {  	v4 =	vld.idx.msk [tilespmem:v6+s10+$0x0], $0xffff;
	[tilespmem:s28+$0xFFFFFFA0] =	vst v0  }
0x116: {  	v44 =	vld [tilespmem:$0x1FEE0]  }
0x117: {  	v0 =	vld.idx.msk [tilespmem:v2+s10+$0x0], $0xffff;
	_ =	sdelay $0x1  }
0x118: {  	v5 =	vor.u32 s20, v57  }
0x119: {  	v6 =	vor.u32 s16, v46;
	[tilespmem:s19+$0xFFFFFF90] =	vst v1  }
0x11a: {  	[tilespmem:s15+$0xFFFFFF00] =	vst v4;
	v2 =	vor.u32 s29, v44  }
0x11b: {  	[tilespmem:s28+$0x20] =	vst v0  }
0x11c: {  	v25 =	vmov v56;
	v56 =	vld [tilespmem:$0x1FEF0]  }
0x11d: {  	v1 =	vld.idx.msk [tilespmem:v5+s10+$0x0], $0xffff  }
0x11e: {  	v4 =	vld.idx.msk [tilespmem:v6+s10+$0x0], $0xffff;
	v5 =	vor.u32 s20, v19  }
0x11f: {  	v6 =	vor.u32 s16, v24;
	v0 =	vld.idx.msk [tilespmem:v2+s10+$0x0], $0xffff;
	_ =	sdelay $0x1  }
0x120: {  	v2 =	vor.u32 s29, v56  }
0x121: {  	[tilespmem:s19+$0x10] =	vst v1  }
0x122: {  	[tilespmem:s15+$0xFFFFFF80] =	vst v4;
	v1 =	vld.idx.msk [tilespmem:v5+s10+$0x0], $0xffff  }
0x123: {  	v4 =	vld.idx.msk [tilespmem:v6+s10+$0x0], $0xffff;
	[tilespmem:s28+$0xA0] =	vst v0  }
0x124: {  	v45 =	vld [tilespmem:$0x1FF00]  }
0x125: {  	v0 =	vld.idx.msk [tilespmem:v2+s10+$0x0], $0xffff;
	_ =	sdelay $0x1  }
0x126: {  	v5 =	vor.u32 s20, v17  }
0x127: {  	v6 =	vor.u32 s16, v29;
	[tilespmem:s19+$0x90] =	vst v1  }
0x128: {  	[tilespmem:s15+$0x0] =	vst v4  }
0x129: {  	v2 =	vor.u32 s29, v45;
	[tilespmem:s28+$0x120] =	vst v0  }
0x12a: {  	v39 =	vld [tilespmem:$0x1FF10]  }
0x12b: {  	v1 =	vld.idx.msk [tilespmem:v5+s10+$0x0], $0xffff  }
0x12c: {  	v4 =	vld.idx.msk [tilespmem:v6+s10+$0x0], $0xffff;
	v5 =	vor.u32 s20, v18  }
0x12d: {  	v6 =	vor.u32 s16, v40  }
0x12e: {  	v0 =	vld.idx.msk [tilespmem:v2+s10+$0x0], $0xffff  }
0x12f: {  	v2 =	vor.u32 s29, v39  }
0x130: {  	[tilespmem:s19+$0x110] =	vst v1  }
0x131: {  	[tilespmem:s15+$0x80] =	vst v4;
	v1 =	vld.idx.msk [tilespmem:v5+s10+$0x0], $0xffff  }
0x132: {  	v4 =	vld.idx.msk [tilespmem:v6+s10+$0x0], $0xffff;
	v5 =	vor.u32 s20, v22  }
0x133: {  	v6 =	vor.u32 s16, v27;
	[tilespmem:s28+$0x1A0] =	vst v0  }
0x134: {  	v0 =	vld.idx.msk [tilespmem:v2+s10+$0x0], $0xffff  }
0x135: {  	v2 =	vor.u32 s29, v50  }
0x136: {  	[tilespmem:s19+$0x190] =	vst v1  }
0x137: {  	[tilespmem:s15+$0x100] =	vst v4;
	v1 =	vld.idx.msk [tilespmem:v5+s10+$0x0], $0xffff  }
0x138: {  	v4 =	vld.idx.msk [tilespmem:v6+s10+$0x0], $0xffff;
	v5 =	vor.u32 s20, v31  }
0x139: {  	v6 =	vor.u32 s16, v7;
	[tilespmem:s28+$0xFFFFFE30] =	vst v0  }
0x13a: {  	v0 =	vld.idx.msk [tilespmem:v2+s10+$0x0], $0xffff  }
0x13b: {  	v2 =	vor.u32 s29, v58  }
0x13c: {  	[tilespmem:s19+$0xFFFFFE20] =	vst v1  }
0x13d: {  	[tilespmem:s15+$0x180] =	vst v4;
	v1 =	vld.idx.msk [tilespmem:v5+s10+$0x0], $0xffff  }
0x13e: {  	v4 =	vld.idx.msk [tilespmem:v6+s10+$0x0], $0xffff;
	v5 =	vor.u32 s20, v33  }
0x13f: {  	s18 =	simm.s32 $0xC00;
	v6 =	vor.u32 s16, v3;
	[tilespmem:s28+$0xFFFFFEB0] =	vst v0  }
0x140: {  	v38 =	vmov v9;
	v9 =	vmov v7;
	v7 =	vor.u32 s18, v34;
	v0 =	vld.idx.msk [tilespmem:v2+s10+$0x0], $0xffff  }
0x141: {  	v2 =	vor.u32 s29, v43  }
0x142: {  	[tilespmem:s19+$0xFFFFFEA0] =	vst v1  }
0x143: {  	[tilespmem:s15+$0xFFFFFE10] =	vst v4;
	v1 =	vld.idx.msk [tilespmem:v5+s10+$0x0], $0xffff  }
0x144: {  	v4 =	vld.idx.msk [tilespmem:v6+s10+$0x0], $0xffff  }
0x145: {  	v5 =	vor.u32 s20, v25;
	v6 =	vld.idx.msk [tilespmem:v7+s10+$0x0], $0xffff;
	[tilespmem:s28+$0xFFFFFF30] =	vst v0  }
0x146: {  	v7 =	vor.u32 s16, v13;
	v0 =	vld.idx.msk [tilespmem:v2+s10+$0x0], $0xffff  }
0x147: {  	v2 =	vor.u32 s29, v62;
	_ =	sdelay $0x1  }
0x148: {  	[tilespmem:s19+$0xFFFFFF20] =	vst v1  }
0x149: {  	v8 =	vor.u32 s18, v15;
	[tilespmem:s15+$0xFFFFFE90] =	vst v4;
	v1 =	vld.idx.msk [tilespmem:v5+s10+$0x0], $0xffff  }
0x14a: {  	v4 =	vld.idx.msk [tilespmem:v7+s10+$0x0], $0xffff;
	v5 =	vor.u32 s20, v53;
	[tilespmem:s28+$0xFFFFFFB0] =	vst v0  }
0x14b: {  	v7 =	vor.u32 s16, v32;
	v0 =	vld.idx.msk [tilespmem:v2+s10+$0x0], $0xffff  }
0x14c: {  	s17 =	simm.s32 $0x10B00;
	v2 =	vor.u32 s29, v63  }
0x14d: {  	[tilespmem:s17+$0xFFFFFE00] =	vst v6  }
0x14e: {  	v6 =	vld.idx.msk [tilespmem:v8+s10+$0x0], $0xffff;
	[tilespmem:s19+$0xFFFFFFA0] =	vst v1  }
0x14f: {  	[tilespmem:s15+$0xFFFFFF10] =	vst v4;
	v1 =	vld.idx.msk [tilespmem:v5+s10+$0x0], $0xffff  }
0x150: {  	v4 =	vld.idx.msk [tilespmem:v7+s10+$0x0], $0xffff;
	[tilespmem:s28+$0x30] =	vst v0  }
0x151: {  	v0 =	vld.idx.msk [tilespmem:v2+s10+$0x0], $0xffff  }
0x152: {  	v47 =	vmov v38;
	v8 =	vor.u32 s18, v38;
	v38 =	vld [tilespmem:$0x1FF20];
	_ =	sdelay $0x1  }
0x153: {  	[tilespmem:s17+$0xFFFFFE80] =	vst v6  }
0x154: {  	v5 =	vor.u32 s20, v44;
	[tilespmem:s19+$0x20] =	vst v1  }
0x155: {  	v7 =	vor.u32 s16, v57;
	[tilespmem:s15+$0xFFFFFF90] =	vst v4  }
0x156: {  	v2 =	vor.u32 s29, v38;
	[tilespmem:s28+$0xB0] =	vst v0  }
0x157: {  	v41 =	vmov v40;
	v40 =	vld [tilespmem:$0x1FF30]  }
0x158: {  	v6 =	vld.idx.msk [tilespmem:v8+s10+$0x0], $0xffff  }
0x159: {  	v8 =	vor.u32 s18, v46;
	v1 =	vld.idx.msk [tilespmem:v5+s10+$0x0], $0xffff  }
0x15a: {  	v4 =	vld.idx.msk [tilespmem:v7+s10+$0x0], $0xffff;
	v5 =	vor.u32 s20, v56  }
0x15b: {  	v7 =	vor.u32 s16, v19;
	v0 =	vld.idx.msk [tilespmem:v2+s10+$0x0], $0xffff  }
0x15c: {  	v2 =	vor.u32 s29, v40  }
0x15d: {  	[tilespmem:s17+$0xFFFFFF00] =	vst v6  }
0x15e: {  	[tilespmem:s19+$0xA0] =	vst v1;
	v6 =	vld.idx.msk [tilespmem:v8+s10+$0x0], $0xffff  }
0x15f: {  	[tilespmem:s15+$0x10] =	vst v4;
	v8 =	vor.u32 s18, v24;
	v1 =	vld.idx.msk [tilespmem:v5+s10+$0x0], $0xffff  }
0x160: {  	v4 =	vld.idx.msk [tilespmem:v7+s10+$0x0], $0xffff;
	v5 =	vor.u32 s20, v45;
	[tilespmem:s28+$0x130] =	vst v0  }
0x161: {  	v7 =	vor.u32 s16, v17;
	v0 =	vld.idx.msk [tilespmem:v2+s10+$0x0], $0xffff  }
0x162: {  	v2 =	vor.u32 s29, v51  }
0x163: {  	[tilespmem:s17+$0xFFFFFF80] =	vst v6  }
0x164: {  	[tilespmem:s19+$0x120] =	vst v1;
	v6 =	vld.idx.msk [tilespmem:v8+s10+$0x0], $0xffff  }
0x165: {  	[tilespmem:s15+$0x90] =	vst v4;
	v8 =	vor.u32 s18, v29;
	v1 =	vld.idx.msk [tilespmem:v5+s10+$0x0], $0xffff  }
0x166: {  	v4 =	vld.idx.msk [tilespmem:v7+s10+$0x0], $0xffff;
	v5 =	vor.u32 s20, v39;
	[tilespmem:s28+$0x1B0] =	vst v0  }
0x167: {  	v7 =	vor.u32 s16, v18;
	v0 =	vld.idx.msk [tilespmem:v2+s10+$0x0], $0xffff  }
0x168: {  	v2 =	vor.u32 s29, v52  }
0x169: {  	[tilespmem:s17+$0x0] =	vst v6  }
0x16a: {  	[tilespmem:s19+$0x1A0] =	vst v1;
	v6 =	vld.idx.msk [tilespmem:v8+s10+$0x0], $0xffff  }
0x16b: {  	[tilespmem:s15+$0x110] =	vst v4;
	v8 =	vor.u32 s18, v41;
	v1 =	vld.idx.msk [tilespmem:v5+s10+$0x0], $0xffff  }
0x16c: {  	v4 =	vld.idx.msk [tilespmem:v7+s10+$0x0], $0xffff;
	v5 =	vor.u32 s20, v50;
	[tilespmem:s28+$0xFFFFFE40] =	vst v0  }
0x16d: {  	v7 =	vor.u32 s16, v22;
	v0 =	vld.idx.msk [tilespmem:v2+s10+$0x0], $0xffff  }
0x16e: {  	v2 =	vor.u32 s29, v48  }
0x16f: {  	[tilespmem:s17+$0x80] =	vst v6  }
0x170: {  	[tilespmem:s19+$0xFFFFFE30] =	vst v1;
	v6 =	vld.idx.msk [tilespmem:v8+s10+$0x0], $0xffff  }
0x171: {  	[tilespmem:s15+$0x190] =	vst v4;
	v1 =	vld.idx.msk [tilespmem:v5+s10+$0x0], $0xffff  }
0x172: {  	v4 =	vld.idx.msk [tilespmem:v7+s10+$0x0], $0xffff;
	[tilespmem:s28+$0xFFFFFEC0] =	vst v0  }
0x173: {  	v8 =	vor.u32 s18, v27;
	v0 =	vld.idx.msk [tilespmem:v2+s10+$0x0], $0xffff;
	_ =	sdelay $0x1  }
0x174: {  	[tilespmem:s17+$0x100] =	vst v6  }
0x175: {  	v5 =	vor.u32 s20, v58;
	[tilespmem:s19+$0xFFFFFEB0] =	vst v1  }
0x176: {  	v7 =	vor.u32 s16, v31;
	[tilespmem:s15+$0xFFFFFE20] =	vst v4  }
0x177: {  	v6 =	vld.idx.msk [tilespmem:v8+s10+$0x0], $0xffff;
	v2 =	vor.u32 s29, v54;
	[tilespmem:s28+$0xFFFFFF40] =	vst v0  }
0x178: {  	v60 =	vld [tilespmem:$0x1FFC0]  }
0x179: {  	v8 =	vor.u32 s18, v9  }
0x17a: {  	v1 =	vld.idx.msk [tilespmem:v5+s10+$0x0], $0xffff  }
0x17b: {  	v4 =	vld.idx.msk [tilespmem:v7+s10+$0x0], $0xffff;
	v5 =	vor.u32 s20, v43  }
0x17c: {  	v7 =	vor.u32 s16, v33;
	v0 =	vld.idx.msk [tilespmem:v2+s10+$0x0], $0xffff  }
0x17d: {  	[tilespmem:s17+$0x180] =	vst v6;
	v2 =	vor.u32 s29, v60  }
0x17e: {  	v6 =	vld.idx.msk [tilespmem:v8+s10+$0x0], $0xffff  }
0x17f: {  	s22 =	simm.s32 $0x1000;
	[tilespmem:s19+$0xFFFFFF30] =	vst v1;
	v8 =	vor.u32 s18, v3  }
0x180: {  	v49 =	vmov v9;
	v9 =	vor.u32 s22, v34;
	[tilespmem:s15+$0xFFFFFEA0] =	vst v4;
	v1 =	vld.idx.msk [tilespmem:v5+s10+$0x0], $0xffff  }
0x181: {  	v4 =	vld.idx.msk [tilespmem:v7+s10+$0x0], $0xffff;
	v5 =	vor.u32 s20, v62;
	[tilespmem:s28+$0xFFFFFFC0] =	vst v0  }
0x182: {  	v7 =	vor.u32 s16, v25;
	v0 =	vld.idx.msk [tilespmem:v2+s10+$0x0], $0xffff  }
0x183: {  	[tilespmem:s17+$0xFFFFFE10] =	vst v6;
	v2 =	vor.u32 s29, v59  }
0x184: {  	v6 =	vld.idx.msk [tilespmem:v8+s10+$0x0], $0xffff  }
0x185: {  	[tilespmem:s19+$0xFFFFFFB0] =	vst v1;
	v8 =	vld.idx.msk [tilespmem:v9+s10+$0x0], $0xffff  }
0x186: {  	[tilespmem:s15+$0xFFFFFF20] =	vst v4;
	v1 =	vld.idx.msk [tilespmem:v5+s10+$0x0], $0xffff  }
0x187: {  	v4 =	vld.idx.msk [tilespmem:v7+s10+$0x0], $0xffff;
	[tilespmem:s28+$0x40] =	vst v0  }
0x188: {  	v0 =	vld.idx.msk [tilespmem:v2+s10+$0x0], $0xffff  }
0x189: {  	v20 =	vmov v54;
	v9 =	vor.u32 s18, v13;
	v54 =	vld [tilespmem:$0x1FFD0]  }
0x18a: {  	s21 =	simm.s32 $0x10F00;
	[tilespmem:s17+$0xFFFFFE90] =	vst v6  }
0x18b: {  	v10 =	vor.u32 s22, v15;
	[tilespmem:s21+$0xFFFFFE00] =	vst v8  }
0x18c: {  	v5 =	vor.u32 s20, v63;
	[tilespmem:s19+$0x30] =	vst v1  }
0x18d: {  	v7 =	vor.u32 s16, v53;
	[tilespmem:s15+$0xFFFFFFA0] =	vst v4  }
0x18e: {  	v6 =	vld.idx.msk [tilespmem:v9+s10+$0x0], $0xffff;
	v2 =	vor.u32 s29, v54;
	[tilespmem:s28+$0xC0] =	vst v0  }
0x18f: {  	v61 =	vmov v41;
	v41 =	vld [tilespmem:$0x1FF40]  }
0x190: {  	v8 =	vld.idx.msk [tilespmem:v10+s10+$0x0], $0xffff;
	v9 =	vor.u32 s18, v32  }
0x191: {  	v10 =	vor.u32 s22, v47;
	v1 =	vld.idx.msk [tilespmem:v5+s10+$0x0], $0xffff  }
0x192: {  	v4 =	vld.idx.msk [tilespmem:v7+s10+$0x0], $0xffff;
	v5 =	vor.u32 s20, v38  }
0x193: {  	v7 =	vor.u32 s16, v44;
	v0 =	vld.idx.msk [tilespmem:v2+s10+$0x0], $0xffff  }
0x194: {  	[tilespmem:s17+$0xFFFFFF10] =	vst v6;
	v2 =	vor.u32 s29, v41  }
0x195: {  	[tilespmem:s21+$0xFFFFFE80] =	vst v8;
	v6 =	vld.idx.msk [tilespmem:v9+s10+$0x0], $0xffff  }
0x196: {  	[tilespmem:s19+$0xB0] =	vst v1;
	v8 =	vld.idx.msk [tilespmem:v10+s10+$0x0], $0xffff;
	v9 =	vor.u32 s18, v57  }
0x197: {  	[tilespmem:s15+$0x20] =	vst v4;
	v10 =	vor.u32 s22, v46;
	v1 =	vld.idx.msk [tilespmem:v5+s10+$0x0], $0xffff  }
0x198: {  	v4 =	vld.idx.msk [tilespmem:v7+s10+$0x0], $0xffff;
	v5 =	vor.u32 s20, v40;
	[tilespmem:s28+$0x140] =	vst v0  }
0x199: {  	v7 =	vor.u32 s16, v56;
	v0 =	vld.idx.msk [tilespmem:v2+s10+$0x0], $0xffff  }
0x19a: {  	[tilespmem:s17+$0xFFFFFF90] =	vst v6;
	v2 =	vor.u32 s29, v35  }
0x19b: {  	[tilespmem:s21+$0xFFFFFF00] =	vst v8;
	v6 =	vld.idx.msk [tilespmem:v9+s10+$0x0], $0xffff  }
0x19c: {  	[tilespmem:s19+$0x130] =	vst v1;
	v8 =	vld.idx.msk [tilespmem:v10+s10+$0x0], $0xffff  }
0x19d: {  	[tilespmem:s15+$0xA0] =	vst v4;
	v1 =	vld.idx.msk [tilespmem:v5+s10+$0x0], $0xffff  }
0x19e: {  	v4 =	vld.idx.msk [tilespmem:v7+s10+$0x0], $0xffff;
	[tilespmem:s28+$0x1C0] =	vst v0  }
0x19f: {  	v0 =	vld.idx.msk [tilespmem:v2+s10+$0x0], $0xffff  }
0x1a0: {  	v37 =	vmov v50;
	v50 =	vmov v48;
	v48 =	vmov v52;
	v52 =	vld [tilespmem:$0x1FF50]  }
0x1a1: {  	[tilespmem:s17+$0x10] =	vst v6  }
0x1a2: {  	v9 =	vor.u32 s18, v19;
	[tilespmem:s21+$0xFFFFFF80] =	vst v8  }
0x1a3: {  	v10 =	vor.u32 s22, v24;
	[tilespmem:s19+$0x1B0] =	vst v1  }
0x1a4: {  	[tilespmem:s15+$0x120] =	vst v4  }
0x1a5: {  	v2 =	vor.u32 s29, v52;
	[tilespmem:s28+$0xFFFFFE50] =	vst v0  }
0x1a6: {  	v23 =	vmov v57;
	v5 =	vor.u32 s20, v51;
	v57 =	vld [tilespmem:$0x1FF60]  }
0x1a7: {  	v7 =	vor.u32 s16, v45;
	v6 =	vld.idx.msk [tilespmem:v9+s10+$0x0], $0xffff  }
0x1a8: {  	v8 =	vld.idx.msk [tilespmem:v10+s10+$0x0], $0xffff;
	v9 =	vor.u32 s18, v17  }
0x1a9: {  	v10 =	vor.u32 s22, v29  }
0x1aa: {  	v0 =	vld.idx.msk [tilespmem:v2+s10+$0x0], $0xffff  }
0x1ab: {  	v1 =	vld.idx.msk [tilespmem:v5+s10+$0x0], $0xffff;
	v2 =	vor.u32 s29, v57  }
0x1ac: {  	v4 =	vld.idx.msk [tilespmem:v7+s10+$0x0], $0xffff;
	v5 =	vor.u32 s20, v48;
	[tilespmem:s17+$0x90] =	vst v6  }
0x1ad: {  	v7 =	vor.u32 s16, v39;
	[tilespmem:s21+$0x0] =	vst v8;
	v6 =	vld.idx.msk [tilespmem:v9+s10+$0x0], $0xffff  }
0x1ae: {  	v8 =	vld.idx.msk [tilespmem:v10+s10+$0x0], $0xffff;
	v9 =	vor.u32 s18, v18  }
0x1af: {  	v10 =	vor.u32 s22, v61;
	[tilespmem:s28+$0xFFFFFED0] =	vst v0  }
0x1b0: {  	[tilespmem:s19+$0xFFFFFE40] =	vst v1;
	v0 =	vld.idx.msk [tilespmem:v2+s10+$0x0], $0xffff  }
0x1b1: {  	[tilespmem:s15+$0x1A0] =	vst v4;
	v1 =	vld.idx.msk [tilespmem:v5+s10+$0x0], $0xffff;
	v2 =	vor.u32 s29, v16  }
0x1b2: {  	v4 =	vld.idx.msk [tilespmem:v7+s10+$0x0], $0xffff;
	v5 =	vor.u32 s20, v50;
	[tilespmem:s17+$0x110] =	vst v6  }
0x1b3: {  	v7 =	vor.u32 s16, v37;
	[tilespmem:s21+$0x80] =	vst v8;
	v6 =	vld.idx.msk [tilespmem:v9+s10+$0x0], $0xffff  }
0x1b4: {  	v8 =	vld.idx.msk [tilespmem:v10+s10+$0x0], $0xffff;
	v9 =	vor.u32 s18, v22  }
0x1b5: {  	v10 =	vor.u32 s22, v27;
	[tilespmem:s28+$0xFFFFFF50] =	vst v0  }
0x1b6: {  	[tilespmem:s19+$0xFFFFFEC0] =	vst v1;
	v0 =	vld.idx.msk [tilespmem:v2+s10+$0x0], $0xffff  }
0x1b7: {  	[tilespmem:s15+$0xFFFFFE30] =	vst v4;
	v1 =	vld.idx.msk [tilespmem:v5+s10+$0x0], $0xffff;
	v2 =	vor.u32 s29, v11  }
0x1b8: {  	v4 =	vld.idx.msk [tilespmem:v7+s10+$0x0], $0xffff;
	v5 =	vor.u32 s20, v20;
	[tilespmem:s17+$0x190] =	vst v6  }
0x1b9: {  	v7 =	vor.u32 s16, v58;
	[tilespmem:s21+$0x100] =	vst v8;
	v6 =	vld.idx.msk [tilespmem:v9+s10+$0x0], $0xffff  }
0x1ba: {  	v8 =	vld.idx.msk [tilespmem:v10+s10+$0x0], $0xffff;
	v9 =	vor.u32 s18, v31  }
0x1bb: {  	v10 =	vor.u32 s22, v49;
	[tilespmem:s28+$0xFFFFFFD0] =	vst v0  }
0x1bc: {  	[tilespmem:s19+$0xFFFFFF40] =	vst v1;
	v0 =	vld.idx.msk [tilespmem:v2+s10+$0x0], $0xffff  }
0x1bd: {  	[tilespmem:s15+$0xFFFFFEB0] =	vst v4;
	v1 =	vld.idx.msk [tilespmem:v5+s10+$0x0], $0xffff;
	v2 =	vor.u32 s29, v26  }
0x1be: {  	v4 =	vld.idx.msk [tilespmem:v7+s10+$0x0], $0xffff;
	v5 =	vor.u32 s20, v60;
	[tilespmem:s17+$0xFFFFFE20] =	vst v6  }
0x1bf: {  	v7 =	vor.u32 s16, v43;
	[tilespmem:s21+$0x180] =	vst v8;
	v6 =	vld.idx.msk [tilespmem:v9+s10+$0x0], $0xffff  }
0x1c0: {  	v8 =	vld.idx.msk [tilespmem:v10+s10+$0x0], $0xffff;
	v9 =	vor.u32 s18, v33  }
0x1c1: {  	s23 =	simm.s32 $0x1400;
	v10 =	vor.u32 s22, v3;
	[tilespmem:s28+$0x50] =	vst v0  }
0x1c2: {  	[tilespmem:s19+$0xFFFFFFC0] =	vst v1;
	v0 =	vor.u32 s23, v34;
	v1 =	vld.idx.msk [tilespmem:v2+s10+$0x0], $0xffff  }
0x1c3: {  	[tilespmem:s15+$0xFFFFFF30] =	vst v4;
	v4 =	vor.u32 s29, v30;
	v2 =	vld.idx.msk [tilespmem:v5+s10+$0x0], $0xffff  }
0x1c4: {  	[tilespmem:s17+$0xFFFFFEA0] =	vst v6;
	v6 =	vor.u32 s20, v59;
	v5 =	vld.idx.msk [tilespmem:v7+s10+$0x0], $0xffff  }
0x1c5: {  	[tilespmem:s21+$0xFFFFFE10] =	vst v8;
	v8 =	vor.u32 s16, v62;
	v7 =	vld.idx.msk [tilespmem:v9+s10+$0x0], $0xffff  }
0x1c6: {  	v9 =	vld.idx.msk [tilespmem:v10+s10+$0x0], $0xffff;
	v10 =	vor.u32 s18, v25  }
0x1c7: {  	v21 =	vmovc v58;
	v58 =	vmov v26;
	v26 =	vmov v11;
	v11 =	vor.u32 s22, v13;
	v0 =	vld.idx.msk [tilespmem:v0+s10+$0x0], $0xffff;
	[tilespmem:s28+$0xD0] =	vst v1  }
0x1c8: {  	v1 =	vor.u32 s23, v15;
	[tilespmem:s19+$0x40] =	vst v2;
	v2 =	vld.idx.msk [tilespmem:v4+s10+$0x0], $0xffff  }
0x1c9: {  	[tilespmem:s15+$0xFFFFFFB0] =	vst v5;
	v5 =	vor.u32 s29, v36;
	v4 =	vld.idx.msk [tilespmem:v6+s10+$0x0], $0xffff  }
0x1ca: {  	[tilespmem:s17+$0xFFFFFF20] =	vst v7;
	v7 =	vor.u32 s20, v54;
	v6 =	vld.idx.msk [tilespmem:v8+s10+$0x0], $0xffff  }
0x1cb: {  	s24 =	simm.s32 $0x11300;
	[tilespmem:s21+$0xFFFFFE90] =	vst v9;
	v9 =	vor.u32 s16, v63;
	v8 =	vld.idx.msk [tilespmem:v10+s10+$0x0], $0xffff  }
0x1cc: {  	[tilespmem:s24+$0xFFFFFE00] =	vst v0;
	v0 =	vld.idx.msk [tilespmem:v11+s10+$0x0], $0xffff  }
0x1cd: {  	v1 =	vld.idx.msk [tilespmem:v1+s10+$0x0], $0xffff;
	[tilespmem:s28+$0x150] =	vst v2  }
0x1ce: {  	v10 =	vor.u32 s18, v53;
	[tilespmem:s19+$0xC0] =	vst v4;
	v4 =	vld.idx.msk [tilespmem:v5+s10+$0x0], $0xffff  }
0x1cf: {  	v11 =	vor.u32 s22, v32;
	[tilespmem:s15+$0x30] =	vst v6;
	v5 =	vld.idx.msk [tilespmem:v7+s10+$0x0], $0xffff  }
0x1d0: {  	v2 =	vor.u32 s23, v47;
	[tilespmem:s17+$0xFFFFFFA0] =	vst v8;
	v7 =	vld.idx.msk [tilespmem:v9+s10+$0x0], $0xffff  }
0x1d1: {  	[tilespmem:s21+$0xFFFFFF10] =	vst v0  }
0x1d2: {  	v6 =	vor.u32 s29, v42;
	[tilespmem:s24+$0xFFFFFE80] =	vst v1  }
0x1d3: {  	v8 =	vor.u32 s20, v41;
	v0 =	vld.idx.msk [tilespmem:v10+s10+$0x0], $0xffff;
	[tilespmem:s28+$0x1D0] =	vst v4  }
0x1d4: {  	v9 =	vor.u32 s16, v38;
	v1 =	vld.idx.msk [tilespmem:v11+s10+$0x0], $0xffff;
	[tilespmem:s19+$0x140] =	vst v5  }
0x1d5: {  	v10 =	vor.u32 s18, v44;
	v2 =	vld.idx.msk [tilespmem:v2+s10+$0x0], $0xffff;
	[tilespmem:s15+$0xB0] =	vst v7  }
0x1d6: {  	v55 =	vld [tilespmem:$0x1FFB0]  }
0x1d7: {  	v11 =	vor.u32 s22, v23;
	v5 =	vld.idx.msk [tilespmem:v6+s10+$0x0], $0xffff  }
0x1d8: {  	v4 =	vor.u32 s23, v46;
	v6 =	vld.idx.msk [tilespmem:v8+s10+$0x0], $0xffff  }
0x1d9: {  	v8 =	vor.u32 s20, v35;
	[tilespmem:s17+$0x20] =	vst v0;
	v0 =	vld.idx.msk [tilespmem:v9+s10+$0x0], $0xffff  }
0x1da: {  	v9 =	vor.u32 s16, v40;
	[tilespmem:s21+$0xFFFFFF90] =	vst v1;
	v1 =	vld.idx.msk [tilespmem:v10+s10+$0x0], $0xffff  }
0x1db: {  	[tilespmem:s24+$0xFFFFFF00] =	vst v2;
	v7 =	vor.u32 s29, v55  }
0x1dc: {  	v2 =	vld.idx.msk [tilespmem:v11+s10+$0x0], $0xffff;
	[tilespmem:s28+$0xFFFFFE60] =	vst v5  }
0x1dd: {  	v10 =	vor.u32 s18, v56;
	v4 =	vld.idx.msk [tilespmem:v4+s10+$0x0], $0xffff;
	[tilespmem:s19+$0x1C0] =	vst v6  }
0x1de: {  	v11 =	vor.u32 s22, v19;
	[tilespmem:s15+$0x130] =	vst v0;
	v0 =	vld.idx.msk [tilespmem:v8+s10+$0x0], $0xffff  }
0x1df: {  	v5 =	vor.u32 s23, v24;
	[tilespmem:s17+$0xA0] =	vst v1;
	v1 =	vld.idx.msk [tilespmem:v9+s10+$0x0], $0xffff  }
0x1e0: {  	v8 =	vor.u32 s20, v52;
	v6 =	vld.idx.msk [tilespmem:v7+s10+$0x0], $0xffff  }
0x1e1: {  	[tilespmem:s21+$0x10] =	vst v2;
	v7 =	vor.u32 s29, v28  }
0x1e2: {  	v2 =	vld.idx.msk [tilespmem:v10+s10+$0x0], $0xffff;
	[tilespmem:s24+$0xFFFFFF80] =	vst v4  }
0x1e3: {  	v9 =	vor.u32 s16, v51;
	v4 =	vld.idx.msk [tilespmem:v11+s10+$0x0], $0xffff;
	[tilespmem:s19+$0xFFFFFE50] =	vst v0  }
0x1e4: {  	v5 =	vld.idx.msk [tilespmem:v5+s10+$0x0], $0xffff;
	[tilespmem:s15+$0x1B0] =	vst v1  }
0x1e5: {  	v1 =	vld.idx.msk [tilespmem:v8+s10+$0x0], $0xffff;
	[tilespmem:s28+$0xFFFFFEE0] =	vst v6  }
0x1e6: {  	v10 =	vor.u32 s18, v45;
	v0 =	vld.idx.msk [tilespmem:v7+s10+$0x0], $0xffff  }
0x1e7: {  	v11 =	vor.u32 s22, v17;
	v46 =	vld [tilespmem:$0x1FE70]  }
0x1e8: {  	v6 =	vor.u32 s23, v29;
	[tilespmem:s17+$0x120] =	vst v2;
	v2 =	vld.idx.msk [tilespmem:v9+s10+$0x0], $0xffff  }
0x1e9: {  	[tilespmem:s21+$0x90] =	vst v4  }
0x1ea: {  	v8 =	vor.u32 s20, v57;
	[tilespmem:s24+$0x0] =	vst v5  }
0x1eb: {  	v9 =	vor.u32 s16, v48;
	v4 =	vld.idx.msk [tilespmem:v10+s10+$0x0], $0xffff;
	[tilespmem:s19+$0xFFFFFED0] =	vst v1  }
0x1ec: {  	v5 =	vld.idx.msk [tilespmem:v11+s10+$0x0], $0xffff;
	v10 =	vor.u32 s18, v39;
	[tilespmem:s28+$0xFFFFFF60] =	vst v0  }
0x1ed: {  	v6 =	vld.idx.msk [tilespmem:v6+s10+$0x0], $0xffff;
	v7 =	vor.u32 s29, v46;
	[tilespmem:s15+$0xFFFFFE40] =	vst v2  }
0x1ee: {  	v0 =	vor.u32 s23, v61;
	v61 =	vld [tilespmem:$0x1FE60]  }
0x1ef: {  	v11 =	vor.u32 s22, v18;
	v2 =	vld.idx.msk [tilespmem:v8+s10+$0x0], $0xffff  }
0x1f0: {  	[tilespmem:s17+$0x1A0] =	vst v4;
	v4 =	vld.idx.msk [tilespmem:v9+s10+$0x0], $0xffff  }
0x1f1: {  	v8 =	vor.u32 s20, v16;
	[tilespmem:s21+$0x110] =	vst v5;
	v5 =	vld.idx.msk [tilespmem:v10+s10+$0x0], $0xffff  }
0x1f2: {  	v9 =	vor.u32 s16, v50;
	v1 =	vld.idx.msk [tilespmem:v7+s10+$0x0], $0xffff  }
0x1f3: {  	[tilespmem:s24+$0x80] =	vst v6;
	v7 =	vor.u32 s29, v61  }
0x1f4: {  	v6 =	vld.idx.msk [tilespmem:v11+s10+$0x0], $0xffff;
	[tilespmem:s19+$0xFFFFFF50] =	vst v2  }
0x1f5: {  	v0 =	vld.idx.msk [tilespmem:v0+s10+$0x0], $0xffff;
	[tilespmem:s15+$0xFFFFFEC0] =	vst v4  }
0x1f6: {  	v10 =	vor.u32 s18, v37;
	v4 =	vld.idx.msk [tilespmem:v8+s10+$0x0], $0xffff;
	[tilespmem:s17+$0xFFFFFE30] =	vst v5  }
0x1f7: {  	v11 =	vor.u32 s22, v22;
	v5 =	vld.idx.msk [tilespmem:v9+s10+$0x0], $0xffff;
	[tilespmem:s28+$0xFFFFFFE0] =	vst v1  }
0x1f8: {  	v8 =	vor.u32 s20, v26;
	v2 =	vld.idx.msk [tilespmem:v7+s10+$0x0], $0xffff  }
0x1f9: {  	[tilespmem:s21+$0x190] =	vst v6  }
0x1fa: {  	v1 =	vor.u32 s23, v27;
	[tilespmem:s24+$0x100] =	vst v0  }
0x1fb: {  	v6 =	vld.idx.msk [tilespmem:v10+s10+$0x0], $0xffff;
	v7 =	vor.u32 s29, v14;
	[tilespmem:s19+$0xFFFFFFD0] =	vst v4  }
0x1fc: {  	v9 =	vor.u32 s16, v20;
	v0 =	vld.idx.msk [tilespmem:v11+s10+$0x0], $0xffff;
	[tilespmem:s15+$0xFFFFFF40] =	vst v5  }
0x1fd: {  	v5 =	vld.idx.msk [tilespmem:v8+s10+$0x0], $0xffff;
	[tilespmem:s28+$0x60] =	vst v2  }
0x1fe: {  	v47 =	vmov v51;
	v10 =	vor.u32 s18, v21;
	v51 =	vld [tilespmem:$0x1FE30]  }
0x1ff: {  	v11 =	vor.u32 s22, v31;
	v1 =	vld.idx.msk [tilespmem:v1+s10+$0x0], $0xffff  }
0x200: {  	v2 =	vor.u32 s23, v49;
	v4 =	vld.idx.msk [tilespmem:v7+s10+$0x0], $0xffff  }
0x201: {  	v8 =	vor.u32 s20, v58;
	[tilespmem:s17+$0xFFFFFEB0] =	vst v6;
	v6 =	vld.idx.msk [tilespmem:v9+s10+$0x0], $0xffff  }
0x202: {  	[tilespmem:s21+$0xFFFFFE20] =	vst v0;
	v9 =	vor.u32 s16, v60  }
0x203: {  	[tilespmem:s19+$0x50] =	vst v5;
	v0 =	vld.idx.msk [tilespmem:v10+s10+$0x0], $0xffff;
	v7 =	vor.u32 s29, v51  }
0x204: {  	v10 =	vor.u32 s18, v43;
	[tilespmem:s24+$0x180] =	vst v1;
	v1 =	vld.idx.msk [tilespmem:v11+s10+$0x0], $0xffff  }
0x205: {  	v11 =	vor.u32 s22, v33;
	v2 =	vld.idx.msk [tilespmem:v2+s10+$0x0], $0xffff;
	[tilespmem:s28+$0xE0] =	vst v4  }
0x206: {  	v4 =	vor.u32 s23, v3;
	[tilespmem:s15+$0xFFFFFFC0] =	vst v6;
	v6 =	vld.idx.msk [tilespmem:v8+s10+$0x0], $0xffff  }
0x207: {  	s25 =	simm.s32 $0x1800;
	v14 =	vld.idx.msk [tilespmem:v9+s10+$0x0], $0xffff;
	v9 =	vor.u32 s20, v30  }
0x208: {  	[tilespmem:s17+$0xFFFFFF30] =	vst v0;
	v5 =	vld.idx.msk [tilespmem:v7+s10+$0x0], $0xffff;
	v7 =	vor.u32 s25, v34  }
0x209: {  	v8 =	vor.u32 s29, v12;
	[tilespmem:s21+$0xFFFFFEA0] =	vst v1;
	v1 =	vld.idx.msk [tilespmem:v10+s10+$0x0], $0xffff  }
0x20a: {  	v10 =	vor.u32 s16, v59;
	[tilespmem:s24+$0xFFFFFE10] =	vst v2;
	v16 =	vld.idx.msk [tilespmem:v11+s10+$0x0], $0xffff  }
0x20b: {  	v11 =	vor.u32 s18, v62;
	v4 =	vld.idx.msk [tilespmem:v4+s10+$0x0], $0xffff;
	[tilespmem:s19+$0xD0] =	vst v6  }
0x20c: {  	v2 =	vmov v12;
	v12 =	vor.u32 s22, v25;
	[tilespmem:s15+$0x40] =	vst v14;
	v9 =	vld.idx.msk [tilespmem:v9+s10+$0x0], $0xffff  }
0x20d: {  	v0 =	vld.idx.msk [tilespmem:v7+s10+$0x0], $0xffff;
	[tilespmem:s28+$0x160] =	vst v5;
	v5 =	vor.u32 s23, v13  }
0x20e: {  	v14 =	vor.u32 $0x380, v34;
	[tilespmem:s17+$0xFFFFFFB0] =	vst v1;
	v6 =	vld.idx.msk [tilespmem:v8+s10+$0x0], $0xffff;
	v8 =	vor.u32 s25, v15  }
0x20f: {  	v1 =	vld.idx.msk [tilespmem:v10+s10+$0x0], $0xffff;
	v10 =	vor.u32 s29, v14;
	[tilespmem:$0x1FC30] =	vst v14  }
0x210: {  	[tilespmem:s21+$0xFFFFFF20] =	vst v16;
	v27 =	vld.idx.msk [tilespmem:v11+s10+$0x0], $0xffff  }
0x211: {  	s26 =	simm.s32 $0x11700;
	v11 =	vor.u32 s20, v36;
	[tilespmem:s24+$0xFFFFFE90] =	vst v4;
	v4 =	vld.idx.msk [tilespmem:v12+s10+$0x0], $0xffff  }
0x212: {  	v12 =	vor.u32 s16, v54;
	[tilespmem:s26+$0xFFFFFE00] =	vst v0;
	v5 =	vld.idx.msk [tilespmem:v5+s10+$0x0], $0xffff  }
0x213: {  	v8 =	vld.idx.msk [tilespmem:v8+s10+$0x0], $0xffff;
	[tilespmem:s28+$0x1E0] =	vst v6  }
0x214: {  	[tilespmem:s19+$0x150] =	vst v9;
	v9 =	vld.idx.msk [tilespmem:v10+s10+$0x0], $0xffff  }
0x215: {  	v26 =	vor.u32 s18, v63;
	v3 =	vmov v61;
	v49 =	vld [tilespmem:$0x1FDD0];
	[tilespmem:s15+$0xC0] =	vst v1  }
0x216: {  	v61 =	vmovc v46;
	v46 =	vmovc v52;
	v52 =	vmov v13;
	v13 =	vor.u32 s22, v53;
	v11 =	vld.idx.msk [tilespmem:v11+s10+$0x0], $0xffff;
	v1 =	vor.u32 $0x381, v34;
	[tilespmem:s17+$0x30] =	vst v27  }
0x217: {  	v16 =	vmov v19;
	v6 =	vor.u32 s23, v32;
	v19 =	vld.idx.msk [tilespmem:v12+s10+$0x0], $0xffff;
	[tilespmem:$0x1FC40] =	vst v1  }
0x218: {  	[tilespmem:s21+$0xFFFFFFA0] =	vst v4  }
0x219: {  	v12 =	vor.u32 s29, v1;
	[tilespmem:s24+$0xFFFFFF10] =	vst v5  }
0x21a: {  	v1 =	vor.u32 s20, v42;
	v4 =	vld.idx.msk [tilespmem:v26+s10+$0x0], $0xffff;
	[tilespmem:s26+$0xFFFFFE80] =	vst v8  }
0x21b: {  	v33 =	vmov v38;
	v5 =	vld.idx.msk [tilespmem:v13+s10+$0x0], $0xffff;
	v13 =	vor.u32 s16, v41;
	[tilespmem:s28+$0xFFFFFE70] =	vst v9  }
0x21c: {  	v7 =	vmovc v55;
	v55 =	vmovc v25;
	v25 =	vmov v44;
	v15 =	vmov v23;
	v6 =	vld.idx.msk [tilespmem:v6+s10+$0x0], $0xffff;
	v10 =	vor.u32 s25, v49;
	[tilespmem:s19+$0x1D0] =	vst v11  }
0x21d: {  	v23 =	vmovc v31;
	v31 =	vmovc v56;
	v56 =	vmov v57;
	v57 =	vmov v25;
	v14 =	vor.u32 s22, v25;
	v25 =	vld [tilespmem:$0x1FDE0]  }
0x21e: {  	v8 =	vor.u32 s18, v33;
	v11 =	vld.idx.msk [tilespmem:v12+s10+$0x0], $0xffff  }
0x21f: {  	[tilespmem:s15+$0x140] =	vst v19;
	v1 =	vld.idx.msk [tilespmem:v1+s10+$0x0], $0xffff  }
0x220: {  	v0 =	vmovc v54;
	v54 =	vmov v15;
	v9 =	vor.u32 s23, v15;
	v15 =	vor.u32 $0x382, v34;
	[tilespmem:s17+$0xB0] =	vst v4;
	v4 =	vld.idx.msk [tilespmem:v13+s10+$0x0], $0xffff  }
0x221: {  	v13 =	vor.u32 s29, v15;
	v10 =	vld.idx.msk [tilespmem:v10+s10+$0x0], $0xffff;
	[tilespmem:$0x1FC50] =	vst v15  }
0x222: {  	v12 =	vor.u32 s25, v25;
	[tilespmem:s21+$0x20] =	vst v5  }
0x223: {  	v5 =	vld.idx.msk [tilespmem:v8+s10+$0x0], $0xffff;
	v8 =	vor.u32 s20, v7;
	[tilespmem:s24+$0xFFFFFF90] =	vst v6  }
0x224: {  	[tilespmem:s28+$0xFFFFFEF0] =	vst v11;
	v6 =	vld.idx.msk [tilespmem:v14+s10+$0x0], $0xffff;
	v14 =	vor.u32 s16, v35  }
0x225: {  	v43 =	vmov v40;
	[tilespmem:s19+$0xFFFFFE60] =	vst v1;
	v9 =	vld.idx.msk [tilespmem:v9+s10+$0x0], $0xffff  }
0x226: {  	v1 =	vld.idx.msk [tilespmem:v13+s10+$0x0], $0xffff;
	[tilespmem:s26+$0xFFFFFF00] =	vst v10;
	v10 =	vor.u32 s18, v43  }
0x227: {  	v15 =	vor.u32 s22, v31;
	[tilespmem:s15+$0x1C0] =	vst v4;
	v12 =	vld.idx.msk [tilespmem:v12+s10+$0x0], $0xffff  }
0x228: {  	v11 =	vor.u32 s23, v16;
	v4 =	vor.u32 $0x383, v34;
	v8 =	vld.idx.msk [tilespmem:v8+s10+$0x0], $0xffff;
	[tilespmem:s17+$0x130] =	vst v5  }
0x229: {  	v13 =	vor.u32 s25, v24;
	v5 =	vld.idx.msk [tilespmem:v14+s10+$0x0], $0xffff;
	[tilespmem:$0x1FC60] =	vst v4  }
0x22a: {  	v14 =	vor.u32 s29, v4;
	[tilespmem:s21+$0xA0] =	vst v6  }
0x22b: {  	[tilespmem:s24+$0x10] =	vst v9;
	v6 =	vld.idx.msk [tilespmem:v10+s10+$0x0], $0xffff;
	v10 =	vor.u32 s20, v28  }
0x22c: {  	[tilespmem:s28+$0xFFFFFF70] =	vst v1;
	v9 =	vld.idx.msk [tilespmem:v15+s10+$0x0], $0xffff;
	v15 =	vor.u32 s16, v46  }
0x22d: {  	v11 =	vld.idx.msk [tilespmem:v11+s10+$0x0], $0xffff;
	[tilespmem:s26+$0xFFFFFF80] =	vst v12;
	v12 =	vor.u32 s18, v47  }
0x22e: {  	v44 =	vmov v33;
	v33 =	vmov v16;
	v16 =	vor.u32 s22, v45;
	[tilespmem:s19+$0xFFFFFEE0] =	vst v8;
	v13 =	vld.idx.msk [tilespmem:v13+s10+$0x0], $0xffff  }
0x22f: {  	v1 =	vor.u32 s23, v17;
	v8 =	vld.idx.msk [tilespmem:v14+s10+$0x0], $0xffff;
	[tilespmem:s15+$0xFFFFFE50] =	vst v5  }
0x230: {  	v4 =	vor.u32 $0x384, v34;
	v14 =	vor.u32 s25, v29;
	v10 =	vld.idx.msk [tilespmem:v10+s10+$0x0], $0xffff;
	[tilespmem:s17+$0x1B0] =	vst v6  }
0x231: {  	v6 =	vld.idx.msk [tilespmem:v15+s10+$0x0], $0xffff;
	v15 =	vor.u32 s29, v4;
	[tilespmem:$0x1FC70] =	vst v4  }
0x232: {  	[tilespmem:s21+$0x120] =	vst v9;
	v9 =	vld.idx.msk [tilespmem:v12+s10+$0x0], $0xffff  }
0x233: {  	v12 =	vor.u32 s20, v61;
	[tilespmem:s24+$0x90] =	vst v11;
	v11 =	vld.idx.msk [tilespmem:v16+s10+$0x0], $0xffff  }
0x234: {  	[tilespmem:s26+$0x0] =	vst v13;
	v16 =	vor.u32 s16, v56;
	v1 =	vld.idx.msk [tilespmem:v1+s10+$0x0], $0xffff  }
0x235: {  	[tilespmem:s28+$0xFFFFFFF0] =	vst v8;
	v14 =	vld.idx.msk [tilespmem:v14+s10+$0x0], $0xffff  }
0x236: {  	[tilespmem:s19+$0xFFFFFF60] =	vst v10;
	v10 =	vld.idx.msk [tilespmem:v15+s10+$0x0], $0xffff  }
0x237: {  	v5 =	vld [tilespmem:$0x1FE00];
	[tilespmem:s15+$0xFFFFFED0] =	vst v6  }
0x238: {  	v4 =	vor.u32 $0x385, v34;
	v12 =	vld.idx.msk [tilespmem:v12+s10+$0x0], $0xffff;
	[tilespmem:s17+$0xFFFFFE40] =	vst v9  }
0x239: {  	v9 =	vld.idx.msk [tilespmem:v16+s10+$0x0], $0xffff;
	[tilespmem:$0x1FC80] =	vst v4  }
0x23a: {  	v13 =	vor.u32 s18, v48;
	[tilespmem:s21+$0x1A0] =	vst v11  }
0x23b: {  	v60 =	vmovc v53;
	v26 =	vmovc v46;
	v46 =	vmov v47;
	v47 =	vmov v17;
	v17 =	vor.u32 s22, v39;
	[tilespmem:s24+$0x110] =	vst v1  }
0x23c: {  	v53 =	vmovc v32;
	v32 =	vmovc v45;
	v45 =	vmov v48;
	v48 =	vmov v18;
	v8 =	vor.u32 s23, v18;
	v18 =	vld [tilespmem:$0x1FE10]  }
0x23d: {  	v16 =	vor.u32 s29, v4;
	_ =	sdelay $0x1  }
0x23e: {  	v11 =	vld.idx.msk [tilespmem:v13+s10+$0x0], $0xffff;
	v13 =	vor.u32 s20, v3  }
0x23f: {  	v27 =	vmov v56;
	v56 =	vmov v39;
	v17 =	vld.idx.msk [tilespmem:v17+s10+$0x0], $0xffff;
	[tilespmem:s26+$0x80] =	vst v14;
	v15 =	vor.u32 s25, v5  }
0x240: {  	v39 =	vmovc v58;
	v58 =	vmovc v25;
	v25 =	vld.idx.msk [tilespmem:v8+s10+$0x0], $0xffff;
	[tilespmem:s28+$0x70] =	vst v10;
	v4 =	vmov v5;
	v5 =	vmov v18;
	v18 =	vor.u32 s16, v18  }
0x241: {  	[tilespmem:s19+$0xFFFFFFE0] =	vst v12;
	v12 =	vld.idx.msk [tilespmem:v16+s10+$0x0], $0xffff  }
0x242: {  	v40 =	vmov v35;
	v35 =	vmov v31;
	v31 =	vld [tilespmem:$0x1FCE0]  }
0x243: {  	[tilespmem:s15+$0xFFFFFF50] =	vst v9;
	v9 =	vld.idx.msk [tilespmem:v13+s10+$0x0], $0xffff  }
0x244: {  	v13 =	vor.u32 $0x386, v34;
	[tilespmem:s17+$0xFFFFFEC0] =	vst v11;
	v15 =	vld.idx.msk [tilespmem:v15+s10+$0x0], $0xffff  }
0x245: {  	v11 =	vld.idx.msk [tilespmem:v18+s10+$0x0], $0xffff;
	[tilespmem:$0x1FC90] =	vst v13  }
0x246: {  	[tilespmem:s21+$0xFFFFFE30] =	vst v17  }
0x247: {  	v3 =	vld [tilespmem:$0x1FE40];
	[tilespmem:s24+$0x190] =	vst v25  }
0x248: {  	v19 =	vor.u32 s22, v37;
	v6 =	vld [tilespmem:$0x1FD10];
	_ =	sdelay $0x2  }
0x249: {  	v14 =	vor.u32 s18, v50;
	_ =	sdelay $0x1  }
0x24a: {  	v18 =	vld.idx.msk [tilespmem:v19+s10+$0x0], $0xffff;
	v19 =	vor.u32 s16, v6  }
0x24b: {  	v10 =	vor.u32 s23, v22  }
0x24c: {  	v16 =	vor.u32 s25, v31  }
0x24d: {  	v13 =	vor.u32 s29, v13;
	v14 =	vld.idx.msk [tilespmem:v14+s10+$0x0], $0xffff;
	[tilespmem:s26+$0x100] =	vst v15  }
0x24e: {  	v8 =	vmov v22;
	v22 =	vld [tilespmem:$0x1FE50];
	[tilespmem:s15+$0xFFFFFFD0] =	vst v11;
	v17 =	vor.u32 s20, v3  }
0x24f: {  	v3 =	vld.idx.msk [tilespmem:v19+s10+$0x0], $0xffff  }
0x250: {  	v15 =	vld.idx.msk [tilespmem:v10+s10+$0x0], $0xffff;
	[tilespmem:s28+$0xF0] =	vst v12  }
0x251: {  	v38 =	vmov v41;
	v16 =	vld.idx.msk [tilespmem:v16+s10+$0x0], $0xffff;
	[tilespmem:s19+$0x60] =	vst v9  }
0x252: {  	v41 =	vmovc v43;
	v43 =	vmovc v37;
	v37 =	vmov v20;
	v1 =	vmov v42;
	v9 =	vld.idx.msk [tilespmem:v13+s10+$0x0], $0xffff;
	v11 =	vor.u32 $0x387, v34;
	[tilespmem:s17+$0xFFFFFF40] =	vst v14  }
0x253: {  	v42 =	vmovc v21;
	v10 =	vor.u32 s18, v20;
	v20 =	vor.u32 s22, v21;
	v28 =	vmovc v22;
	v21 =	vor.u32 s25, v22;
	v22 =	vld.idx.msk [tilespmem:v17+s10+$0x0], $0xffff;
	[tilespmem:$0x1FCA0] =	vst v11  }
0x254: {  	[tilespmem:$0x1FCB0] =	vst v3  }
0x255: {  	[tilespmem:s21+$0xFFFFFEB0] =	vst v18  }
0x256: {  	[tilespmem:s24+$0xFFFFFE20] =	vst v15  }
0x257: {  	[tilespmem:s26+$0x180] =	vst v16  }
0x258: {  	[tilespmem:s28+$0x170] =	vst v9  }
0x259: {  	v3 =	vld [tilespmem:$0x1FFC0];
	_ =	sdelay $0x4  }
0x25a: {  	v25 =	vmovc v39;
	v16 =	vor.u32 s16, v39;
	v39 =	vmov v3;
	v19 =	vor.u32 s18, v3;
	v3 =	vld [tilespmem:$0x1FFF0];
	_ =	sdelay $0x3  }
0x25b: {  	[tilespmem:s19+$0xE0] =	vst v22  }
0x25c: {  	v34 =	vmov v3;
	v17 =	vor.u32 s22, v3;
	v3 =	vld [tilespmem:$0x1FFE0];
	_ =	sdelay $0x4  }
0x25d: {  	v14 =	vor.u32 s20, v51;
	v51 =	vmov v3;
	v15 =	vor.u32 s23, v3;
	v3 =	vld [tilespmem:$0x1FCB0];
	_ =	sdelay $0x2  }
0x25e: {  	v12 =	vor.u32 s23, v23;
	_ =	sdelay $0x1  }
0x25f: {  	v61 =	vmov v50;
	v50 =	vmov v23;
	v23 =	vor.u32 s29, v11;
	v10 =	vld.idx.msk [tilespmem:v10+s10+$0x0], $0xffff;
	[tilespmem:s15+$0x50] =	vst v3  }
0x260: {  	v3 =	vld [tilespmem:$0x1FCF0]  }
0x261: {  	v13 =	vld.idx.msk [tilespmem:v20+s10+$0x0], $0xffff  }
0x262: {  	v12 =	vld.idx.msk [tilespmem:v12+s10+$0x0], $0xffff  }
0x263: {  	v11 =	vld.idx.msk [tilespmem:v21+s10+$0x0], $0xffff  }
0x264: {  	v9 =	vld.idx.msk [tilespmem:v23+s10+$0x0], $0xffff  }
0x265: {  	s30 =	simm.s32 $0x8;
	s29 =	simm.s32 $0x1C00;
	v14 =	vld.idx.msk [tilespmem:v14+s10+$0x0], $0xffff;
	v18 =	vor.u32 s25, v3  }
.LBB2_8:
0x266: {  	v3 =	vld [tilespmem:$0x1FD30];
	_ =	sdelay $0x2  }
0x267: {  	[tilespmem:s17+$0xFFFFFFC0] =	vst v10  }
0x268: {  	v10 =	vld.idx.msk [tilespmem:v16+s10+$0x0], $0xffff;
	[tilespmem:s21+$0xFFFFFF30] =	vst v13  }
0x269: {  	v13 =	vld.idx.msk [tilespmem:v19+s10+$0x0], $0xffff;
	[tilespmem:s24+$0xFFFFFEA0] =	vst v12;
	v20 =	vor.u32 s29, v3  }
0x26a: {  	v12 =	vld.idx.msk [tilespmem:v17+s10+$0x0], $0xffff;
	[tilespmem:s26+$0xFFFFFE10] =	vst v11  }
0x26b: {  	v16 =	vor.u32 s20, v2;
	v11 =	vld.idx.msk [tilespmem:v15+s10+$0x0], $0xffff  }
0x26c: {  	v3 =	vld [tilespmem:$0x1FCC0]  }
0x26d: {  	v18 =	vld.idx.msk [tilespmem:v18+s10+$0x0], $0xffff;
	[tilespmem:s28+$0x1F0] =	vst v9;
	s28 =	smov.u32 s19  }
0x26e: {  	v17 =	vor.u32 s16, v30;
	s19 =	smov.u32 s15;
	v9 =	vld.idx.msk [tilespmem:v20+s10+$0x0], $0xffff;
	[tilespmem:s28+$0x160] =	vst v14  }
0x26f: {  	v15 =	vor.u32 s18, v59;
	[tilespmem:s19+$0xD0] =	vst v10  }
0x270: {  	v19 =	vor.u32 s22, v62;
	v10 =	vld.idx.msk [tilespmem:v16+s10+$0x0], $0xffff  }
0x271: {  	s15 =	smov.u32 s17;
	v20 =	vor.u32 s23, v55;
	v16 =	vor.u32 s29, v3;
	v3 =	vld [tilespmem:$0x1FC30]  }
0x272: {  	s17 =	smov.u32 s21;
	v14 =	vor.u32 s25, v52;
	[tilespmem:s15+$0x40] =	vst v13  }
0x273: {  	s21 =	smov.u32 s24;
	v13 =	vld.idx.msk [tilespmem:v17+s10+$0x0], $0xffff;
	[tilespmem:s17+$0xFFFFFFB0] =	vst v12  }
0x274: {  	s24 =	smov.u32 s26;
	v12 =	vld.idx.msk [tilespmem:v15+s10+$0x0], $0xffff;
	[tilespmem:s21+$0xFFFFFF20] =	vst v11  }
0x275: {  	s26 =	sadd.s32 $0x400, s26;
	v11 =	vld.idx.msk [tilespmem:v19+s10+$0x0], $0xffff;
	[tilespmem:s24+$0xFFFFFE90] =	vst v18  }
0x276: {  	v18 =	vld.idx.msk [tilespmem:v20+s10+$0x0], $0xffff;
	[tilespmem:s26+$0xFFFFFE00] =	vst v9;
	v15 =	vor.u32 s20, v3  }
0x277: {  	v17 =	vor.u32 s16, v36;
	v9 =	vld.idx.msk [tilespmem:v14+s10+$0x0], $0xffff  }
0x278: {  	v3 =	vld [tilespmem:$0x1FC40]  }
0x279: {  	v19 =	vor.u32 s18, v0;
	v16 =	vld.idx.msk [tilespmem:v16+s10+$0x0], $0xffff;
	[tilespmem:s28+$0x1E0] =	vst v10  }
0x27a: {  	v14 =	vor.u32 s22, v63;
	[tilespmem:s19+$0x150] =	vst v13  }
0x27b: {  	v20 =	vor.u32 s23, v60;
	v13 =	vld.idx.msk [tilespmem:v15+s10+$0x0], $0xffff;
	[tilespmem:s15+$0xC0] =	vst v12  }
0x27c: {  	v10 =	vor.u32 s25, v53;
	v12 =	vld.idx.msk [tilespmem:v17+s10+$0x0], $0xffff  }
0x27d: {  	v15 =	vor.u32 s29, v49;
	[tilespmem:s17+$0x30] =	vst v11;
	v17 =	vor.u32 s20, v3;
	v3 =	vld [tilespmem:$0x1FC50]  }
0x27e: {  	v11 =	vld.idx.msk [tilespmem:v19+s10+$0x0], $0xffff;
	[tilespmem:s21+$0xFFFFFFA0] =	vst v18  }
0x27f: {  	v14 =	vld.idx.msk [tilespmem:v14+s10+$0x0], $0xffff;
	[tilespmem:s24+$0xFFFFFF10] =	vst v9  }
0x280: {  	v18 =	vor.u32 s16, v1;
	v9 =	vld.idx.msk [tilespmem:v20+s10+$0x0], $0xffff;
	[tilespmem:s26+$0xFFFFFE80] =	vst v16  }
0x281: {  	v10 =	vld.idx.msk [tilespmem:v10+s10+$0x0], $0xffff  }
0x282: {  	v19 =	vor.u32 s18, v38;
	v15 =	vld.idx.msk [tilespmem:v15+s10+$0x0], $0xffff;
	[tilespmem:s28+$0xFFFFFE70] =	vst v13  }
0x283: {  	v16 =	vor.u32 s22, v44;
	[tilespmem:s19+$0x1D0] =	vst v12  }
0x284: {  	v20 =	vor.u32 s23, v57;
	v12 =	vld.idx.msk [tilespmem:v17+s10+$0x0], $0xffff;
	[tilespmem:s15+$0x140] =	vst v11  }
0x285: {  	v13 =	vor.u32 s25, v54;
	v11 =	vld.idx.msk [tilespmem:v18+s10+$0x0], $0xffff  }
0x286: {  	v17 =	vor.u32 s29, v58;
	[tilespmem:s17+$0xB0] =	vst v14;
	v18 =	vor.u32 s20, v3;
	v3 =	vld [tilespmem:$0x1FC60]  }
0x287: {  	v14 =	vld.idx.msk [tilespmem:v19+s10+$0x0], $0xffff;
	[tilespmem:s21+$0x20] =	vst v9  }
0x288: {  	v9 =	vld.idx.msk [tilespmem:v16+s10+$0x0], $0xffff;
	[tilespmem:s24+$0xFFFFFF90] =	vst v10  }
0x289: {  	v16 =	vor.u32 s16, v7;
	v10 =	vld.idx.msk [tilespmem:v20+s10+$0x0], $0xffff;
	[tilespmem:s26+$0xFFFFFF00] =	vst v15  }
0x28a: {  	v13 =	vld.idx.msk [tilespmem:v13+s10+$0x0], $0xffff  }
0x28b: {  	v17 =	vld.idx.msk [tilespmem:v17+s10+$0x0], $0xffff;
	[tilespmem:s28+$0xFFFFFEF0] =	vst v12  }
0x28c: {  	v19 =	vor.u32 s18, v40;
	[tilespmem:s19+$0xFFFFFE60] =	vst v11  }
0x28d: {  	v15 =	vor.u32 s22, v41;
	v11 =	vld.idx.msk [tilespmem:v18+s10+$0x0], $0xffff;
	[tilespmem:s15+$0x1C0] =	vst v14  }
0x28e: {  	v20 =	vor.u32 s23, v35;
	v14 =	vld.idx.msk [tilespmem:v16+s10+$0x0], $0xffff  }
0x28f: {  	v12 =	vor.u32 s25, v33;
	v16 =	vor.u32 s20, v3;
	v3 =	vld [tilespmem:$0x1FE80]  }
0x290: {  	[tilespmem:s17+$0x130] =	vst v9  }
0x291: {  	v18 =	vor.u32 s29, v24;
	v9 =	vld.idx.msk [tilespmem:v19+s10+$0x0], $0xffff;
	[tilespmem:s21+$0xA0] =	vst v10  }
0x292: {  	v10 =	vld.idx.msk [tilespmem:v15+s10+$0x0], $0xffff;
	[tilespmem:s24+$0x10] =	vst v13  }
0x293: {  	v13 =	vld.idx.msk [tilespmem:v20+s10+$0x0], $0xffff;
	[tilespmem:s26+$0xFFFFFF80] =	vst v17  }
0x294: {  	v12 =	vld.idx.msk [tilespmem:v12+s10+$0x0], $0xffff;
	v15 =	vor.u32 s16, v3  }
0x295: {  	v3 =	vld [tilespmem:$0x1FC70]  }
0x296: {  	v18 =	vld.idx.msk [tilespmem:v18+s10+$0x0], $0xffff;
	[tilespmem:s28+$0xFFFFFF70] =	vst v11  }
0x297: {  	v19 =	vor.u32 s18, v26;
	[tilespmem:s19+$0xFFFFFEE0] =	vst v14  }
0x298: {  	v17 =	vor.u32 s22, v46;
	v14 =	vld.idx.msk [tilespmem:v16+s10+$0x0], $0xffff;
	[tilespmem:s15+$0xFFFFFE50] =	vst v9  }
0x299: {  	v20 =	vor.u32 s23, v32;
	v9 =	vld.idx.msk [tilespmem:v15+s10+$0x0], $0xffff  }
0x29a: {  	v11 =	vor.u32 s25, v47;
	v15 =	vor.u32 s20, v3;
	v3 =	vld [tilespmem:$0x1FE70]  }
0x29b: {  	[tilespmem:s17+$0x1B0] =	vst v10  }
0x29c: {  	v16 =	vor.u32 s29, v29;
	v10 =	vld.idx.msk [tilespmem:v19+s10+$0x0], $0xffff;
	[tilespmem:s21+$0x120] =	vst v13  }
0x29d: {  	v13 =	vld.idx.msk [tilespmem:v17+s10+$0x0], $0xffff;
	[tilespmem:s24+$0x90] =	vst v12  }
0x29e: {  	v12 =	vld.idx.msk [tilespmem:v20+s10+$0x0], $0xffff;
	[tilespmem:s26+$0x0] =	vst v18  }
0x29f: {  	v11 =	vld.idx.msk [tilespmem:v11+s10+$0x0], $0xffff;
	v17 =	vor.u32 s16, v3  }
0x2a0: {  	v3 =	vld [tilespmem:$0x1FC80]  }
0x2a1: {  	v16 =	vld.idx.msk [tilespmem:v16+s10+$0x0], $0xffff;
	[tilespmem:s28+$0xFFFFFFF0] =	vst v14  }
0x2a2: {  	v19 =	vor.u32 s18, v27;
	[tilespmem:s19+$0xFFFFFF60] =	vst v9  }
0x2a3: {  	v18 =	vor.u32 s22, v45;
	v9 =	vld.idx.msk [tilespmem:v15+s10+$0x0], $0xffff;
	[tilespmem:s15+$0xFFFFFED0] =	vst v10  }
0x2a4: {  	v20 =	vor.u32 s23, v56;
	v10 =	vld.idx.msk [tilespmem:v17+s10+$0x0], $0xffff  }
0x2a5: {  	v14 =	vor.u32 s25, v48;
	v17 =	vor.u32 s20, v3;
	v3 =	vld [tilespmem:$0x1FE60]  }
0x2a6: {  	[tilespmem:s17+$0xFFFFFE40] =	vst v13  }
0x2a7: {  	v15 =	vor.u32 s29, v4;
	v13 =	vld.idx.msk [tilespmem:v19+s10+$0x0], $0xffff;
	[tilespmem:s21+$0x1A0] =	vst v12  }
0x2a8: {  	v12 =	vld.idx.msk [tilespmem:v18+s10+$0x0], $0xffff;
	[tilespmem:s24+$0x110] =	vst v11  }
0x2a9: {  	v11 =	vld.idx.msk [tilespmem:v20+s10+$0x0], $0xffff;
	[tilespmem:s26+$0x80] =	vst v16  }
0x2aa: {  	v14 =	vld.idx.msk [tilespmem:v14+s10+$0x0], $0xffff;
	v18 =	vor.u32 s16, v3  }
0x2ab: {  	v3 =	vld [tilespmem:$0x1FC90]  }
0x2ac: {  	v15 =	vld.idx.msk [tilespmem:v15+s10+$0x0], $0xffff;
	[tilespmem:s28+$0x70] =	vst v9  }
0x2ad: {  	[tilespmem:s19+$0xFFFFFFE0] =	vst v10  }
0x2ae: {  	v19 =	vor.u32 s18, v5;
	v10 =	vld.idx.msk [tilespmem:v17+s10+$0x0], $0xffff;
	[tilespmem:s15+$0xFFFFFF50] =	vst v13  }
0x2af: {  	v16 =	vor.u32 s22, v61;
	v13 =	vld.idx.msk [tilespmem:v18+s10+$0x0], $0xffff  }
0x2b0: {  	v20 =	vor.u32 s23, v43;
	v18 =	vor.u32 s20, v3;
	v3 =	vld [tilespmem:$0x1FE40]  }
0x2b1: {  	v9 =	vor.u32 s25, v8  }
0x2b2: {  	v17 =	vor.u32 s29, v31;
	[tilespmem:s17+$0xFFFFFEC0] =	vst v12  }
0x2b3: {  	v12 =	vld.idx.msk [tilespmem:v19+s10+$0x0], $0xffff;
	[tilespmem:s21+$0xFFFFFE30] =	vst v11  }
0x2b4: {  	v11 =	vld.idx.msk [tilespmem:v16+s10+$0x0], $0xffff;
	[tilespmem:s24+$0x190] =	vst v14  }
0x2b5: {  	v14 =	vld.idx.msk [tilespmem:v20+s10+$0x0], $0xffff;
	[tilespmem:s26+$0x100] =	vst v15;
	v16 =	vor.u32 s16, v3  }
0x2b6: {  	v9 =	vld.idx.msk [tilespmem:v9+s10+$0x0], $0xffff  }
0x2b7: {  	v19 =	vor.u32 s18, v6;
	v17 =	vld.idx.msk [tilespmem:v17+s10+$0x0], $0xffff;
	[tilespmem:s28+$0xF0] =	vst v10  }
0x2b8: {  	v15 =	vor.u32 s22, v37;
	[tilespmem:s19+$0x60] =	vst v13;
	v3 =	vld [tilespmem:$0x1FCA0]  }
0x2b9: {  	v20 =	vor.u32 s23, v42;
	v18 =	vld.idx.msk [tilespmem:v18+s10+$0x0], $0xffff;
	[tilespmem:s15+$0xFFFFFFD0] =	vst v12  }
0x2ba: {  	v23 =	vld.idx.msk [tilespmem:v16+s10+$0x0], $0xffff  }
0x2bb: {  	v21 =	vor.u32 s25, v50;
	[tilespmem:s17+$0xFFFFFF40] =	vst v11;
	v11 =	vld [tilespmem:$0x1FE30]  }
0x2bc: {  	v22 =	vor.u32 s29, v28;
	v24 =	vld.idx.msk [tilespmem:v19+s10+$0x0], $0xffff;
	[tilespmem:s21+$0xFFFFFEB0] =	vst v14  }
0x2bd: {  	v10 =	vld.idx.msk [tilespmem:v15+s10+$0x0], $0xffff;
	[tilespmem:s24+$0xFFFFFE20] =	vst v9  }
0x2be: {  	v3 =	vor.u32 s20, v3;
	v13 =	vld.idx.msk [tilespmem:v20+s10+$0x0], $0xffff  }
0x2bf: {  	s20 =	smov.u32 s16;
	v20 =	vld [tilespmem:$0x1FCF0];
	[tilespmem:s26+$0x180] =	vst v17  }
0x2c0: {  	p0 =	sne.s32 s30, $0x31;
	v12 =	vld.idx.msk [tilespmem:v21+s10+$0x0], $0xffff;
	v14 =	vor.u32 s20, v11  }
.Ltmp3:
0x2c1: {  	v11 =	vld.idx.msk [tilespmem:v22+s10+$0x0], $0xffff;
	[tilespmem:s28+$0x170] =	vst v18;
	(pc) =	sbr.rel @p0 .LBB2_8-.Ltmp3, $4  }
0x2c2: {  	[tilespmem:s19+$0xE0] =	vst v23  }
0x2c3: {  	s16 =	smov.u32 s18;
	s18 =	smov.u32 s22;
	v9 =	vld.idx.msk [tilespmem:v3+s10+$0x0], $0xffff  }
0x2c4: {  	s22 =	smov.u32 s23;
	s23 =	smov.u32 s25;
	s25 =	smov.u32 s29;
	v16 =	vor.u32 s16, v25;
	v19 =	vor.u32 s18, v39;
	[tilespmem:s15+$0x50] =	vst v24;
	v24 =	vld [tilespmem:$0x1FCD0]  }
0x2c5: {  	s29 =	sshll.u32 s30, $0xA;
	s30 =	sadd.s32 $0x1, s30;
	v15 =	vor.u32 s23, v51;
	v17 =	vor.u32 s22, v34;
	v18 =	vor.u32 s25, v20;
	v14 =	vld.idx.msk [tilespmem:v14+s10+$0x0], $0xffff  }
0x2c6: {  	v3 =	vld [tilespmem:$0x1FD30];
	_ =	sdelay $0x1  }
0x2c7: {  	[tilespmem:s17+$0xFFFFFFC0] =	vst v10  }
0x2c8: {  	[tilespmem:s21+$0xFFFFFF30] =	vst v13  }
0x2c9: {  	[tilespmem:s24+$0xFFFFFEA0] =	vst v12  }
0x2ca: {  	[tilespmem:s26+$0xFFFFFE10] =	vst v11;
	v11 =	vld.idx.msk [tilespmem:v15+s10+$0x0], $0xffff;
	v3 =	vor.u32 s29, v3  }
0x2cb: {  	v15 =	vld [tilespmem:$0x1FCC0];
	_ =	sdelay $0x3  }
0x2cc: {  	v3 =	vld.idx.msk [tilespmem:v3+s10+$0x0], $0xffff  }
0x2cd: {  	v15 =	vor.u32 s29, v15;
	_ =	sdelay $0x2  }
0x2ce: {  	s30 =	sadd.s32 $0x400, s26  }
0x2cf: {  	[tilespmem:s30+$0xFFFFFE00] =	vst v3  }
0x2d0: {  	v3 =	vld.idx.msk [tilespmem:v15+s10+$0x0], $0xffff  }
0x2d1: {  	v49 =	vor.u32 s29, v49;
	v18 =	vld.idx.msk [tilespmem:v18+s10+$0x0], $0xffff  }
0x2d2: {  	[tilespmem:s19+$0x160] =	vst v14;
	v22 =	vmov v62;
	v14 =	vor.u32 s22, v62;
	v62 =	vor.u32 s25, v52;
	_ =	sdelay $0x2  }
0x2d3: {  	v13 =	vld.idx.msk [tilespmem:v19+s10+$0x0], $0xffff;
	[tilespmem:s30+$0xFFFFFE80] =	vst v3  }
0x2d4: {  	[tilespmem:s26+$0xFFFFFE90] =	vst v18;
	v3 =	vld.idx.msk [tilespmem:v49+s10+$0x0], $0xffff  }
0x2d5: {  	[tilespmem:s28+$0x1F0] =	vst v9;
	v9 =	vld.idx.msk [tilespmem:v62+s10+$0x0], $0xffff;
	v62 =	vor.u32 s29, v58  }
0x2d6: {  	v12 =	vor.u32 s18, v59;
	_ =	sdelay $0x2  }
0x2d7: {  	[tilespmem:s30+$0xFFFFFF00] =	vst v3  }
0x2d8: {  	[tilespmem:s17+$0x40] =	vst v13;
	v3 =	vld.idx.msk [tilespmem:v62+s10+$0x0], $0xffff  }
0x2d9: {  	v23 =	vld.idx.msk [tilespmem:v12+s10+$0x0], $0xffff;
	v12 =	vor.u32 s29, v24;
	_ =	sdelay $0x3  }
0x2da: {  	[tilespmem:s30+$0xFFFFFF80] =	vst v3  }
0x2db: {  	v3 =	vld.idx.msk [tilespmem:v12+s10+$0x0], $0xffff  }
0x2dc: {  	v17 =	vld.idx.msk [tilespmem:v17+s10+$0x0], $0xffff;
	v13 =	vor.u32 s29, v29;
	_ =	sdelay $0x1  }
0x2dd: {  	v10 =	vld.idx.msk [tilespmem:v16+s10+$0x0], $0xffff;
	v16 =	vor.u32 s20, v2;
	_ =	sdelay $0x1  }
0x2de: {  	[tilespmem:s30+$0x0] =	vst v3  }
0x2df: {  	[tilespmem:s21+$0xFFFFFFB0] =	vst v17;
	v3 =	vld.idx.msk [tilespmem:v13+s10+$0x0], $0xffff  }
0x2e0: {  	v15 =	vld.idx.msk [tilespmem:v14+s10+$0x0], $0xffff;
	v14 =	vor.u32 s29, v4  }
0x2e1: {  	v16 =	vld.idx.msk [tilespmem:v16+s10+$0x0], $0xffff;
	_ =	sdelay $0x2  }
0x2e2: {  	[tilespmem:s30+$0x80] =	vst v3  }
0x2e3: {  	v3 =	vld.idx.msk [tilespmem:v14+s10+$0x0], $0xffff  }
0x2e4: {  	[tilespmem:s19+$0x1E0] =	vst v16;
	v16 =	vor.u32 s29, v31;
	_ =	sdelay $0x3  }
0x2e5: {  	[tilespmem:s30+$0x100] =	vst v3  }
0x2e6: {  	v3 =	vld.idx.msk [tilespmem:v16+s10+$0x0], $0xffff  }
0x2e7: {  	v17 =	vor.u32 s29, v28;
	_ =	sdelay $0x3  }
0x2e8: {  	[tilespmem:s30+$0x180] =	vst v3  }
0x2e9: {  	v3 =	vld.idx.msk [tilespmem:v17+s10+$0x0], $0xffff  }
0x2ea: {  	v49 =	vor.u32 s29, v20;
	_ =	sdelay $0x3  }
0x2eb: {  	[tilespmem:s30+$0xFFFFFE10] =	vst v3  }
0x2ec: {  	v3 =	vld.idx.msk [tilespmem:v49+s10+$0x0], $0xffff  }
0x2ed: {  	v58 =	vor.u32 s29, v52;
	_ =	sdelay $0x3  }
0x2ee: {  	[tilespmem:s30+$0xFFFFFE90] =	vst v3  }
0x2ef: {  	[tilespmem:s24+$0xFFFFFF20] =	vst v11;
	v3 =	vor.u32 s25, v53;
	v11 =	vld.idx.msk [tilespmem:v58+s10+$0x0], $0xffff  }
0x2f0: {  	v62 =	vor.u32 s29, v53;
	_ =	sdelay $0x1  }
0x2f1: {  	[tilespmem:s15+$0xD0] =	vst v10  }
0x2f2: {  	v19 =	vor.u32 s16, v30;
	[tilespmem:s26+$0xFFFFFF10] =	vst v9  }
0x2f3: {  	v10 =	vor.u32 s23, v55;
	v3 =	vld.idx.msk [tilespmem:v3+s10+$0x0], $0xffff;
	[tilespmem:s30+$0xFFFFFF10] =	vst v11  }
0x2f4: {  	v16 =	vor.u32 s25, v54;
	v11 =	vld.idx.msk [tilespmem:v62+s10+$0x0], $0xffff  }
0x2f5: {  	v17 =	vor.u32 s29, v54;
	_ =	sdelay $0x1  }
0x2f6: {  	v19 =	vld.idx.msk [tilespmem:v19+s10+$0x0], $0xffff  }
0x2f7: {  	v10 =	vld.idx.msk [tilespmem:v10+s10+$0x0], $0xffff;
	[tilespmem:s26+$0xFFFFFF90] =	vst v3  }
0x2f8: {  	v3 =	vld.idx.msk [tilespmem:v16+s10+$0x0], $0xffff;
	[tilespmem:s30+$0xFFFFFF90] =	vst v11  }
0x2f9: {  	v49 =	vor.u32 s25, v33;
	v11 =	vld.idx.msk [tilespmem:v17+s10+$0x0], $0xffff  }
0x2fa: {  	v52 =	vor.u32 s29, v33;
	_ =	sdelay $0x2  }
0x2fb: {  	[tilespmem:s26+$0x10] =	vst v3  }
0x2fc: {  	v3 =	vld.idx.msk [tilespmem:v49+s10+$0x0], $0xffff;
	[tilespmem:s30+$0x10] =	vst v11  }
0x2fd: {  	v53 =	vor.u32 s25, v47;
	v11 =	vld.idx.msk [tilespmem:v52+s10+$0x0], $0xffff  }
0x2fe: {  	v58 =	vor.u32 s29, v47;
	_ =	sdelay $0x2  }
0x2ff: {  	[tilespmem:s26+$0x90] =	vst v3  }
0x300: {  	v3 =	vld.idx.msk [tilespmem:v53+s10+$0x0], $0xffff;
	[tilespmem:s30+$0x90] =	vst v11  }
0x301: {  	v62 =	vor.u32 s25, v48;
	v11 =	vld.idx.msk [tilespmem:v58+s10+$0x0], $0xffff  }
0x302: {  	v16 =	vor.u32 s29, v48;
	_ =	sdelay $0x2  }
0x303: {  	[tilespmem:s26+$0x110] =	vst v3  }
0x304: {  	v3 =	vld.idx.msk [tilespmem:v62+s10+$0x0], $0xffff;
	[tilespmem:s30+$0x110] =	vst v11  }
0x305: {  	v17 =	vor.u32 s25, v8;
	v11 =	vld.idx.msk [tilespmem:v16+s10+$0x0], $0xffff  }
0x306: {  	v33 =	vor.u32 s29, v8;
	_ =	sdelay $0x2  }
0x307: {  	[tilespmem:s26+$0x190] =	vst v3  }
0x308: {  	v3 =	vld.idx.msk [tilespmem:v17+s10+$0x0], $0xffff;
	[tilespmem:s30+$0x190] =	vst v11  }
0x309: {  	v47 =	vor.u32 s25, v50;
	v11 =	vld.idx.msk [tilespmem:v33+s10+$0x0], $0xffff  }
0x30a: {  	v48 =	vor.u32 s29, v50;
	_ =	sdelay $0x2  }
0x30b: {  	[tilespmem:s26+$0xFFFFFE20] =	vst v3  }
0x30c: {  	v3 =	vld.idx.msk [tilespmem:v47+s10+$0x0], $0xffff;
	[tilespmem:s30+$0xFFFFFE20] =	vst v11  }
0x30d: {  	v49 =	vor.u32 s25, v51;
	v11 =	vld.idx.msk [tilespmem:v48+s10+$0x0], $0xffff  }
0x30e: {  	v52 =	vor.u32 s29, v51;
	_ =	sdelay $0x2  }
0x30f: {  	[tilespmem:s26+$0xFFFFFEA0] =	vst v3  }
0x310: {  	v3 =	vld.idx.msk [tilespmem:v49+s10+$0x0], $0xffff;
	[tilespmem:s30+$0xFFFFFEA0] =	vst v11  }
0x311: {  	v53 =	vor.u32 s25, v55;
	v11 =	vld.idx.msk [tilespmem:v52+s10+$0x0], $0xffff  }
0x312: {  	v55 =	vor.u32 s29, v55;
	_ =	sdelay $0x2  }
0x313: {  	[tilespmem:s26+$0xFFFFFF20] =	vst v3;
	v3 =	vor.u32 s23, v60  }
0x314: {  	v9 =	vld.idx.msk [tilespmem:v53+s10+$0x0], $0xffff;
	[tilespmem:s30+$0xFFFFFF20] =	vst v11  }
0x315: {  	v58 =	vor.u32 s25, v60;
	v12 =	vld.idx.msk [tilespmem:v55+s10+$0x0], $0xffff  }
0x316: {  	v60 =	vor.u32 s29, v60  }
0x317: {  	[tilespmem:s24+$0xFFFFFFA0] =	vst v10  }
0x318: {  	v3 =	vld.idx.msk [tilespmem:v3+s10+$0x0], $0xffff  }
0x319: {  	v62 =	vor.u32 s23, v57;
	[tilespmem:s26+$0xFFFFFFA0] =	vst v9  }
0x31a: {  	v16 =	vld.idx.msk [tilespmem:v58+s10+$0x0], $0xffff;
	[tilespmem:s30+$0xFFFFFFA0] =	vst v12  }
0x31b: {  	v17 =	vor.u32 s25, v57;
	v12 =	vld.idx.msk [tilespmem:v60+s10+$0x0], $0xffff  }
0x31c: {  	v33 =	vor.u32 s29, v57  }
0x31d: {  	[tilespmem:s24+$0x20] =	vst v3  }
0x31e: {  	v3 =	vld.idx.msk [tilespmem:v62+s10+$0x0], $0xffff  }
0x31f: {  	v47 =	vor.u32 s23, v35;
	[tilespmem:s26+$0x20] =	vst v16  }
0x320: {  	v10 =	vld.idx.msk [tilespmem:v17+s10+$0x0], $0xffff;
	[tilespmem:s30+$0x20] =	vst v12  }
0x321: {  	v48 =	vor.u32 s25, v35;
	v12 =	vld.idx.msk [tilespmem:v33+s10+$0x0], $0xffff  }
0x322: {  	v49 =	vor.u32 s29, v35  }
0x323: {  	[tilespmem:s24+$0xA0] =	vst v3  }
0x324: {  	v3 =	vld.idx.msk [tilespmem:v47+s10+$0x0], $0xffff  }
0x325: {  	v52 =	vor.u32 s23, v32;
	[tilespmem:s26+$0xA0] =	vst v10  }
0x326: {  	v10 =	vld.idx.msk [tilespmem:v48+s10+$0x0], $0xffff;
	[tilespmem:s30+$0xA0] =	vst v12  }
0x327: {  	v53 =	vor.u32 s25, v32;
	v12 =	vld.idx.msk [tilespmem:v49+s10+$0x0], $0xffff  }
0x328: {  	v55 =	vor.u32 s29, v32  }
0x329: {  	[tilespmem:s24+$0x120] =	vst v3  }
0x32a: {  	v3 =	vld.idx.msk [tilespmem:v52+s10+$0x0], $0xffff  }
0x32b: {  	v57 =	vor.u32 s23, v56;
	[tilespmem:s26+$0x120] =	vst v10  }
0x32c: {  	v10 =	vld.idx.msk [tilespmem:v53+s10+$0x0], $0xffff;
	[tilespmem:s30+$0x120] =	vst v12  }
0x32d: {  	v58 =	vor.u32 s25, v56;
	v12 =	vld.idx.msk [tilespmem:v55+s10+$0x0], $0xffff  }
0x32e: {  	v60 =	vor.u32 s29, v56  }
0x32f: {  	[tilespmem:s24+$0x1A0] =	vst v3  }
0x330: {  	v3 =	vld.idx.msk [tilespmem:v57+s10+$0x0], $0xffff  }
0x331: {  	v62 =	vor.u32 s23, v43;
	[tilespmem:s26+$0x1A0] =	vst v10  }
0x332: {  	v10 =	vld.idx.msk [tilespmem:v58+s10+$0x0], $0xffff;
	[tilespmem:s30+$0x1A0] =	vst v12  }
0x333: {  	v16 =	vor.u32 s25, v43;
	v12 =	vld.idx.msk [tilespmem:v60+s10+$0x0], $0xffff  }
0x334: {  	v17 =	vor.u32 s29, v43  }
0x335: {  	[tilespmem:s24+$0xFFFFFE30] =	vst v3  }
0x336: {  	v3 =	vld.idx.msk [tilespmem:v62+s10+$0x0], $0xffff  }
0x337: {  	v32 =	vor.u32 s23, v42;
	[tilespmem:s26+$0xFFFFFE30] =	vst v10  }
0x338: {  	v10 =	vld.idx.msk [tilespmem:v16+s10+$0x0], $0xffff;
	[tilespmem:s30+$0xFFFFFE30] =	vst v12  }
0x339: {  	v33 =	vor.u32 s25, v42;
	v12 =	vld.idx.msk [tilespmem:v17+s10+$0x0], $0xffff  }
0x33a: {  	v35 =	vor.u32 s29, v42  }
0x33b: {  	[tilespmem:s24+$0xFFFFFEB0] =	vst v3  }
0x33c: {  	v3 =	vld.idx.msk [tilespmem:v32+s10+$0x0], $0xffff  }
0x33d: {  	v58 =	vmov v42;
	v42 =	vor.u32 s23, v34;
	[tilespmem:s26+$0xFFFFFEB0] =	vst v10  }
0x33e: {  	v10 =	vld.idx.msk [tilespmem:v33+s10+$0x0], $0xffff;
	[tilespmem:s30+$0xFFFFFEB0] =	vst v12  }
0x33f: {  	v47 =	vor.u32 s25, v34;
	v12 =	vld.idx.msk [tilespmem:v35+s10+$0x0], $0xffff  }
0x340: {  	v48 =	vor.u32 s29, v34  }
0x341: {  	[tilespmem:s24+$0xFFFFFF30] =	vst v3  }
0x342: {  	v3 =	vld.idx.msk [tilespmem:v42+s10+$0x0], $0xffff  }
0x343: {  	[tilespmem:s26+$0xFFFFFF30] =	vst v10  }
0x344: {  	v49 =	vor.u32 s23, v22;
	v10 =	vld.idx.msk [tilespmem:v47+s10+$0x0], $0xffff;
	[tilespmem:s30+$0xFFFFFF30] =	vst v12  }
0x345: {  	v52 =	vor.u32 s25, v22;
	v12 =	vld.idx.msk [tilespmem:v48+s10+$0x0], $0xffff  }
0x346: {  	v53 =	vor.u32 s29, v22  }
0x347: {  	[tilespmem:s24+$0xFFFFFFB0] =	vst v3;
	v3 =	vor.u32 s22, v63;
	_ =	sdelay $0x1  }
0x348: {  	v9 =	vld.idx.msk [tilespmem:v49+s10+$0x0], $0xffff;
	[tilespmem:s26+$0xFFFFFFB0] =	vst v10  }
0x349: {  	v55 =	vor.u32 s23, v63;
	v11 =	vld.idx.msk [tilespmem:v52+s10+$0x0], $0xffff;
	[tilespmem:s30+$0xFFFFFFB0] =	vst v12  }
0x34a: {  	[tilespmem:s21+$0x30] =	vst v15;
	v56 =	vor.u32 s25, v63;
	v13 =	vld.idx.msk [tilespmem:v53+s10+$0x0], $0xffff  }
0x34b: {  	v57 =	vor.u32 s29, v63;
	v3 =	vld.idx.msk [tilespmem:v3+s10+$0x0], $0xffff  }
0x34c: {  	v60 =	vor.u32 s22, v44  }
0x34d: {  	[tilespmem:s24+$0x30] =	vst v9  }
0x34e: {  	v10 =	vld.idx.msk [tilespmem:v55+s10+$0x0], $0xffff;
	[tilespmem:s26+$0x30] =	vst v11  }
0x34f: {  	v62 =	vor.u32 s23, v44;
	v12 =	vld.idx.msk [tilespmem:v56+s10+$0x0], $0xffff;
	[tilespmem:s30+$0x30] =	vst v13  }
0x350: {  	v32 =	vor.u32 s25, v44;
	[tilespmem:s21+$0xB0] =	vst v3;
	v14 =	vld.idx.msk [tilespmem:v57+s10+$0x0], $0xffff  }
0x351: {  	v33 =	vor.u32 s29, v44;
	v3 =	vld.idx.msk [tilespmem:v60+s10+$0x0], $0xffff  }
0x352: {  	v35 =	vor.u32 s22, v41  }
0x353: {  	[tilespmem:s24+$0xB0] =	vst v10  }
0x354: {  	v10 =	vld.idx.msk [tilespmem:v62+s10+$0x0], $0xffff;
	[tilespmem:s26+$0xB0] =	vst v12  }
0x355: {  	v42 =	vor.u32 s23, v41;
	v12 =	vld.idx.msk [tilespmem:v32+s10+$0x0], $0xffff;
	[tilespmem:s30+$0xB0] =	vst v14  }
0x356: {  	v44 =	vor.u32 s25, v41;
	[tilespmem:s21+$0x130] =	vst v3;
	v14 =	vld.idx.msk [tilespmem:v33+s10+$0x0], $0xffff  }
0x357: {  	v47 =	vor.u32 s29, v41;
	v3 =	vld.idx.msk [tilespmem:v35+s10+$0x0], $0xffff  }
0x358: {  	v48 =	vor.u32 s22, v46  }
0x359: {  	[tilespmem:s24+$0x130] =	vst v10  }
0x35a: {  	v10 =	vld.idx.msk [tilespmem:v42+s10+$0x0], $0xffff;
	[tilespmem:s26+$0x130] =	vst v12  }
0x35b: {  	v49 =	vor.u32 s23, v46;
	v12 =	vld.idx.msk [tilespmem:v44+s10+$0x0], $0xffff;
	[tilespmem:s30+$0x130] =	vst v14  }
0x35c: {  	v52 =	vor.u32 s25, v46;
	[tilespmem:s21+$0x1B0] =	vst v3;
	v14 =	vld.idx.msk [tilespmem:v47+s10+$0x0], $0xffff  }
0x35d: {  	v53 =	vor.u32 s29, v46;
	v3 =	vld.idx.msk [tilespmem:v48+s10+$0x0], $0xffff  }
0x35e: {  	v55 =	vor.u32 s22, v45  }
0x35f: {  	[tilespmem:s24+$0x1B0] =	vst v10  }
0x360: {  	v10 =	vld.idx.msk [tilespmem:v49+s10+$0x0], $0xffff;
	[tilespmem:s26+$0x1B0] =	vst v12  }
0x361: {  	v56 =	vor.u32 s23, v45;
	v12 =	vld.idx.msk [tilespmem:v52+s10+$0x0], $0xffff;
	[tilespmem:s30+$0x1B0] =	vst v14  }
0x362: {  	v57 =	vor.u32 s25, v45;
	[tilespmem:s21+$0xFFFFFE40] =	vst v3;
	v14 =	vld.idx.msk [tilespmem:v53+s10+$0x0], $0xffff  }
0x363: {  	v60 =	vor.u32 s29, v45;
	v3 =	vld.idx.msk [tilespmem:v55+s10+$0x0], $0xffff  }
0x364: {  	v62 =	vor.u32 s22, v61  }
0x365: {  	[tilespmem:s24+$0xFFFFFE40] =	vst v10  }
0x366: {  	v10 =	vld.idx.msk [tilespmem:v56+s10+$0x0], $0xffff;
	[tilespmem:s26+$0xFFFFFE40] =	vst v12  }
0x367: {  	v32 =	vor.u32 s23, v61;
	v12 =	vld.idx.msk [tilespmem:v57+s10+$0x0], $0xffff;
	[tilespmem:s30+$0xFFFFFE40] =	vst v14  }
0x368: {  	v33 =	vor.u32 s25, v61;
	[tilespmem:s21+$0xFFFFFEC0] =	vst v3;
	v14 =	vld.idx.msk [tilespmem:v60+s10+$0x0], $0xffff  }
0x369: {  	v35 =	vor.u32 s29, v61;
	v3 =	vld.idx.msk [tilespmem:v62+s10+$0x0], $0xffff  }
0x36a: {  	v41 =	vor.u32 s22, v37  }
0x36b: {  	[tilespmem:s24+$0xFFFFFEC0] =	vst v10  }
0x36c: {  	v10 =	vld.idx.msk [tilespmem:v32+s10+$0x0], $0xffff;
	[tilespmem:s26+$0xFFFFFEC0] =	vst v12  }
0x36d: {  	v42 =	vor.u32 s23, v37;
	v12 =	vld.idx.msk [tilespmem:v33+s10+$0x0], $0xffff;
	[tilespmem:s30+$0xFFFFFEC0] =	vst v14  }
0x36e: {  	v44 =	vor.u32 s25, v37;
	[tilespmem:s21+$0xFFFFFF40] =	vst v3;
	v14 =	vld.idx.msk [tilespmem:v35+s10+$0x0], $0xffff  }
0x36f: {  	v47 =	vor.u32 s29, v37;
	v3 =	vld.idx.msk [tilespmem:v41+s10+$0x0], $0xffff  }
0x370: {  	v48 =	vor.u32 s22, v39  }
0x371: {  	[tilespmem:s24+$0xFFFFFF40] =	vst v10  }
0x372: {  	v10 =	vld.idx.msk [tilespmem:v42+s10+$0x0], $0xffff;
	[tilespmem:s26+$0xFFFFFF40] =	vst v12  }
0x373: {  	v49 =	vor.u32 s23, v39;
	v12 =	vld.idx.msk [tilespmem:v44+s10+$0x0], $0xffff;
	[tilespmem:s30+$0xFFFFFF40] =	vst v14  }
0x374: {  	v52 =	vor.u32 s25, v39;
	[tilespmem:s21+$0xFFFFFFC0] =	vst v3;
	v14 =	vld.idx.msk [tilespmem:v47+s10+$0x0], $0xffff  }
0x375: {  	v53 =	vor.u32 s29, v39;
	v3 =	vld.idx.msk [tilespmem:v48+s10+$0x0], $0xffff  }
0x376: {  	v55 =	vor.u32 s22, v59  }
0x377: {  	[tilespmem:s24+$0xFFFFFFC0] =	vst v10  }
0x378: {  	v10 =	vld.idx.msk [tilespmem:v49+s10+$0x0], $0xffff;
	[tilespmem:s26+$0xFFFFFFC0] =	vst v12  }
0x379: {  	v12 =	vld.idx.msk [tilespmem:v52+s10+$0x0], $0xffff;
	[tilespmem:s30+$0xFFFFFFC0] =	vst v14  }
0x37a: {  	v56 =	vor.u32 s23, v59;
	[tilespmem:s21+$0x40] =	vst v3;
	v14 =	vld.idx.msk [tilespmem:v53+s10+$0x0], $0xffff  }
0x37b: {  	v57 =	vor.u32 s25, v59;
	v9 =	vld.idx.msk [tilespmem:v55+s10+$0x0], $0xffff  }
0x37c: {  	[tilespmem:s17+$0xC0] =	vst v23  }
0x37d: {  	v3 =	vor.u32 s18, v0;
	[tilespmem:s24+$0x40] =	vst v10  }
0x37e: {  	v60 =	vor.u32 s29, v59;
	[tilespmem:s26+$0x40] =	vst v12  }
0x37f: {  	v29 =	vmov v61;
	v61 =	vor.u32 s22, v0;
	v11 =	vld.idx.msk [tilespmem:v56+s10+$0x0], $0xffff;
	[tilespmem:s30+$0x40] =	vst v14  }
0x380: {  	v13 =	vld.idx.msk [tilespmem:v57+s10+$0x0], $0xffff;
	[tilespmem:s21+$0xC0] =	vst v9  }
0x381: {  	v62 =	vor.u32 s23, v0;
	v32 =	vor.u32 s25, v0;
	v33 =	vor.u32 s29, v0;
	v0 =	vld [tilespmem:$0x1FC30]  }
0x382: {  	v3 =	vld.idx.msk [tilespmem:v3+s10+$0x0], $0xffff  }
0x383: {  	v39 =	vor.u32 s18, v38;
	v15 =	vld.idx.msk [tilespmem:v60+s10+$0x0], $0xffff  }
0x384: {  	v10 =	vld.idx.msk [tilespmem:v61+s10+$0x0], $0xffff  }
0x385: {  	v41 =	vor.u32 s22, v38;
	[tilespmem:s24+$0xC0] =	vst v11  }
0x386: {  	v12 =	vld.idx.msk [tilespmem:v62+s10+$0x0], $0xffff;
	[tilespmem:s26+$0xC0] =	vst v13;
	v35 =	vor.u32 s20, v0  }
0x387: {  	[tilespmem:s17+$0x140] =	vst v3;
	v14 =	vld.idx.msk [tilespmem:v32+s10+$0x0], $0xffff  }
0x388: {  	v11 =	vld.idx.msk [tilespmem:v39+s10+$0x0], $0xffff;
	[tilespmem:s30+$0xC0] =	vst v15  }
0x389: {  	[tilespmem:s21+$0x140] =	vst v10;
	v16 =	vld.idx.msk [tilespmem:v33+s10+$0x0], $0xffff  }
0x38a: {  	v42 =	vor.u32 s23, v38;
	[tilespmem:s15+$0x150] =	vst v19;
	v13 =	vld.idx.msk [tilespmem:v41+s10+$0x0], $0xffff  }
0x38b: {  	v44 =	vor.u32 s25, v38;
	[tilespmem:s24+$0x140] =	vst v12;
	v9 =	vld.idx.msk [tilespmem:v35+s10+$0x0], $0xffff  }
0x38c: {  	[tilespmem:s26+$0x140] =	vst v14  }
0x38d: {  	v48 =	vor.u32 s18, v40;
	[tilespmem:s17+$0x1C0] =	vst v11  }
0x38e: {  	v3 =	vor.u32 s29, v38;
	[tilespmem:s30+$0x140] =	vst v16  }
0x38f: {  	v49 =	vor.u32 s22, v40;
	v15 =	vld.idx.msk [tilespmem:v42+s10+$0x0], $0xffff;
	[tilespmem:s21+$0x1C0] =	vst v13  }
0x390: {  	v47 =	vor.u32 s16, v36;
	v17 =	vld.idx.msk [tilespmem:v44+s10+$0x0], $0xffff;
	[tilespmem:s19+$0xFFFFFE70] =	vst v9  }
0x391: {  	v52 =	vor.u32 s23, v40;
	v8 =	vld [tilespmem:$0x1FC40]  }
0x392: {  	v53 =	vor.u32 s25, v40;
	v12 =	vld.idx.msk [tilespmem:v48+s10+$0x0], $0xffff  }
0x393: {  	v57 =	vor.u32 s18, v26;
	v3 =	vld.idx.msk [tilespmem:v3+s10+$0x0], $0xffff  }
0x394: {  	v55 =	vor.u32 s29, v40;
	v14 =	vld.idx.msk [tilespmem:v49+s10+$0x0], $0xffff  }
0x395: {  	v59 =	vor.u32 s22, v26;
	v10 =	vld.idx.msk [tilespmem:v47+s10+$0x0], $0xffff;
	[tilespmem:s24+$0x1C0] =	vst v15  }
0x396: {  	[tilespmem:s26+$0x1C0] =	vst v17;
	v16 =	vld.idx.msk [tilespmem:v52+s10+$0x0], $0xffff;
	v56 =	vor.u32 s20, v8  }
0x397: {  	[tilespmem:s17+$0xFFFFFE50] =	vst v12;
	v9 =	vld.idx.msk [tilespmem:v53+s10+$0x0], $0xffff  }
0x398: {  	[tilespmem:s30+$0x1C0] =	vst v3;
	v15 =	vld.idx.msk [tilespmem:v57+s10+$0x0], $0xffff  }
0x399: {  	v3 =	vor.u32 s23, v26;
	[tilespmem:s21+$0xFFFFFE50] =	vst v14;
	v11 =	vld.idx.msk [tilespmem:v55+s10+$0x0], $0xffff  }
0x39a: {  	v60 =	vor.u32 s25, v26;
	[tilespmem:s15+$0x1D0] =	vst v10;
	v17 =	vld.idx.msk [tilespmem:v59+s10+$0x0], $0xffff  }
0x39b: {  	v61 =	vor.u32 s29, v26;
	[tilespmem:s24+$0xFFFFFE50] =	vst v16;
	v13 =	vld.idx.msk [tilespmem:v56+s10+$0x0], $0xffff  }
0x39c: {  	[tilespmem:s26+$0xFFFFFE50] =	vst v9  }
0x39d: {  	v33 =	vor.u32 s22, v27;
	[tilespmem:s17+$0xFFFFFED0] =	vst v15  }
0x39e: {  	v62 =	vor.u32 s16, v1;
	v3 =	vld.idx.msk [tilespmem:v3+s10+$0x0], $0xffff;
	[tilespmem:s30+$0xFFFFFE50] =	vst v11  }
0x39f: {  	v32 =	vor.u32 s18, v27;
	v10 =	vld.idx.msk [tilespmem:v60+s10+$0x0], $0xffff;
	[tilespmem:s21+$0xFFFFFED0] =	vst v17  }
0x3a0: {  	v38 =	vor.u32 s23, v27;
	v12 =	vld.idx.msk [tilespmem:v61+s10+$0x0], $0xffff;
	[tilespmem:s19+$0xFFFFFEF0] =	vst v13  }
0x3a1: {  	v39 =	vor.u32 s25, v27;
	v4 =	vld [tilespmem:$0x1FC50]  }
0x3a2: {  	v35 =	vmov v40;
	v40 =	vor.u32 s29, v27;
	v9 =	vld.idx.msk [tilespmem:v33+s10+$0x0], $0xffff  }
0x3a3: {  	v44 =	vor.u32 s22, v5;
	v14 =	vld.idx.msk [tilespmem:v62+s10+$0x0], $0xffff  }
0x3a4: {  	v52 =	vor.u32 s16, v7;
	v16 =	vld.idx.msk [tilespmem:v32+s10+$0x0], $0xffff;
	[tilespmem:s24+$0xFFFFFED0] =	vst v3  }
0x3a5: {  	v3 =	vor.u32 s18, v5;
	[tilespmem:s26+$0xFFFFFED0] =	vst v10;
	v11 =	vld.idx.msk [tilespmem:v38+s10+$0x0], $0xffff  }
0x3a6: {  	[tilespmem:s30+$0xFFFFFED0] =	vst v12;
	v13 =	vld.idx.msk [tilespmem:v39+s10+$0x0], $0xffff;
	v41 =	vor.u32 s20, v4  }
0x3a7: {  	v47 =	vor.u32 s23, v5;
	[tilespmem:s21+$0xFFFFFF50] =	vst v9;
	v15 =	vld.idx.msk [tilespmem:v40+s10+$0x0], $0xffff  }
0x3a8: {  	v48 =	vor.u32 s25, v5;
	[tilespmem:s15+$0xFFFFFE60] =	vst v14;
	v10 =	vld.idx.msk [tilespmem:v44+s10+$0x0], $0xffff  }
0x3a9: {  	v49 =	vor.u32 s29, v5;
	[tilespmem:s17+$0xFFFFFF50] =	vst v16;
	v9 =	vld.idx.msk [tilespmem:v52+s10+$0x0], $0xffff  }
0x3aa: {  	v55 =	vor.u32 s22, v6;
	v3 =	vld.idx.msk [tilespmem:v3+s10+$0x0], $0xffff  }
0x3ab: {  	v53 =	vor.u32 s18, v6;
	[tilespmem:s24+$0xFFFFFF50] =	vst v11;
	v17 =	vld.idx.msk [tilespmem:v41+s10+$0x0], $0xffff  }
0x3ac: {  	[tilespmem:s26+$0xFFFFFF50] =	vst v13;
	v12 =	vld.idx.msk [tilespmem:v47+s10+$0x0], $0xffff  }
0x3ad: {  	[tilespmem:s30+$0xFFFFFF50] =	vst v15;
	v14 =	vld.idx.msk [tilespmem:v48+s10+$0x0], $0xffff  }
0x3ae: {  	[tilespmem:s21+$0xFFFFFFD0] =	vst v10;
	v16 =	vld.idx.msk [tilespmem:v49+s10+$0x0], $0xffff  }
0x3af: {  	v13 =	vld.idx.msk [tilespmem:v55+s10+$0x0], $0xffff;
	[tilespmem:s17+$0xFFFFFFD0] =	vst v3  }
0x3b0: {  	v11 =	vld.idx.msk [tilespmem:v53+s10+$0x0], $0xffff;
	[tilespmem:s19+$0xFFFFFF70] =	vst v17  }
0x3b1: {  	v56 =	vor.u32 s23, v6;
	v5 =	vld [tilespmem:$0x1FC60];
	[tilespmem:s24+$0xFFFFFFD0] =	vst v12  }
0x3b2: {  	[tilespmem:s26+$0xFFFFFFD0] =	vst v14  }
0x3b3: {  	v57 =	vor.u32 s25, v6;
	[tilespmem:s30+$0xFFFFFFD0] =	vst v16  }
0x3b4: {  	v3 =	vor.u32 s29, v6;
	[tilespmem:s15+$0xFFFFFEE0] =	vst v9  }
0x3b5: {  	v60 =	vor.u32 s18, v25;
	[tilespmem:s17+$0x50] =	vst v11  }
0x3b6: {  	v61 =	vor.u32 s22, v25;
	[tilespmem:s21+$0x50] =	vst v13;
	v15 =	vld.idx.msk [tilespmem:v56+s10+$0x0], $0xffff  }
0x3b7: {  	v62 =	vor.u32 s23, v25;
	v39 =	vld [tilespmem:$0x1FE80]  }
0x3b8: {  	v17 =	vld.idx.msk [tilespmem:v57+s10+$0x0], $0xffff;
	v59 =	vor.u32 s20, v5  }
0x3b9: {  	v32 =	vor.u32 s25, v25;
	v3 =	vld.idx.msk [tilespmem:v3+s10+$0x0], $0xffff  }
0x3ba: {  	v33 =	vor.u32 s29, v25;
	v12 =	vld.idx.msk [tilespmem:v60+s10+$0x0], $0xffff  }
0x3bb: {  	v41 =	vor.u32 s18, v30;
	v14 =	vld.idx.msk [tilespmem:v61+s10+$0x0], $0xffff;
	[tilespmem:s24+$0x50] =	vst v15  }
0x3bc: {  	v40 =	vor.u32 s16, v39;
	v16 =	vld.idx.msk [tilespmem:v62+s10+$0x0], $0xffff  }
0x3bd: {  	v44 =	vor.u32 s22, v30;
	[tilespmem:s26+$0x50] =	vst v17;
	v10 =	vld.idx.msk [tilespmem:v59+s10+$0x0], $0xffff  }
0x3be: {  	[tilespmem:s30+$0x50] =	vst v3;
	v9 =	vld.idx.msk [tilespmem:v32+s10+$0x0], $0xffff  }
0x3bf: {  	[tilespmem:s17+$0xD0] =	vst v12;
	v11 =	vld.idx.msk [tilespmem:v33+s10+$0x0], $0xffff  }
0x3c0: {  	v15 =	vld.idx.msk [tilespmem:v41+s10+$0x0], $0xffff  }
0x3c1: {  	[tilespmem:s21+$0xD0] =	vst v14;
	v13 =	vld.idx.msk [tilespmem:v40+s10+$0x0], $0xffff  }
0x3c2: {  	v17 =	vld.idx.msk [tilespmem:v44+s10+$0x0], $0xffff;
	[tilespmem:s19+$0xFFFFFFF0] =	vst v10  }
0x3c3: {  	v3 =	vor.u32 s23, v30;
	v6 =	vld [tilespmem:$0x1FC70];
	[tilespmem:s24+$0xD0] =	vst v16  }
0x3c4: {  	[tilespmem:s26+$0xD0] =	vst v9  }
0x3c5: {  	v47 =	vor.u32 s25, v30;
	[tilespmem:s30+$0xD0] =	vst v11  }
0x3c6: {  	v48 =	vor.u32 s29, v30;
	[tilespmem:s15+$0xFFFFFF60] =	vst v13  }
0x3c7: {  	v53 =	vor.u32 s22, v36;
	[tilespmem:s17+$0x150] =	vst v15  }
0x3c8: {  	v52 =	vor.u32 s18, v36;
	[tilespmem:s21+$0x150] =	vst v17;
	v3 =	vld.idx.msk [tilespmem:v3+s10+$0x0], $0xffff  }
0x3c9: {  	v55 =	vor.u32 s23, v36;
	v40 =	vld [tilespmem:$0x1FE70]  }
0x3ca: {  	v10 =	vld.idx.msk [tilespmem:v47+s10+$0x0], $0xffff;
	v49 =	vor.u32 s20, v6  }
0x3cb: {  	v56 =	vor.u32 s25, v36;
	v12 =	vld.idx.msk [tilespmem:v48+s10+$0x0], $0xffff  }
0x3cc: {  	v57 =	vor.u32 s29, v36;
	v9 =	vld.idx.msk [tilespmem:v53+s10+$0x0], $0xffff  }
0x3cd: {  	v60 =	vor.u32 s22, v1;
	v16 =	vld.idx.msk [tilespmem:v52+s10+$0x0], $0xffff;
	[tilespmem:s24+$0x150] =	vst v3  }
0x3ce: {  	v59 =	vor.u32 s16, v40;
	v11 =	vld.idx.msk [tilespmem:v55+s10+$0x0], $0xffff  }
0x3cf: {  	v3 =	vor.u32 s18, v1;
	[tilespmem:s26+$0x150] =	vst v10;
	v14 =	vld.idx.msk [tilespmem:v49+s10+$0x0], $0xffff  }
0x3d0: {  	[tilespmem:s30+$0x150] =	vst v12;
	v13 =	vld.idx.msk [tilespmem:v56+s10+$0x0], $0xffff  }
0x3d1: {  	[tilespmem:s21+$0x1D0] =	vst v9;
	v15 =	vld.idx.msk [tilespmem:v57+s10+$0x0], $0xffff  }
0x3d2: {  	v10 =	vld.idx.msk [tilespmem:v60+s10+$0x0], $0xffff  }
0x3d3: {  	[tilespmem:s17+$0x1D0] =	vst v16;
	v17 =	vld.idx.msk [tilespmem:v59+s10+$0x0], $0xffff  }
0x3d4: {  	v3 =	vld.idx.msk [tilespmem:v3+s10+$0x0], $0xffff;
	[tilespmem:s19+$0x70] =	vst v14  }
0x3d5: {  	v61 =	vor.u32 s23, v1;
	v20 =	vld [tilespmem:$0x1FC80];
	[tilespmem:s24+$0x1D0] =	vst v11  }
0x3d6: {  	[tilespmem:s26+$0x1D0] =	vst v13  }
0x3d7: {  	v62 =	vor.u32 s25, v1;
	[tilespmem:s30+$0x1D0] =	vst v15  }
0x3d8: {  	v32 =	vor.u32 s29, v1;
	[tilespmem:s15+$0xFFFFFFE0] =	vst v17  }
0x3d9: {  	v38 =	vor.u32 s18, v7;
	[tilespmem:s17+$0xFFFFFE60] =	vst v3  }
0x3da: {  	v41 =	vor.u32 s22, v7;
	[tilespmem:s21+$0xFFFFFE60] =	vst v10;
	v12 =	vld.idx.msk [tilespmem:v61+s10+$0x0], $0xffff  }
0x3db: {  	v44 =	vor.u32 s23, v7;
	v61 =	vld [tilespmem:$0x1FE60]  }
0x3dc: {  	v14 =	vld.idx.msk [tilespmem:v62+s10+$0x0], $0xffff;
	v33 =	vor.u32 s20, v20  }
0x3dd: {  	v47 =	vor.u32 s25, v7;
	v16 =	vld.idx.msk [tilespmem:v32+s10+$0x0], $0xffff  }
0x3de: {  	v3 =	vor.u32 s29, v7;
	v11 =	vld.idx.msk [tilespmem:v38+s10+$0x0], $0xffff  }
0x3df: {  	v49 =	vor.u32 s18, v39;
	v13 =	vld.idx.msk [tilespmem:v41+s10+$0x0], $0xffff;
	[tilespmem:s24+$0xFFFFFE60] =	vst v12  }
0x3e0: {  	v48 =	vor.u32 s16, v61;
	v15 =	vld.idx.msk [tilespmem:v44+s10+$0x0], $0xffff  }
0x3e1: {  	v52 =	vor.u32 s22, v39;
	[tilespmem:s26+$0xFFFFFE60] =	vst v14;
	v9 =	vld.idx.msk [tilespmem:v33+s10+$0x0], $0xffff  }
0x3e2: {  	[tilespmem:s30+$0xFFFFFE60] =	vst v16;
	v17 =	vld.idx.msk [tilespmem:v47+s10+$0x0], $0xffff  }
0x3e3: {  	[tilespmem:s17+$0xFFFFFEE0] =	vst v11;
	v3 =	vld.idx.msk [tilespmem:v3+s10+$0x0], $0xffff  }
0x3e4: {  	v12 =	vld.idx.msk [tilespmem:v49+s10+$0x0], $0xffff  }
0x3e5: {  	[tilespmem:s21+$0xFFFFFEE0] =	vst v13;
	v10 =	vld.idx.msk [tilespmem:v48+s10+$0x0], $0xffff  }
0x3e6: {  	v14 =	vld.idx.msk [tilespmem:v52+s10+$0x0], $0xffff;
	[tilespmem:s19+$0xF0] =	vst v9  }
0x3e7: {  	v53 =	vor.u32 s23, v39;
	v21 =	vld [tilespmem:$0x1FC90];
	[tilespmem:s24+$0xFFFFFEE0] =	vst v15  }
0x3e8: {  	[tilespmem:s26+$0xFFFFFEE0] =	vst v17  }
0x3e9: {  	v55 =	vor.u32 s25, v39;
	[tilespmem:s30+$0xFFFFFEE0] =	vst v3  }
0x3ea: {  	v56 =	vor.u32 s29, v39;
	[tilespmem:s15+$0x60] =	vst v10  }
0x3eb: {  	v59 =	vor.u32 s18, v40;
	[tilespmem:s17+$0xFFFFFF60] =	vst v12  }
0x3ec: {  	v60 =	vor.u32 s22, v40;
	[tilespmem:s21+$0xFFFFFF60] =	vst v14;
	v16 =	vld.idx.msk [tilespmem:v53+s10+$0x0], $0xffff  }
0x3ed: {  	v3 =	vor.u32 s23, v40;
	v30 =	vld [tilespmem:$0x1FE40]  }
0x3ee: {  	v9 =	vld.idx.msk [tilespmem:v55+s10+$0x0], $0xffff;
	v57 =	vor.u32 s20, v21  }
0x3ef: {  	v62 =	vor.u32 s25, v40;
	v11 =	vld.idx.msk [tilespmem:v56+s10+$0x0], $0xffff  }
0x3f0: {  	v33 =	vor.u32 s29, v40;
	v15 =	vld.idx.msk [tilespmem:v59+s10+$0x0], $0xffff  }
0x3f1: {  	v40 =	vor.u32 s18, v61;
	v17 =	vld.idx.msk [tilespmem:v60+s10+$0x0], $0xffff;
	[tilespmem:s24+$0xFFFFFF60] =	vst v16  }
0x3f2: {  	v38 =	vor.u32 s16, v30;
	v3 =	vld.idx.msk [tilespmem:v3+s10+$0x0], $0xffff  }
0x3f3: {  	v41 =	vor.u32 s22, v61;
	[tilespmem:s26+$0xFFFFFF60] =	vst v9;
	v13 =	vld.idx.msk [tilespmem:v57+s10+$0x0], $0xffff  }
0x3f4: {  	[tilespmem:s30+$0xFFFFFF60] =	vst v11;
	v10 =	vld.idx.msk [tilespmem:v62+s10+$0x0], $0xffff  }
0x3f5: {  	[tilespmem:s17+$0xFFFFFFE0] =	vst v15;
	v12 =	vld.idx.msk [tilespmem:v33+s10+$0x0], $0xffff  }
0x3f6: {  	v16 =	vld.idx.msk [tilespmem:v40+s10+$0x0], $0xffff  }
0x3f7: {  	[tilespmem:s21+$0xFFFFFFE0] =	vst v17;
	v14 =	vld.idx.msk [tilespmem:v38+s10+$0x0], $0xffff  }
0x3f8: {  	v9 =	vld.idx.msk [tilespmem:v41+s10+$0x0], $0xffff;
	[tilespmem:s19+$0x170] =	vst v13  }
0x3f9: {  	v44 =	vor.u32 s23, v61;
	v22 =	vld [tilespmem:$0x1FCA0];
	[tilespmem:s24+$0xFFFFFFE0] =	vst v3  }
0x3fa: {  	[tilespmem:s26+$0xFFFFFFE0] =	vst v10  }
0x3fb: {  	v47 =	vor.u32 s25, v61;
	[tilespmem:s30+$0xFFFFFFE0] =	vst v12  }
0x3fc: {  	v48 =	vor.u32 s29, v61;
	[tilespmem:s15+$0xE0] =	vst v14  }
0x3fd: {  	[tilespmem:s17+$0x60] =	vst v16  }
0x3fe: {  	v52 =	vor.u32 s22, v30;
	[tilespmem:s21+$0x60] =	vst v9;
	v11 =	vld.idx.msk [tilespmem:v44+s10+$0x0], $0xffff  }
0x3ff: {  	v3 =	vor.u32 s18, v30;
	v18 =	vld [tilespmem:$0x1FE30]  }
0x400: {  	v53 =	vor.u32 s23, v30;
	v13 =	vld.idx.msk [tilespmem:v47+s10+$0x0], $0xffff  }
0x401: {  	v55 =	vor.u32 s25, v30;
	v15 =	vld.idx.msk [tilespmem:v48+s10+$0x0], $0xffff  }
0x402: {  	v56 =	vor.u32 s29, v30  }
0x403: {  	v10 =	vld.idx.msk [tilespmem:v52+s10+$0x0], $0xffff;
	v49 =	vor.u32 s20, v22  }
0x404: {  	v3 =	vld.idx.msk [tilespmem:v3+s10+$0x0], $0xffff;
	v57 =	vor.u32 s16, v18;
	[tilespmem:s24+$0x60] =	vst v11  }
0x405: {  	v59 =	vor.u32 s18, v18;
	[tilespmem:s26+$0x60] =	vst v13;
	v12 =	vld.idx.msk [tilespmem:v53+s10+$0x0], $0xffff  }
0x406: {  	v60 =	vor.u32 s22, v18;
	[tilespmem:s30+$0x60] =	vst v15;
	v14 =	vld.idx.msk [tilespmem:v55+s10+$0x0], $0xffff  }
0x407: {  	v61 =	vor.u32 s23, v18;
	v16 =	vld.idx.msk [tilespmem:v56+s10+$0x0], $0xffff  }
0x408: {  	v62 =	vor.u32 s25, v18;
	[tilespmem:s21+$0xE0] =	vst v10;
	v17 =	vld.idx.msk [tilespmem:v49+s10+$0x0], $0xffff  }
0x409: {  	[tilespmem:s17+$0xE0] =	vst v3;
	v3 =	vor.u32 s29, v18;
	v9 =	vld.idx.msk [tilespmem:v57+s10+$0x0], $0xffff  }
0x40a: {  	v32 =	vor.u32 s16, v2;
	v11 =	vld.idx.msk [tilespmem:v59+s10+$0x0], $0xffff;
	[tilespmem:s24+$0xE0] =	vst v12  }
0x40b: {  	v33 =	vor.u32 s18, v2;
	v13 =	vld.idx.msk [tilespmem:v60+s10+$0x0], $0xffff;
	[tilespmem:s26+$0xE0] =	vst v14  }
0x40c: {  	v38 =	vor.u32 s22, v2;
	[tilespmem:s30+$0xE0] =	vst v16;
	v15 =	vld.idx.msk [tilespmem:v61+s10+$0x0], $0xffff  }
0x40d: {  	v40 =	vor.u32 s23, v2;
	[tilespmem:s19+$0x1F0] =	vst v17;
	v17 =	vld.idx.msk [tilespmem:v62+s10+$0x0], $0xffff  }
0x40e: {  	v41 =	vor.u32 s25, v2;
	v3 =	vld.idx.msk [tilespmem:v3+s10+$0x0], $0xffff;
	[tilespmem:s15+$0x160] =	vst v9  }
0x40f: {  	v44 =	vor.u32 s29, v2;
	[tilespmem:s17+$0x160] =	vst v11;
	v10 =	vld.idx.msk [tilespmem:v32+s10+$0x0], $0xffff  }
0x410: {  	v47 =	vor.u32 s16, v0;
	[tilespmem:s21+$0x160] =	vst v13;
	v12 =	vld.idx.msk [tilespmem:v33+s10+$0x0], $0xffff  }
0x411: {  	v48 =	vor.u32 s18, v0;
	v14 =	vld.idx.msk [tilespmem:v38+s10+$0x0], $0xffff;
	[tilespmem:s24+$0x160] =	vst v15  }
0x412: {  	v49 =	vor.u32 s22, v0;
	v16 =	vld.idx.msk [tilespmem:v40+s10+$0x0], $0xffff;
	[tilespmem:s26+$0x160] =	vst v17  }
0x413: {  	[tilespmem:s30+$0x160] =	vst v3;
	v3 =	vor.u32 s23, v0;
	v9 =	vld.idx.msk [tilespmem:v41+s10+$0x0], $0xffff  }
0x414: {  	v52 =	vor.u32 s25, v0;
	v11 =	vld.idx.msk [tilespmem:v44+s10+$0x0], $0xffff;
	[tilespmem:s15+$0x1E0] =	vst v10  }
0x415: {  	v0 =	vor.u32 s29, v0;
	[tilespmem:s17+$0x1E0] =	vst v12;
	v53 =	vld.idx.msk [tilespmem:v47+s10+$0x0], $0xffff  }
0x416: {  	v55 =	vor.u32 s16, v8;
	[tilespmem:s21+$0x1E0] =	vst v14;
	v56 =	vld.idx.msk [tilespmem:v48+s10+$0x0], $0xffff  }
0x417: {  	v57 =	vor.u32 s18, v8;
	v59 =	vld.idx.msk [tilespmem:v49+s10+$0x0], $0xffff;
	[tilespmem:s24+$0x1E0] =	vst v16  }
0x418: {  	v60 =	vor.u32 s22, v8;
	v3 =	vld.idx.msk [tilespmem:v3+s10+$0x0], $0xffff;
	[tilespmem:s26+$0x1E0] =	vst v9  }
0x419: {  	v61 =	vor.u32 s23, v8;
	[tilespmem:s30+$0x1E0] =	vst v11;
	v10 =	vld.idx.msk [tilespmem:v52+s10+$0x0], $0xffff  }
0x41a: {  	v62 =	vor.u32 s25, v8;
	v0 =	vld.idx.msk [tilespmem:v0+s10+$0x0], $0xffff;
	[tilespmem:s15+$0xFFFFFE70] =	vst v53  }
0x41b: {  	v42 =	vmov v1;
	v1 =	vor.u32 s29, v8;
	[tilespmem:s17+$0xFFFFFE70] =	vst v56;
	v13 =	vld.idx.msk [tilespmem:v55+s10+$0x0], $0xffff  }
0x41c: {  	v32 =	vor.u32 s16, v4;
	[tilespmem:s21+$0xFFFFFE70] =	vst v59;
	v15 =	vld.idx.msk [tilespmem:v57+s10+$0x0], $0xffff  }
0x41d: {  	v9 =	vld.idx.msk [tilespmem:v60+s10+$0x0], $0xffff;
	[tilespmem:s24+$0xFFFFFE70] =	vst v3;
	v3 =	vor.u32 s18, v4  }
0x41e: {  	v33 =	vor.u32 s22, v4;
	v11 =	vld.idx.msk [tilespmem:v61+s10+$0x0], $0xffff;
	[tilespmem:s26+$0xFFFFFE70] =	vst v10  }
0x41f: {  	[tilespmem:s30+$0xFFFFFE70] =	vst v0;
	v0 =	vor.u32 s23, v4;
	v12 =	vld.idx.msk [tilespmem:v62+s10+$0x0], $0xffff  }
0x420: {  	v38 =	vor.u32 s25, v4;
	v1 =	vld.idx.msk [tilespmem:v1+s10+$0x0], $0xffff;
	[tilespmem:s15+$0xFFFFFEF0] =	vst v13  }
0x421: {  	v2 =	vor.u32 s29, v4;
	[tilespmem:s17+$0xFFFFFEF0] =	vst v15;
	v14 =	vld.idx.msk [tilespmem:v32+s10+$0x0], $0xffff  }
0x422: {  	v40 =	vor.u32 s16, v5;
	[tilespmem:s21+$0xFFFFFEF0] =	vst v9;
	v3 =	vld.idx.msk [tilespmem:v3+s10+$0x0], $0xffff  }
0x423: {  	v41 =	vor.u32 s18, v5;
	v10 =	vld.idx.msk [tilespmem:v33+s10+$0x0], $0xffff;
	[tilespmem:s24+$0xFFFFFEF0] =	vst v11  }
0x424: {  	v44 =	vor.u32 s22, v5;
	v0 =	vld.idx.msk [tilespmem:v0+s10+$0x0], $0xffff;
	[tilespmem:s26+$0xFFFFFEF0] =	vst v12  }
0x425: {  	[tilespmem:s30+$0xFFFFFEF0] =	vst v1;
	v1 =	vor.u32 s23, v5;
	v13 =	vld.idx.msk [tilespmem:v38+s10+$0x0], $0xffff  }
0x426: {  	v47 =	vor.u32 s25, v5;
	v2 =	vld.idx.msk [tilespmem:v2+s10+$0x0], $0xffff;
	[tilespmem:s15+$0xFFFFFF70] =	vst v14  }
0x427: {  	v4 =	vor.u32 s29, v5;
	[tilespmem:s17+$0xFFFFFF70] =	vst v3;
	v3 =	vld.idx.msk [tilespmem:v40+s10+$0x0], $0xffff  }
0x428: {  	v48 =	vor.u32 s16, v6;
	[tilespmem:s21+$0xFFFFFF70] =	vst v10;
	v49 =	vld.idx.msk [tilespmem:v41+s10+$0x0], $0xffff  }
0x429: {  	v52 =	vld.idx.msk [tilespmem:v44+s10+$0x0], $0xffff;
	[tilespmem:s24+$0xFFFFFF70] =	vst v0;
	v0 =	vor.u32 s18, v6  }
0x42a: {  	v53 =	vor.u32 s22, v6;
	v1 =	vld.idx.msk [tilespmem:v1+s10+$0x0], $0xffff;
	[tilespmem:s26+$0xFFFFFF70] =	vst v13  }
0x42b: {  	[tilespmem:s30+$0xFFFFFF70] =	vst v2;
	v2 =	vor.u32 s23, v6;
	v13 =	vld.idx.msk [tilespmem:v47+s10+$0x0], $0xffff  }
0x42c: {  	v4 =	vld.idx.msk [tilespmem:v4+s10+$0x0], $0xffff;
	[tilespmem:s15+$0xFFFFFFF0] =	vst v3;
	v3 =	vor.u32 s25, v6  }
0x42d: {  	v5 =	vor.u32 s29, v6;
	[tilespmem:s17+$0xFFFFFFF0] =	vst v49;
	v9 =	vld.idx.msk [tilespmem:v48+s10+$0x0], $0xffff  }
0x42e: {  	v55 =	vor.u32 s16, v20;
	[tilespmem:s21+$0xFFFFFFF0] =	vst v52;
	v0 =	vld.idx.msk [tilespmem:v0+s10+$0x0], $0xffff  }
0x42f: {  	v11 =	vld.idx.msk [tilespmem:v53+s10+$0x0], $0xffff;
	[tilespmem:s24+$0xFFFFFFF0] =	vst v1;
	v1 =	vor.u32 s18, v20  }
0x430: {  	v56 =	vor.u32 s22, v20;
	v2 =	vld.idx.msk [tilespmem:v2+s10+$0x0], $0xffff;
	[tilespmem:s26+$0xFFFFFFF0] =	vst v13  }
0x431: {  	[tilespmem:s30+$0xFFFFFFF0] =	vst v4;
	v4 =	vor.u32 s23, v20;
	v3 =	vld.idx.msk [tilespmem:v3+s10+$0x0], $0xffff  }
0x432: {  	v57 =	vor.u32 s25, v20;
	v5 =	vld.idx.msk [tilespmem:v5+s10+$0x0], $0xffff;
	[tilespmem:s15+$0x70] =	vst v9  }
0x433: {  	v6 =	vor.u32 s29, v20;
	[tilespmem:s17+$0x70] =	vst v0;
	v0 =	vld.idx.msk [tilespmem:v55+s10+$0x0], $0xffff  }
0x434: {  	v59 =	vor.u32 s16, v21;
	[tilespmem:s21+$0x70] =	vst v11;
	v1 =	vld.idx.msk [tilespmem:v1+s10+$0x0], $0xffff  }
0x435: {  	v11 =	vld.idx.msk [tilespmem:v56+s10+$0x0], $0xffff;
	[tilespmem:s24+$0x70] =	vst v2;
	v2 =	vor.u32 s18, v21  }
0x436: {  	v4 =	vld.idx.msk [tilespmem:v4+s10+$0x0], $0xffff;
	[tilespmem:s26+$0x70] =	vst v3;
	v3 =	vor.u32 s22, v21  }
0x437: {  	[tilespmem:s30+$0x70] =	vst v5;
	v5 =	vor.u32 s23, v21;
	v9 =	vld.idx.msk [tilespmem:v57+s10+$0x0], $0xffff  }
0x438: {  	v6 =	vld.idx.msk [tilespmem:v6+s10+$0x0], $0xffff;
	[tilespmem:s15+$0xF0] =	vst v0;
	v0 =	vor.u32 s25, v21  }
0x439: {  	v7 =	vor.u32 s29, v21;
	[tilespmem:s17+$0xF0] =	vst v1;
	v1 =	vld.idx.msk [tilespmem:v59+s10+$0x0], $0xffff  }
0x43a: {  	v60 =	vor.u32 s16, v22;
	[tilespmem:s21+$0xF0] =	vst v11;
	v2 =	vld.idx.msk [tilespmem:v2+s10+$0x0], $0xffff  }
0x43b: {  	[tilespmem:s24+$0xF0] =	vst v4;
	v4 =	vor.u32 s18, v22;
	v3 =	vld.idx.msk [tilespmem:v3+s10+$0x0], $0xffff  }
0x43c: {  	v61 =	vor.u32 s22, v22;
	v5 =	vld.idx.msk [tilespmem:v5+s10+$0x0], $0xffff;
	[tilespmem:s26+$0xF0] =	vst v9  }
0x43d: {  	[tilespmem:s30+$0xF0] =	vst v6;
	v6 =	vor.u32 s23, v22;
	v0 =	vld.idx.msk [tilespmem:v0+s10+$0x0], $0xffff  }
0x43e: {  	v7 =	vld.idx.msk [tilespmem:v7+s10+$0x0], $0xffff;
	[tilespmem:s15+$0x170] =	vst v1;
	v1 =	vor.u32 s25, v22  }
0x43f: {  	v62 =	vor.u32 s29, v22;
	[tilespmem:s17+$0x170] =	vst v2;
	v2 =	vld.idx.msk [tilespmem:v60+s10+$0x0], $0xffff  }
0x440: {  	[tilespmem:s21+$0x170] =	vst v3;
	v3 =	vld.idx.msk [tilespmem:v4+s10+$0x0], $0xffff  }
0x441: {  	[tilespmem:s24+$0x170] =	vst v5;
	v4 =	vld.idx.msk [tilespmem:v61+s10+$0x0], $0xffff  }
0x442: {  	[tilespmem:s26+$0x170] =	vst v0;
	v0 =	vld.idx.msk [tilespmem:v6+s10+$0x0], $0xffff  }
0x443: {  	[tilespmem:s30+$0x170] =	vst v7;
	v1 =	vld.idx.msk [tilespmem:v1+s10+$0x0], $0xffff  }
0x444: {  	[tilespmem:s15+$0x1F0] =	vst v2;
	v2 =	vld.idx.msk [tilespmem:v62+s10+$0x0], $0xffff  }
0x445: {  	[tilespmem:s17+$0x1F0] =	vst v3  }
0x446: {  	[tilespmem:s21+$0x1F0] =	vst v4  }
0x447: {  	[tilespmem:s24+$0x1F0] =	vst v0  }
0x448: {  	[tilespmem:s26+$0x1F0] =	vst v1  }
0x449: {  	[tilespmem:s30+$0x1F0] =	vst v2  }
0x44a: {  	[hbm4b:s5+s11] =	stream.strided.scatter [tilespmem:s13], [sflag:$0x2], $0xC800, s12, s11, $0x38;
	[tilespmem:$0x1C500] =	vst v63  }
0x44b: {  	_ =	swait.ge [sflag:s7], $0xC800  }
0x44c: {  	v3 =	vld [tilespmem:$0x1FD50]  }
0x44d: {  	v24 =	vld [tilespmem:$0x1FD60]  }
0x44e: {  	v20 =	vld [tilespmem:$0x1FD70]  }
0x44f: {  	v21 =	vld [tilespmem:$0x1FD80]  }
0x450: {  	v22 =	vld [tilespmem:$0x1FD90]  }
0x451: {  	s14 =	sadd.s32 $0x1, s14;
	v23 =	vld [tilespmem:$0x1FDA0]  }
0x452: {  	p0 =	sne.s32 s14, s6;
	v4 =	vld [tilespmem:$0x1FF70]  }
.Ltmp4:
0x453: {  	v56 =	vld [tilespmem:$0x1FF80];
	(pc) =	sbr.rel @p0 .LBB2_1-.Ltmp4, $4  }
0x454: {  	v62 =	vld [tilespmem:$0x1FF90]  }
0x455: {  	v59 =	vld [tilespmem:$0x1FFA0]  }
0x456: {  	v31 =	vmovc v50;
	v50 =	vmovc v43;
	v43 =	vmov v34;
	v33 =	vmov v51;
	v51 =	vmov v46;
	[sflag:s7] =	ssyncset.done $0x0;
	v30 =	vld [tilespmem:$0x1FDB0]  }
0x457: {  	v52 =	vmovc v45;
	v48 =	vmovc v29;
	v5 =	vmov v54;
	v54 =	vmov v37;
	v37 =	vmov v42;
	v47 =	vld [tilespmem:$0x1FDC0];
	[sflag:s7] =	ssyncadd.s32 $0xFFFF3800  }
0x458: {  	_ =	sfence.sel $0x180000  }
0x459: {  	[bflag:$0x0] =	sbarrier.arrive $0xFFFF  }
0x45a: {  	p0 =	sne.s32 s0, $0x0;
	_ =	strace $0x90000047  }
0x45b: {  	s0 =	sadd.s32 @!p0 $0x100000, s1;
	[bflag:$0x2] =	sbarrier.arrive $0xFFFF  }
0x45c: {  	[sflag:s0] =	ssyncadd.tile.s32 @!p0 $0x1;
	_ =	shalt  }
.Lfunc_end2:
_tile_overlayer_lowered:
.L_overlay_start_2:
0x45d: {  	(tag) =	ssettag $0x2  }
0x45e: {  	s0 =	rddreg [dreg:$0x0];
	s2 =	stileid.u32  }
0x45f: {  	s1 =	rddreg [dreg:$0x1];
	p0 =	sne.s32 s2, $0x0  }
0x460: {  	s3 =	rddreg [dreg:$0x2];
	[bflag:$0x3] =	sbarrier.arrive $0xFFFF;
	s2 =	simm.s32 @!p0 $0x1C02  }
0x461: {  	[timem:s3], [sflag:s2] =	dma.local @!p0 [hbm:s0], s1  }
0x462: {  	s0 =	simm.s32 @!p0 $0x2  }
0x463: {  	_ =	swait.ge @!p0 [sflag:s0], s1  }
0x464: {  	s1 =	ssub.s32 @!p0 $0x0, s1;
	[sflag:s0] =	ssyncset.done @!p0 $0x0  }
0x465: {  	[sflag:s0] =	ssyncadd.s32 @!p0 s1  }
0x466: {  	[bflag:$0x3] =	sbarrier.arrive $0xFFFF  }
0x467: {  	_ =	shalt  }

</sc_bundles>
